<compile_context>
chip_gen: v7x
topology: tpu7x:2x2x1
jax: 0.10.2.dev20260603
libtpu: 0.0.44.dev20260713+nightly
codegen_flags: <defaults>
</compile_context>

<pallas_src>
import functools

import jax
import jax.numpy as jnp
from jax import lax
from jax.experimental import pallas as pl
from jax.experimental.pallas import tpu as pltpu
from jax.experimental.pallas import tpu_sc as plsc

_EMBED = 32
_NC = 2
_NS = 16
_NW = _NC * _NS

_B_TOTAL = 4096 * 50
_B_PER_W = _B_TOTAL // _NW
_CHUNK = 1600
_NCHUNK = _B_PER_W // _CHUNK

_VOCAB = 1000000
_TW = 768
_TMAIN = 999936
_TBLK = _TMAIN // _TW
_TAIL = _VOCAB - _TMAIN


def _transpose_body(tT_hbm, tlin_hbm, b0, b1, o0, o1, si0, si1, so0, so1):
    wid = lax.axis_index("s") * _NC + lax.axis_index("c")
    lanes = lax.broadcasted_iota(jnp.int32, (16,), 0)
    k2 = lanes * _EMBED

    def fire_in(slot, buf, sem):
        blk = slot * _NW + wid

        @pl.when(blk < _TBLK)
        def _():
            pltpu.async_copy(
                tT_hbm.at[:, pl.ds(blk * _TW, _TW)],
                buf.at[:, pl.ds(0, _TW)], sem,
            )

    def wait_in(slot, buf, sem):
        blk = slot * _NW + wid

        @pl.when(blk < _TBLK)
        def _():
            pltpu.make_async_copy(
                tT_hbm.at[:, pl.ds(0, _TW)], buf.at[:, pl.ds(0, _TW)], sem
            ).wait()

    def fire_out(slot, out, sem):
        blk = slot * _NW + wid

        @pl.when(blk < _TBLK)
        def _():
            pltpu.async_copy(
                out.at[pl.ds(0, _TW * _EMBED)],
                tlin_hbm.at[pl.ds(blk * (_TW * _EMBED), _TW * _EMBED)],
                sem,
            )

    def drain_out(slot, out, sem):
        blk = slot * _NW + wid

        @pl.when(blk < _TBLK)
        def _():
            pltpu.make_async_copy(
                out.at[pl.ds(0, _TW * _EMBED)],
                tlin_hbm.at[pl.ds(0, _TW * _EMBED)], sem
            ).wait()

    def shuffle(slot, buf, out):
        blk = slot * _NW + wid

        @pl.when(blk < _TBLK)
        def _():
            def g_body(g, _):
                base = out.at[pl.ds(g * (16 * _EMBED), 16 * _EMBED)]
                for h in range(2):
                    cs = range(h * 16, h * 16 + 16)
                    vs = [buf[c, pl.ds(g * 16, 16)] for c in cs]
                    for j, c in enumerate(cs):
                        plsc.store_scatter(base, [k2 + c], vs[j])
                return 0

            lax.fori_loop(0, _TW // 16, g_body, 0)

    fire_in(0, b0, si0)
    fire_in(1, b1, si1)

    def pair_body(bp, _):
        i0 = 2 * bp
        i1 = 2 * bp + 1
        wait_in(i0, b0, si0)

        @pl.when(bp > 0)
        def _():
            drain_out(i0 - 2, o0, so0)

        shuffle(i0, b0, o0)
        fire_out(i0, o0, so0)
        fire_in(i0 + 2, b0, si0)

        wait_in(i1, b1, si1)

        @pl.when(bp > 0)
        def _():
            drain_out(i1 - 2, o1, so1)

        shuffle(i1, b1, o1)
        fire_out(i1, o1, so1)
        fire_in(i1 + 2, b1, si1)
        return 0

    lax.fori_loop(0, 21, pair_body, 0)
    drain_out(42, o0, so0)
    drain_out(43, o1, so1)


def _emb_body(idx_hbm, table_hbm, tail_hbm, out_hbm, idx_v, idx2_v, rows_v,
              tail_v, sem):
    wid = lax.axis_index("s") * _NC + lax.axis_index("c")
    lanes = lax.broadcasted_iota(jnp.int32, (16,), 0)
    base = wid * _B_PER_W
    pltpu.sync_copy(idx_hbm.at[pl.ds(base, _B_PER_W)], idx_v)
    pltpu.sync_copy(tail_hbm, tail_v)

    def clamp_body(g, _):
        v = idx_v[pl.ds(g * 16, 16)]
        idx2_v[pl.ds(g * 16, 16)] = jnp.minimum(v, _TMAIN - 1)
        return 0

    lax.fori_loop(0, _B_PER_W // 16, clamp_body, 0)

    for c in range(_NCHUNK):
        off = c * _CHUNK
        pltpu.async_copy(
            table_hbm.at[idx2_v.at[pl.ds(off, _CHUNK)]], rows_v, sem
        ).wait()

        def fix_body(g, _):
            v = idx_v[pl.ds(off + g * 16, 16)]
            m = v >= _TMAIN
            cnt = plsc.all_reduce_population_count(m)

            @pl.when(cnt[0] > 0)
            def _():
                vt = jnp.maximum(v - _TMAIN, 0)
                row = lanes + g * 16
                for e in range(_EMBED):
                    col = jnp.full((16,), e, jnp.int32)
                    vals = plsc.load_gather(tail_v, [vt, col], mask=m)
                    plsc.store_scatter(rows_v, [row, col], vals, mask=m)
            return 0

        lax.fori_loop(0, _CHUNK // 16, fix_body, 0)
        pltpu.sync_copy(rows_v, out_hbm.at[pl.ds(base + off, _CHUNK)])


@jax.jit
def kernel(tokens_inputs, table):
    idx = tokens_inputs.reshape(-1)
    tail = table[_TMAIN:]
    mesh = plsc.VectorSubcoreMesh(core_axis_name="c", subcore_axis_name="s")

    transpose_fn = functools.partial(
        pl.kernel,
        out_type=jax.ShapeDtypeStruct((_TMAIN * _EMBED,), jnp.float32),
        mesh=mesh,
        scratch_types=[
            pltpu.VMEM((_EMBED, _TW), jnp.float32),
            pltpu.VMEM((_EMBED, _TW), jnp.float32),
            pltpu.VMEM((_TW * _EMBED + 32,), jnp.float32),
            pltpu.VMEM((_TW * _EMBED + 32,), jnp.float32),
            pltpu.SemaphoreType.DMA,
            pltpu.SemaphoreType.DMA,
            pltpu.SemaphoreType.DMA,
            pltpu.SemaphoreType.DMA,
        ],
        compiler_params=pltpu.CompilerParams(needs_layout_passes=False),
    )(_transpose_body)

    tlin = transpose_fn(table.T)
    table2d = tlin.reshape(_TMAIN, _EMBED)

    gather_fn = functools.partial(
        pl.kernel,
        out_type=jax.ShapeDtypeStruct((_B_TOTAL, _EMBED), jnp.float32),
        mesh=mesh,
        scratch_types=[
            pltpu.VMEM((_B_PER_W,), jnp.int32),
            pltpu.VMEM((_B_PER_W,), jnp.int32),
            pltpu.VMEM((_CHUNK, _EMBED), jnp.float32),
            pltpu.VMEM((_TAIL, _EMBED), jnp.float32),
            pltpu.SemaphoreType.DMA,
        ],
        compiler_params=pltpu.CompilerParams(
            use_tc_tiling_on_sc=False, needs_layout_passes=False
        ),
    )(_emb_body)
    out = gather_fn(idx, table2d, tail)
    outb = lax.optimization_barrier(out.reshape(51200, 128))
    return outb.reshape(4096, 50, _EMBED)

# --- scband reference (transcript-rebuilt; emitter-appended) ---
"""Pipeline reference for scband-base-embedding-87376814670615 (READ-ONLY COPY).

The authoritative reference and input builder live on the scoring server;
editing this copy changes nothing except your own understanding.
"""

import jax, jax.numpy as jnp
import numpy as np

VOCAB = 1000000
EMBED = 32

def setup_inputs(seed: int = 0) -> dict:
    key = jax.random.key(seed)
    k1, k2 = jax.random.split(key)
    tokens_inputs = jax.random.randint(k1, (4096, 50), 0, VOCAB, dtype=jnp.int64 if jax.config.jax_enable_x64 else jnp.int32)
    table = jax.random.normal(k2, (VOCAB, EMBED), dtype=jnp.float32)
    return {"tokens_inputs": tokens_inputs, "table": table}

def reference(tokens_inputs, table):
    # nn.Embedding forward: gather rows of the table by index
    return jnp.take(table, tokens_inputs, axis=0)

if __name__ == "__main__":
    import jax
    _d = setup_inputs()
    print(jax.jit(kernel)(*tuple(_d.values())))

</pallas_src>

<mosaic_0001>
#map = affine_map<(d0, d1) -> (0, 0)>
#map1 = affine_map<(d0, d1) -> (0)>
module attributes {stable_mosaic.version = 14 : i64} {
  func.func @_transpose_body(%arg0: i32, %arg1: i32, %arg2: memref<32x1000000xf32, #tpu.memory_space<hbm>>, %arg3: memref<31997952xf32, #tpu.memory_space<hbm>>, %arg4: memref<32x768xf32, #tpu.memory_space<vmem>>, %arg5: memref<32x768xf32, #tpu.memory_space<vmem>>, %arg6: memref<24608xf32, #tpu.memory_space<vmem>>, %arg7: memref<24608xf32, #tpu.memory_space<vmem>>, %arg8: memref<!tpu.dma_semaphore, #tpu.memory_space<semaphore_mem>>, %arg9: memref<!tpu.dma_semaphore, #tpu.memory_space<semaphore_mem>>, %arg10: memref<!tpu.dma_semaphore, #tpu.memory_space<semaphore_mem>>, %arg11: memref<!tpu.dma_semaphore, #tpu.memory_space<semaphore_mem>>) attributes {dimension_semantics = [#tpu.dimension_semantics<core_parallel>, #tpu.dimension_semantics<subcore_parallel>], iteration_bounds = array<i64: 2, 16>, scalar_prefetch = 0 : i64, scratch_operands = 8 : i64, tpu.core_type = #tpu.core_type<sc_vector_subcore>, window_params = [{transform_indices = #map}, {transform_indices = #map1}]} {
    %mul3A = arith.constant 2 : i32
    %mul3A_0 = arith.muli %arg1, %mul3A : i32
    %add3A = arith.addi %mul3A_0, %arg0 : i32
    %iota3A = tpu.iota {dimensions = array<i32: 0>} : vector<16xi32>
    %mul3A_1 = arith.constant 32 : i32
    %mul3A_2 = vector.broadcast %mul3A_1 : i32 to vector<16xi32>
    %mul3A_3 = arith.muli %iota3A, %mul3A_2 : vector<16xi32>
    %add3A_4 = arith.constant 0 : i32
    %add3A_5 = arith.addi %add3A_4, %add3A : i32
    %lt3A = arith.constant 1302 : i32
    %lt3A_6 = arith.cmpi slt, %add3A_5, %lt3A : i32
    %convert_element_type3A = arith.extui %lt3A_6 : i1 to i32
    %cond3A = arith.constant 0 : i32
    %cond3A_7 = arith.cmpi ne, %convert_element_type3A, %cond3A : i32
    scf.if %cond3A_7 {
      %mul3A_35 = arith.constant 768 : i32
      %mul3A_36 = arith.muli %add3A_5, %mul3A_35 : i32
      %dma_start3A = arith.constant 0 : i32
      %dma_start3A_37 = arith.constant 0 : i32
      %dma_start3A_38 = tpu.memref_slice %arg4[%dma_start3A, %dma_start3A_37] : memref<32x768xf32, #tpu.memory_space<vmem>> -> memref<32x768xf32, #tpu.memory_space<vmem>>
      %dma_start3A_39 = arith.constant 0 : i32
      %dma_start3A_40 = tpu.memref_slice %arg2[%dma_start3A_39, %mul3A_36] : memref<32x1000000xf32, #tpu.memory_space<hbm>> -> memref<32x768xf32, #tpu.memory_space<hbm>>
      %dma_start3A_41 = arith.constant 0 : i32
      %dma_start3A_42 = arith.constant 0 : i32
      %dma_start3A_43 = tpu.memref_slice %arg4[%dma_start3A_41, %dma_start3A_42] : memref<32x768xf32, #tpu.memory_space<vmem>> -> memref<32x768xf32, #tpu.memory_space<vmem>>
      %dma_start3A_44 = arith.constant 0 : i32
      %dma_start3A_45 = tpu.memref_slice %arg2[%dma_start3A_44, %mul3A_36] : memref<32x1000000xf32, #tpu.memory_space<hbm>> -> memref<32x768xf32, #tpu.memory_space<hbm>>
      tpu.enqueue_dma source(%dma_start3A_45 : memref<32x768xf32, #tpu.memory_space<hbm>>) target(%dma_start3A_43 : memref<32x768xf32, #tpu.memory_space<vmem>>) target_semaphore(%arg8 : memref<!tpu.dma_semaphore, #tpu.memory_space<semaphore_mem>>)
    } else {
    }
    %add3A_8 = arith.constant 32 : i32
    %add3A_9 = arith.addi %add3A_8, %add3A : i32
    %lt3A_10 = arith.constant 1302 : i32
    %lt3A_11 = arith.cmpi slt, %add3A_9, %lt3A_10 : i32
    %convert_element_type3A_12 = arith.extui %lt3A_11 : i1 to i32
    %cond3A_13 = arith.constant 0 : i32
    %cond3A_14 = arith.cmpi ne, %convert_element_type3A_12, %cond3A_13 : i32
    scf.if %cond3A_14 {
      %mul3A_35 = arith.constant 768 : i32
      %mul3A_36 = arith.muli %add3A_9, %mul3A_35 : i32
      %dma_start3A = arith.constant 0 : i32
      %dma_start3A_37 = arith.constant 0 : i32
      %dma_start3A_38 = tpu.memref_slice %arg5[%dma_start3A, %dma_start3A_37] : memref<32x768xf32, #tpu.memory_space<vmem>> -> memref<32x768xf32, #tpu.memory_space<vmem>>
      %dma_start3A_39 = arith.constant 0 : i32
      %dma_start3A_40 = tpu.memref_slice %arg2[%dma_start3A_39, %mul3A_36] : memref<32x1000000xf32, #tpu.memory_space<hbm>> -> memref<32x768xf32, #tpu.memory_space<hbm>>
      %dma_start3A_41 = arith.constant 0 : i32
      %dma_start3A_42 = arith.constant 0 : i32
      %dma_start3A_43 = tpu.memref_slice %arg5[%dma_start3A_41, %dma_start3A_42] : memref<32x768xf32, #tpu.memory_space<vmem>> -> memref<32x768xf32, #tpu.memory_space<vmem>>
      %dma_start3A_44 = arith.constant 0 : i32
      %dma_start3A_45 = tpu.memref_slice %arg2[%dma_start3A_44, %mul3A_36] : memref<32x1000000xf32, #tpu.memory_space<hbm>> -> memref<32x768xf32, #tpu.memory_space<hbm>>
      tpu.enqueue_dma source(%dma_start3A_45 : memref<32x768xf32, #tpu.memory_space<hbm>>) target(%dma_start3A_43 : memref<32x768xf32, #tpu.memory_space<vmem>>) target_semaphore(%arg9 : memref<!tpu.dma_semaphore, #tpu.memory_space<semaphore_mem>>)
    } else {
    }
    %scan3A = arith.constant 0 : i32
    %scan3A_15 = arith.constant 0 : i32
    %scan3A_16 = arith.constant 21 : i32
    %scan3A_17 = arith.addi %scan3A_15, %scan3A_16 : i32
    %scan3A_18 = arith.constant 1 : i32
    %scan3A_19 = scf.for %scan3A_35 = %scan3A_15 to %scan3A_17 step %scan3A_18 iter_args(%scan3A_36 = %scan3A) -> (i32)  : i32 {
      %mul3A_37 = arith.constant 2 : i32
      %mul3A_38 = arith.muli %mul3A_37, %scan3A_35 : i32
      %mul3A_39 = arith.constant 2 : i32
      %mul3A_40 = arith.muli %mul3A_39, %scan3A_35 : i32
      %add3A_41 = arith.constant 1 : i32
      %add3A_42 = arith.addi %mul3A_40, %add3A_41 : i32
      %mul3A_43 = arith.constant 32 : i32
      %mul3A_44 = arith.muli %mul3A_38, %mul3A_43 : i32
      %add3A_45 = arith.addi %mul3A_44, %add3A : i32
      %lt3A_46 = arith.constant 1302 : i32
      %lt3A_47 = arith.cmpi slt, %add3A_45, %lt3A_46 : i32
      %convert_element_type3A_48 = arith.extui %lt3A_47 : i1 to i32
      %cond3A_49 = arith.constant 0 : i32
      %cond3A_50 = arith.cmpi ne, %convert_element_type3A_48, %cond3A_49 : i32
      scf.if %cond3A_50 {
        %dma_wait3A = arith.constant 0 : i32
        %dma_wait3A_121 = arith.constant 0 : i32
        %dma_wait3A_122 = tpu.memref_slice %arg4[%dma_wait3A, %dma_wait3A_121] : memref<32x768xf32, #tpu.memory_space<vmem>> -> memref<32x768xf32, #tpu.memory_space<vmem>>
        %dma_wait3A_123 = arith.constant 0 : i32
        %dma_wait3A_124 = arith.constant 0 : i32
        %dma_wait3A_125 = tpu.memref_slice %arg2[%dma_wait3A_123, %dma_wait3A_124] : memref<32x1000000xf32, #tpu.memory_space<hbm>> -> memref<32x768xf32, #tpu.memory_space<hbm>>
        %dma_wait3A_126 = arith.constant 0 : i32
        %dma_wait3A_127 = arith.constant 0 : i32
        %dma_wait3A_128 = tpu.memref_slice %arg4[%dma_wait3A_126, %dma_wait3A_127] : memref<32x768xf32, #tpu.memory_space<vmem>> -> memref<32x768xf32, #tpu.memory_space<vmem>>
        %dma_wait3A_129 = arith.constant 0 : i32
        %dma_wait3A_130 = arith.constant 0 : i32
        %dma_wait3A_131 = tpu.memref_slice %arg2[%dma_wait3A_129, %dma_wait3A_130] : memref<32x1000000xf32, #tpu.memory_space<hbm>> -> memref<32x768xf32, #tpu.memory_space<hbm>>
        tpu.wait_dma2 semaphore(%arg8 : memref<!tpu.dma_semaphore, #tpu.memory_space<semaphore_mem>>) src(%dma_wait3A_131 : memref<32x768xf32, #tpu.memory_space<hbm>>) dst(%dma_wait3A_128 : memref<32x768xf32, #tpu.memory_space<vmem>>)
      } else {
      }
      %gt3A = arith.constant 0 : i32
      %gt3A_51 = arith.cmpi sgt, %scan3A_35, %gt3A : i32
      %convert_element_type3A_52 = arith.extui %gt3A_51 : i1 to i32
      %cond3A_53 = arith.constant 0 : i32
      %cond3A_54 = arith.cmpi ne, %convert_element_type3A_52, %cond3A_53 : i32
      scf.if %cond3A_54 {
        %sub3A = arith.constant 2 : i32
        %sub3A_121 = arith.subi %mul3A_38, %sub3A : i32
        %mul3A_122 = arith.constant 32 : i32
        %mul3A_123 = arith.muli %sub3A_121, %mul3A_122 : i32
        %add3A_124 = arith.addi %mul3A_123, %add3A : i32
        %lt3A_125 = arith.constant 1302 : i32
        %lt3A_126 = arith.cmpi slt, %add3A_124, %lt3A_125 : i32
        %convert_element_type3A_127 = arith.extui %lt3A_126 : i1 to i32
        %cond3A_128 = arith.constant 0 : i32
        %cond3A_129 = arith.cmpi ne, %convert_element_type3A_127, %cond3A_128 : i32
        scf.if %cond3A_129 {
          %dma_wait3A = arith.constant 0 : i32
          %dma_wait3A_130 = tpu.memref_slice %arg6[%dma_wait3A] : memref<24608xf32, #tpu.memory_space<vmem>> -> memref<24576xf32, #tpu.memory_space<vmem>>
          %dma_wait3A_131 = arith.constant 0 : i32
          %dma_wait3A_132 = tpu.memref_slice %arg3[%dma_wait3A_131] : memref<31997952xf32, #tpu.memory_space<hbm>> -> memref<24576xf32, #tpu.memory_space<hbm>>
          %dma_wait3A_133 = arith.constant 0 : i32
          %dma_wait3A_134 = tpu.memref_slice %arg3[%dma_wait3A_133] : memref<31997952xf32, #tpu.memory_space<hbm>> -> memref<24576xf32, #tpu.memory_space<hbm>>
          %dma_wait3A_135 = arith.constant 0 : i32
          %dma_wait3A_136 = tpu.memref_slice %arg6[%dma_wait3A_135] : memref<24608xf32, #tpu.memory_space<vmem>> -> memref<24576xf32, #tpu.memory_space<vmem>>
          tpu.wait_dma2 semaphore(%arg10 : memref<!tpu.dma_semaphore, #tpu.memory_space<semaphore_mem>>) src(%dma_wait3A_136 : memref<24576xf32, #tpu.memory_space<vmem>>) dst(%dma_wait3A_134 : memref<24576xf32, #tpu.memory_space<hbm>>)
        } else {
        }
      } else {
      }
      %mul3A_55 = arith.constant 32 : i32
      %mul3A_56 = arith.muli %mul3A_38, %mul3A_55 : i32
      %add3A_57 = arith.addi %mul3A_56, %add3A : i32
      %lt3A_58 = arith.constant 1302 : i32
      %lt3A_59 = arith.cmpi slt, %add3A_57, %lt3A_58 : i32
      %convert_element_type3A_60 = arith.extui %lt3A_59 : i1 to i32
      %cond3A_61 = arith.constant 0 : i32
      %cond3A_62 = arith.cmpi ne, %convert_element_type3A_60, %cond3A_61 : i32
      scf.if %cond3A_62 {
        %scan3A_121 = arith.constant 0 : i32
        %scan3A_122 = arith.constant 0 : i32
        %scan3A_123 = arith.constant 48 : i32
        %scan3A_124 = arith.addi %scan3A_122, %scan3A_123 : i32
        %scan3A_125 = arith.constant 1 : i32
        %scan3A_126 = scf.for %scan3A_128 = %scan3A_122 to %scan3A_124 step %scan3A_125 iter_args(%scan3A_129 = %scan3A_121) -> (i32)  : i32 {
          %mul3A_130 = arith.constant 512 : i32
          %mul3A_131 = arith.muli %scan3A_128, %mul3A_130 : i32
          %mul3A_132 = arith.constant 16 : i32
          %mul3A_133 = arith.muli %scan3A_128, %mul3A_132 : i32
          %get3A = arith.constant 0 : i32
          %get3A_134 = arith.index_cast %get3A : i32 to index
          %get3A_135 = arith.index_cast %mul3A_133 : i32 to index
          %get3A_136 = tpu.vector_load %arg4[%get3A_134, %get3A_135] {strides = array<i32>} : memref<32x768xf32, #tpu.memory_space<vmem>>, vector<16xf32>,
          %mul3A_137 = arith.constant 16 : i32
          %mul3A_138 = arith.muli %scan3A_128, %mul3A_137 : i32
          %get3A_139 = arith.constant 1 : i32
          %get3A_140 = arith.index_cast %get3A_139 : i32 to index
          %get3A_141 = arith.index_cast %mul3A_138 : i32 to index
          %get3A_142 = tpu.vector_load %arg4[%get3A_140, %get3A_141] {strides = array<i32>} : memref<32x768xf32, #tpu.memory_space<vmem>>, vector<16xf32>,
          %mul3A_143 = arith.constant 16 : i32
          %mul3A_144 = arith.muli %scan3A_128, %mul3A_143 : i32
          %get3A_145 = arith.constant 2 : i32
          %get3A_146 = arith.index_cast %get3A_145 : i32 to index
          %get3A_147 = arith.index_cast %mul3A_144 : i32 to index
          %get3A_148 = tpu.vector_load %arg4[%get3A_146, %get3A_147] {strides = array<i32>} : memref<32x768xf32, #tpu.memory_space<vmem>>, vector<16xf32>,
          %mul3A_149 = arith.constant 16 : i32
          %mul3A_150 = arith.muli %scan3A_128, %mul3A_149 : i32
          %get3A_151 = arith.constant 3 : i32
          %get3A_152 = arith.index_cast %get3A_151 : i32 to index
          %get3A_153 = arith.index_cast %mul3A_150 : i32 to index
          %get3A_154 = tpu.vector_load %arg4[%get3A_152, %get3A_153] {strides = array<i32>} : memref<32x768xf32, #tpu.memory_space<vmem>>, vector<16xf32>,
          %mul3A_155 = arith.constant 16 : i32
          %mul3A_156 = arith.muli %scan3A_128, %mul3A_155 : i32
          %get3A_157 = arith.constant 4 : i32
          %get3A_158 = arith.index_cast %get3A_157 : i32 to index
          %get3A_159 = arith.index_cast %mul3A_156 : i32 to index
          %get3A_160 = tpu.vector_load %arg4[%get3A_158, %get3A_159] {strides = array<i32>} : memref<32x768xf32, #tpu.memory_space<vmem>>, vector<16xf32>,
          %mul3A_161 = arith.constant 16 : i32
          %mul3A_162 = arith.muli %scan3A_128, %mul3A_161 : i32
          %get3A_163 = arith.constant 5 : i32
          %get3A_164 = arith.index_cast %get3A_163 : i32 to index
          %get3A_165 = arith.index_cast %mul3A_162 : i32 to index
          %get3A_166 = tpu.vector_load %arg4[%get3A_164, %get3A_165] {strides = array<i32>} : memref<32x768xf32, #tpu.memory_space<vmem>>, vector<16xf32>,
          %mul3A_167 = arith.constant 16 : i32
          %mul3A_168 = arith.muli %scan3A_128, %mul3A_167 : i32
          %get3A_169 = arith.constant 6 : i32
          %get3A_170 = arith.index_cast %get3A_169 : i32 to index
          %get3A_171 = arith.index_cast %mul3A_168 : i32 to index
          %get3A_172 = tpu.vector_load %arg4[%get3A_170, %get3A_171] {strides = array<i32>} : memref<32x768xf32, #tpu.memory_space<vmem>>, vector<16xf32>,
          %mul3A_173 = arith.constant 16 : i32
          %mul3A_174 = arith.muli %scan3A_128, %mul3A_173 : i32
          %get3A_175 = arith.constant 7 : i32
          %get3A_176 = arith.index_cast %get3A_175 : i32 to index
          %get3A_177 = arith.index_cast %mul3A_174 : i32 to index
          %get3A_178 = tpu.vector_load %arg4[%get3A_176, %get3A_177] {strides = array<i32>} : memref<32x768xf32, #tpu.memory_space<vmem>>, vector<16xf32>,
          %mul3A_179 = arith.constant 16 : i32
          %mul3A_180 = arith.muli %scan3A_128, %mul3A_179 : i32
          %get3A_181 = arith.constant 8 : i32
          %get3A_182 = arith.index_cast %get3A_181 : i32 to index
          %get3A_183 = arith.index_cast %mul3A_180 : i32 to index
          %get3A_184 = tpu.vector_load %arg4[%get3A_182, %get3A_183] {strides = array<i32>} : memref<32x768xf32, #tpu.memory_space<vmem>>, vector<16xf32>,
          %mul3A_185 = arith.constant 16 : i32
          %mul3A_186 = arith.muli %scan3A_128, %mul3A_185 : i32
          %get3A_187 = arith.constant 9 : i32
          %get3A_188 = arith.index_cast %get3A_187 : i32 to index
          %get3A_189 = arith.index_cast %mul3A_186 : i32 to index
          %get3A_190 = tpu.vector_load %arg4[%get3A_188, %get3A_189] {strides = array<i32>} : memref<32x768xf32, #tpu.memory_space<vmem>>, vector<16xf32>,
          %mul3A_191 = arith.constant 16 : i32
          %mul3A_192 = arith.muli %scan3A_128, %mul3A_191 : i32
          %get3A_193 = arith.constant 10 : i32
          %get3A_194 = arith.index_cast %get3A_193 : i32 to index
          %get3A_195 = arith.index_cast %mul3A_192 : i32 to index
          %get3A_196 = tpu.vector_load %arg4[%get3A_194, %get3A_195] {strides = array<i32>} : memref<32x768xf32, #tpu.memory_space<vmem>>, vector<16xf32>,
          %mul3A_197 = arith.constant 16 : i32
          %mul3A_198 = arith.muli %scan3A_128, %mul3A_197 : i32
          %get3A_199 = arith.constant 11 : i32
          %get3A_200 = arith.index_cast %get3A_199 : i32 to index
          %get3A_201 = arith.index_cast %mul3A_198 : i32 to index
          %get3A_202 = tpu.vector_load %arg4[%get3A_200, %get3A_201] {strides = array<i32>} : memref<32x768xf32, #tpu.memory_space<vmem>>, vector<16xf32>,
          %mul3A_203 = arith.constant 16 : i32
          %mul3A_204 = arith.muli %scan3A_128, %mul3A_203 : i32
          %get3A_205 = arith.constant 12 : i32
          %get3A_206 = arith.index_cast %get3A_205 : i32 to index
          %get3A_207 = arith.index_cast %mul3A_204 : i32 to index
          %get3A_208 = tpu.vector_load %arg4[%get3A_206, %get3A_207] {strides = array<i32>} : memref<32x768xf32, #tpu.memory_space<vmem>>, vector<16xf32>,
          %mul3A_209 = arith.constant 16 : i32
          %mul3A_210 = arith.muli %scan3A_128, %mul3A_209 : i32
          %get3A_211 = arith.constant 13 : i32
          %get3A_212 = arith.index_cast %get3A_211 : i32 to index
          %get3A_213 = arith.index_cast %mul3A_210 : i32 to index
          %get3A_214 = tpu.vector_load %arg4[%get3A_212, %get3A_213] {strides = array<i32>} : memref<32x768xf32, #tpu.memory_space<vmem>>, vector<16xf32>,
          %mul3A_215 = arith.constant 16 : i32
          %mul3A_216 = arith.muli %scan3A_128, %mul3A_215 : i32
          %get3A_217 = arith.constant 14 : i32
          %get3A_218 = arith.index_cast %get3A_217 : i32 to index
          %get3A_219 = arith.index_cast %mul3A_216 : i32 to index
          %get3A_220 = tpu.vector_load %arg4[%get3A_218, %get3A_219] {strides = array<i32>} : memref<32x768xf32, #tpu.memory_space<vmem>>, vector<16xf32>,
          %mul3A_221 = arith.constant 16 : i32
          %mul3A_222 = arith.muli %scan3A_128, %mul3A_221 : i32
          %get3A_223 = arith.constant 15 : i32
          %get3A_224 = arith.index_cast %get3A_223 : i32 to index
          %get3A_225 = arith.index_cast %mul3A_222 : i32 to index
          %get3A_226 = tpu.vector_load %arg4[%get3A_224, %get3A_225] {strides = array<i32>} : memref<32x768xf32, #tpu.memory_space<vmem>>, vector<16xf32>,
          %add3A_227 = arith.constant 0 : i32
          %add3A_228 = vector.broadcast %add3A_227 : i32 to vector<16xi32>
          %add3A_229 = arith.addi %mul3A_3, %add3A_228 : vector<16xi32>
          %scatter3A = tpu.memref_slice %arg6[%mul3A_131] : memref<24608xf32, #tpu.memory_space<vmem>> -> memref<512xf32, #tpu.memory_space<vmem>>
          tpu.vector_store_idx %scatter3A[%add3A_229], %get3A_136 : memref<512xf32, #tpu.memory_space<vmem>>[vector<16xi32>], vector<16xf32>,
          %add3A_230 = arith.constant 1 : i32
          %add3A_231 = vector.broadcast %add3A_230 : i32 to vector<16xi32>
          %add3A_232 = arith.addi %mul3A_3, %add3A_231 : vector<16xi32>
          %scatter3A_233 = tpu.memref_slice %arg6[%mul3A_131] : memref<24608xf32, #tpu.memory_space<vmem>> -> memref<512xf32, #tpu.memory_space<vmem>>
          tpu.vector_store_idx %scatter3A_233[%add3A_232], %get3A_142 : memref<512xf32, #tpu.memory_space<vmem>>[vector<16xi32>], vector<16xf32>,
          %add3A_234 = arith.constant 2 : i32
          %add3A_235 = vector.broadcast %add3A_234 : i32 to vector<16xi32>
          %add3A_236 = arith.addi %mul3A_3, %add3A_235 : vector<16xi32>
          %scatter3A_237 = tpu.memref_slice %arg6[%mul3A_131] : memref<24608xf32, #tpu.memory_space<vmem>> -> memref<512xf32, #tpu.memory_space<vmem>>
          tpu.vector_store_idx %scatter3A_237[%add3A_236], %get3A_148 : memref<512xf32, #tpu.memory_space<vmem>>[vector<16xi32>], vector<16xf32>,
          %add3A_238 = arith.constant 3 : i32
          %add3A_239 = vector.broadcast %add3A_238 : i32 to vector<16xi32>
          %add3A_240 = arith.addi %mul3A_3, %add3A_239 : vector<16xi32>
          %scatter3A_241 = tpu.memref_slice %arg6[%mul3A_131] : memref<24608xf32, #tpu.memory_space<vmem>> -> memref<512xf32, #tpu.memory_space<vmem>>
          tpu.vector_store_idx %scatter3A_241[%add3A_240], %get3A_154 : memref<512xf32, #tpu.memory_space<vmem>>[vector<16xi32>], vector<16xf32>,
          %add3A_242 = arith.constant 4 : i32
          %add3A_243 = vector.broadcast %add3A_242 : i32 to vector<16xi32>
          %add3A_244 = arith.addi %mul3A_3, %add3A_243 : vector<16xi32>
          %scatter3A_245 = tpu.memref_slice %arg6[%mul3A_131] : memref<24608xf32, #tpu.memory_space<vmem>> -> memref<512xf32, #tpu.memory_space<vmem>>
          tpu.vector_store_idx %scatter3A_245[%add3A_244], %get3A_160 : memref<512xf32, #tpu.memory_space<vmem>>[vector<16xi32>], vector<16xf32>,
          %add3A_246 = arith.constant 5 : i32
          %add3A_247 = vector.broadcast %add3A_246 : i32 to vector<16xi32>
          %add3A_248 = arith.addi %mul3A_3, %add3A_247 : vector<16xi32>
          %scatter3A_249 = tpu.memref_slice %arg6[%mul3A_131] : memref<24608xf32, #tpu.memory_space<vmem>> -> memref<512xf32, #tpu.memory_space<vmem>>
          tpu.vector_store_idx %scatter3A_249[%add3A_248], %get3A_166 : memref<512xf32, #tpu.memory_space<vmem>>[vector<16xi32>], vector<16xf32>,
          %add3A_250 = arith.constant 6 : i32
          %add3A_251 = vector.broadcast %add3A_250 : i32 to vector<16xi32>
          %add3A_252 = arith.addi %mul3A_3, %add3A_251 : vector<16xi32>
          %scatter3A_253 = tpu.memref_slice %arg6[%mul3A_131] : memref<24608xf32, #tpu.memory_space<vmem>> -> memref<512xf32, #tpu.memory_space<vmem>>
          tpu.vector_store_idx %scatter3A_253[%add3A_252], %get3A_172 : memref<512xf32, #tpu.memory_space<vmem>>[vector<16xi32>], vector<16xf32>,
          %add3A_254 = arith.constant 7 : i32
          %add3A_255 = vector.broadcast %add3A_254 : i32 to vector<16xi32>
          %add3A_256 = arith.addi %mul3A_3, %add3A_255 : vector<16xi32>
          %scatter3A_257 = tpu.memref_slice %arg6[%mul3A_131] : memref<24608xf32, #tpu.memory_space<vmem>> -> memref<512xf32, #tpu.memory_space<vmem>>
          tpu.vector_store_idx %scatter3A_257[%add3A_256], %get3A_178 : memref<512xf32, #tpu.memory_space<vmem>>[vector<16xi32>], vector<16xf32>,
          %add3A_258 = arith.constant 8 : i32
          %add3A_259 = vector.broadcast %add3A_258 : i32 to vector<16xi32>
          %add3A_260 = arith.addi %mul3A_3, %add3A_259 : vector<16xi32>
          %scatter3A_261 = tpu.memref_slice %arg6[%mul3A_131] : memref<24608xf32, #tpu.memory_space<vmem>> -> memref<512xf32, #tpu.memory_space<vmem>>
          tpu.vector_store_idx %scatter3A_261[%add3A_260], %get3A_184 : memref<512xf32, #tpu.memory_space<vmem>>[vector<16xi32>], vector<16xf32>,
          %add3A_262 = arith.constant 9 : i32
          %add3A_263 = vector.broadcast %add3A_262 : i32 to vector<16xi32>
          %add3A_264 = arith.addi %mul3A_3, %add3A_263 : vector<16xi32>
          %scatter3A_265 = tpu.memref_slice %arg6[%mul3A_131] : memref<24608xf32, #tpu.memory_space<vmem>> -> memref<512xf32, #tpu.memory_space<vmem>>
          tpu.vector_store_idx %scatter3A_265[%add3A_264], %get3A_190 : memref<512xf32, #tpu.memory_space<vmem>>[vector<16xi32>], vector<16xf32>,
          %add3A_266 = arith.constant 10 : i32
          %add3A_267 = vector.broadcast %add3A_266 : i32 to vector<16xi32>
          %add3A_268 = arith.addi %mul3A_3, %add3A_267 : vector<16xi32>
          %scatter3A_269 = tpu.memref_slice %arg6[%mul3A_131] : memref<24608xf32, #tpu.memory_space<vmem>> -> memref<512xf32, #tpu.memory_space<vmem>>
          tpu.vector_store_idx %scatter3A_269[%add3A_268], %get3A_196 : memref<512xf32, #tpu.memory_space<vmem>>[vector<16xi32>], vector<16xf32>,
          %add3A_270 = arith.constant 11 : i32
          %add3A_271 = vector.broadcast %add3A_270 : i32 to vector<16xi32>
          %add3A_272 = arith.addi %mul3A_3, %add3A_271 : vector<16xi32>
          %scatter3A_273 = tpu.memref_slice %arg6[%mul3A_131] : memref<24608xf32, #tpu.memory_space<vmem>> -> memref<512xf32, #tpu.memory_space<vmem>>
          tpu.vector_store_idx %scatter3A_273[%add3A_272], %get3A_202 : memref<512xf32, #tpu.memory_space<vmem>>[vector<16xi32>], vector<16xf32>,
          %add3A_274 = arith.constant 12 : i32
          %add3A_275 = vector.broadcast %add3A_274 : i32 to vector<16xi32>
          %add3A_276 = arith.addi %mul3A_3, %add3A_275 : vector<16xi32>
          %scatter3A_277 = tpu.memref_slice %arg6[%mul3A_131] : memref<24608xf32, #tpu.memory_space<vmem>> -> memref<512xf32, #tpu.memory_space<vmem>>
          tpu.vector_store_idx %scatter3A_277[%add3A_276], %get3A_208 : memref<512xf32, #tpu.memory_space<vmem>>[vector<16xi32>], vector<16xf32>,
          %add3A_278 = arith.constant 13 : i32
          %add3A_279 = vector.broadcast %add3A_278 : i32 to vector<16xi32>
          %add3A_280 = arith.addi %mul3A_3, %add3A_279 : vector<16xi32>
          %scatter3A_281 = tpu.memref_slice %arg6[%mul3A_131] : memref<24608xf32, #tpu.memory_space<vmem>> -> memref<512xf32, #tpu.memory_space<vmem>>
          tpu.vector_store_idx %scatter3A_281[%add3A_280], %get3A_214 : memref<512xf32, #tpu.memory_space<vmem>>[vector<16xi32>], vector<16xf32>,
          %add3A_282 = arith.constant 14 : i32
          %add3A_283 = vector.broadcast %add3A_282 : i32 to vector<16xi32>
          %add3A_284 = arith.addi %mul3A_3, %add3A_283 : vector<16xi32>
          %scatter3A_285 = tpu.memref_slice %arg6[%mul3A_131] : memref<24608xf32, #tpu.memory_space<vmem>> -> memref<512xf32, #tpu.memory_space<vmem>>
          tpu.vector_store_idx %scatter3A_285[%add3A_284], %get3A_220 : memref<512xf32, #tpu.memory_space<vmem>>[vector<16xi32>], vector<16xf32>,
          %add3A_286 = arith.constant 15 : i32
          %add3A_287 = vector.broadcast %add3A_286 : i32 to vector<16xi32>
          %add3A_288 = arith.addi %mul3A_3, %add3A_287 : vector<16xi32>
          %scatter3A_289 = tpu.memref_slice %arg6[%mul3A_131] : memref<24608xf32, #tpu.memory_space<vmem>> -> memref<512xf32, #tpu.memory_space<vmem>>
          tpu.vector_store_idx %scatter3A_289[%add3A_288], %get3A_226 : memref<512xf32, #tpu.memory_space<vmem>>[vector<16xi32>], vector<16xf32>,
          %mul3A_290 = arith.constant 16 : i32
          %mul3A_291 = arith.muli %scan3A_128, %mul3A_290 : i32
          %get3A_292 = arith.constant 16 : i32
          %get3A_293 = arith.index_cast %get3A_292 : i32 to index
          %get3A_294 = arith.index_cast %mul3A_291 : i32 to index
          %get3A_295 = tpu.vector_load %arg4[%get3A_293, %get3A_294] {strides = array<i32>} : memref<32x768xf32, #tpu.memory_space<vmem>>, vector<16xf32>,
          %mul3A_296 = arith.constant 16 : i32
          %mul3A_297 = arith.muli %scan3A_128, %mul3A_296 : i32
          %get3A_298 = arith.constant 17 : i32
          %get3A_299 = arith.index_cast %get3A_298 : i32 to index
          %get3A_300 = arith.index_cast %mul3A_297 : i32 to index
          %get3A_301 = tpu.vector_load %arg4[%get3A_299, %get3A_300] {strides = array<i32>} : memref<32x768xf32, #tpu.memory_space<vmem>>, vector<16xf32>,
          %mul3A_302 = arith.constant 16 : i32
          %mul3A_303 = arith.muli %scan3A_128, %mul3A_302 : i32
          %get3A_304 = arith.constant 18 : i32
          %get3A_305 = arith.index_cast %get3A_304 : i32 to index
          %get3A_306 = arith.index_cast %mul3A_303 : i32 to index
          %get3A_307 = tpu.vector_load %arg4[%get3A_305, %get3A_306] {strides = array<i32>} : memref<32x768xf32, #tpu.memory_space<vmem>>, vector<16xf32>,
          %mul3A_308 = arith.constant 16 : i32
          %mul3A_309 = arith.muli %scan3A_128, %mul3A_308 : i32
          %get3A_310 = arith.constant 19 : i32
          %get3A_311 = arith.index_cast %get3A_310 : i32 to index
          %get3A_312 = arith.index_cast %mul3A_309 : i32 to index
          %get3A_313 = tpu.vector_load %arg4[%get3A_311, %get3A_312] {strides = array<i32>} : memref<32x768xf32, #tpu.memory_space<vmem>>, vector<16xf32>,
          %mul3A_314 = arith.constant 16 : i32
          %mul3A_315 = arith.muli %scan3A_128, %mul3A_314 : i32
          %get3A_316 = arith.constant 20 : i32
          %get3A_317 = arith.index_cast %get3A_316 : i32 to index
          %get3A_318 = arith.index_cast %mul3A_315 : i32 to index
          %get3A_319 = tpu.vector_load %arg4[%get3A_317, %get3A_318] {strides = array<i32>} : memref<32x768xf32, #tpu.memory_space<vmem>>, vector<16xf32>,
          %mul3A_320 = arith.constant 16 : i32
          %mul3A_321 = arith.muli %scan3A_128, %mul3A_320 : i32
          %get3A_322 = arith.constant 21 : i32
          %get3A_323 = arith.index_cast %get3A_322 : i32 to index
          %get3A_324 = arith.index_cast %mul3A_321 : i32 to index
          %get3A_325 = tpu.vector_load %arg4[%get3A_323, %get3A_324] {strides = array<i32>} : memref<32x768xf32, #tpu.memory_space<vmem>>, vector<16xf32>,
          %mul3A_326 = arith.constant 16 : i32
          %mul3A_327 = arith.muli %scan3A_128, %mul3A_326 : i32
          %get3A_328 = arith.constant 22 : i32
          %get3A_329 = arith.index_cast %get3A_328 : i32 to index
          %get3A_330 = arith.index_cast %mul3A_327 : i32 to index
          %get3A_331 = tpu.vector_load %arg4[%get3A_329, %get3A_330] {strides = array<i32>} : memref<32x768xf32, #tpu.memory_space<vmem>>, vector<16xf32>,
          %mul3A_332 = arith.constant 16 : i32
          %mul3A_333 = arith.muli %scan3A_128, %mul3A_332 : i32
          %get3A_334 = arith.constant 23 : i32
          %get3A_335 = arith.index_cast %get3A_334 : i32 to index
          %get3A_336 = arith.index_cast %mul3A_333 : i32 to index
          %get3A_337 = tpu.vector_load %arg4[%get3A_335, %get3A_336] {strides = array<i32>} : memref<32x768xf32, #tpu.memory_space<vmem>>, vector<16xf32>,
          %mul3A_338 = arith.constant 16 : i32
          %mul3A_339 = arith.muli %scan3A_128, %mul3A_338 : i32
          %get3A_340 = arith.constant 24 : i32
          %get3A_341 = arith.index_cast %get3A_340 : i32 to index
          %get3A_342 = arith.index_cast %mul3A_339 : i32 to index
          %get3A_343 = tpu.vector_load %arg4[%get3A_341, %get3A_342] {strides = array<i32>} : memref<32x768xf32, #tpu.memory_space<vmem>>, vector<16xf32>,
          %mul3A_344 = arith.constant 16 : i32
          %mul3A_345 = arith.muli %scan3A_128, %mul3A_344 : i32
          %get3A_346 = arith.constant 25 : i32
          %get3A_347 = arith.index_cast %get3A_346 : i32 to index
          %get3A_348 = arith.index_cast %mul3A_345 : i32 to index
          %get3A_349 = tpu.vector_load %arg4[%get3A_347, %get3A_348] {strides = array<i32>} : memref<32x768xf32, #tpu.memory_space<vmem>>, vector<16xf32>,
          %mul3A_350 = arith.constant 16 : i32
          %mul3A_351 = arith.muli %scan3A_128, %mul3A_350 : i32
          %get3A_352 = arith.constant 26 : i32
          %get3A_353 = arith.index_cast %get3A_352 : i32 to index
          %get3A_354 = arith.index_cast %mul3A_351 : i32 to index
          %get3A_355 = tpu.vector_load %arg4[%get3A_353, %get3A_354] {strides = array<i32>} : memref<32x768xf32, #tpu.memory_space<vmem>>, vector<16xf32>,
          %mul3A_356 = arith.constant 16 : i32
          %mul3A_357 = arith.muli %scan3A_128, %mul3A_356 : i32
          %get3A_358 = arith.constant 27 : i32
          %get3A_359 = arith.index_cast %get3A_358 : i32 to index
          %get3A_360 = arith.index_cast %mul3A_357 : i32 to index
          %get3A_361 = tpu.vector_load %arg4[%get3A_359, %get3A_360] {strides = array<i32>} : memref<32x768xf32, #tpu.memory_space<vmem>>, vector<16xf32>,
          %mul3A_362 = arith.constant 16 : i32
          %mul3A_363 = arith.muli %scan3A_128, %mul3A_362 : i32
          %get3A_364 = arith.constant 28 : i32
          %get3A_365 = arith.index_cast %get3A_364 : i32 to index
          %get3A_366 = arith.index_cast %mul3A_363 : i32 to index
          %get3A_367 = tpu.vector_load %arg4[%get3A_365, %get3A_366] {strides = array<i32>} : memref<32x768xf32, #tpu.memory_space<vmem>>, vector<16xf32>,
          %mul3A_368 = arith.constant 16 : i32
          %mul3A_369 = arith.muli %scan3A_128, %mul3A_368 : i32
          %get3A_370 = arith.constant 29 : i32
          %get3A_371 = arith.index_cast %get3A_370 : i32 to index
          %get3A_372 = arith.index_cast %mul3A_369 : i32 to index
          %get3A_373 = tpu.vector_load %arg4[%get3A_371, %get3A_372] {strides = array<i32>} : memref<32x768xf32, #tpu.memory_space<vmem>>, vector<16xf32>,
          %mul3A_374 = arith.constant 16 : i32
          %mul3A_375 = arith.muli %scan3A_128, %mul3A_374 : i32
          %get3A_376 = arith.constant 30 : i32
          %get3A_377 = arith.index_cast %get3A_376 : i32 to index
          %get3A_378 = arith.index_cast %mul3A_375 : i32 to index
          %get3A_379 = tpu.vector_load %arg4[%get3A_377, %get3A_378] {strides = array<i32>} : memref<32x768xf32, #tpu.memory_space<vmem>>, vector<16xf32>,
          %mul3A_380 = arith.constant 16 : i32
          %mul3A_381 = arith.muli %scan3A_128, %mul3A_380 : i32
          %get3A_382 = arith.constant 31 : i32
          %get3A_383 = arith.index_cast %get3A_382 : i32 to index
          %get3A_384 = arith.index_cast %mul3A_381 : i32 to index
          %get3A_385 = tpu.vector_load %arg4[%get3A_383, %get3A_384] {strides = array<i32>} : memref<32x768xf32, #tpu.memory_space<vmem>>, vector<16xf32>,
          %add3A_386 = arith.constant 16 : i32
          %add3A_387 = vector.broadcast %add3A_386 : i32 to vector<16xi32>
          %add3A_388 = arith.addi %mul3A_3, %add3A_387 : vector<16xi32>
          %scatter3A_389 = tpu.memref_slice %arg6[%mul3A_131] : memref<24608xf32, #tpu.memory_space<vmem>> -> memref<512xf32, #tpu.memory_space<vmem>>
          tpu.vector_store_idx %scatter3A_389[%add3A_388], %get3A_295 : memref<512xf32, #tpu.memory_space<vmem>>[vector<16xi32>], vector<16xf32>,
          %add3A_390 = arith.constant 17 : i32
          %add3A_391 = vector.broadcast %add3A_390 : i32 to vector<16xi32>
          %add3A_392 = arith.addi %mul3A_3, %add3A_391 : vector<16xi32>
          %scatter3A_393 = tpu.memref_slice %arg6[%mul3A_131] : memref<24608xf32, #tpu.memory_space<vmem>> -> memref<512xf32, #tpu.memory_space<vmem>>
          tpu.vector_store_idx %scatter3A_393[%add3A_392], %get3A_301 : memref<512xf32, #tpu.memory_space<vmem>>[vector<16xi32>], vector<16xf32>,
          %add3A_394 = arith.constant 18 : i32
          %add3A_395 = vector.broadcast %add3A_394 : i32 to vector<16xi32>
          %add3A_396 = arith.addi %mul3A_3, %add3A_395 : vector<16xi32>
          %scatter3A_397 = tpu.memref_slice %arg6[%mul3A_131] : memref<24608xf32, #tpu.memory_space<vmem>> -> memref<512xf32, #tpu.memory_space<vmem>>
          tpu.vector_store_idx %scatter3A_397[%add3A_396], %get3A_307 : memref<512xf32, #tpu.memory_space<vmem>>[vector<16xi32>], vector<16xf32>,
          %add3A_398 = arith.constant 19 : i32
          %add3A_399 = vector.broadcast %add3A_398 : i32 to vector<16xi32>
          %add3A_400 = arith.addi %mul3A_3, %add3A_399 : vector<16xi32>
          %scatter3A_401 = tpu.memref_slice %arg6[%mul3A_131] : memref<24608xf32, #tpu.memory_space<vmem>> -> memref<512xf32, #tpu.memory_space<vmem>>
          tpu.vector_store_idx %scatter3A_401[%add3A_400], %get3A_313 : memref<512xf32, #tpu.memory_space<vmem>>[vector<16xi32>], vector<16xf32>,
          %add3A_402 = arith.constant 20 : i32
          %add3A_403 = vector.broadcast %add3A_402 : i32 to vector<16xi32>
          %add3A_404 = arith.addi %mul3A_3, %add3A_403 : vector<16xi32>
          %scatter3A_405 = tpu.memref_slice %arg6[%mul3A_131] : memref<24608xf32, #tpu.memory_space<vmem>> -> memref<512xf32, #tpu.memory_space<vmem>>
          tpu.vector_store_idx %scatter3A_405[%add3A_404], %get3A_319 : memref<512xf32, #tpu.memory_space<vmem>>[vector<16xi32>], vector<16xf32>,
          %add3A_406 = arith.constant 21 : i32
          %add3A_407 = vector.broadcast %add3A_406 : i32 to vector<16xi32>
          %add3A_408 = arith.addi %mul3A_3, %add3A_407 : vector<16xi32>
          %scatter3A_409 = tpu.memref_slice %arg6[%mul3A_131] : memref<24608xf32, #tpu.memory_space<vmem>> -> memref<512xf32, #tpu.memory_space<vmem>>
          tpu.vector_store_idx %scatter3A_409[%add3A_408], %get3A_325 : memref<512xf32, #tpu.memory_space<vmem>>[vector<16xi32>], vector<16xf32>,
          %add3A_410 = arith.constant 22 : i32
          %add3A_411 = vector.broadcast %add3A_410 : i32 to vector<16xi32>
          %add3A_412 = arith.addi %mul3A_3, %add3A_411 : vector<16xi32>
          %scatter3A_413 = tpu.memref_slice %arg6[%mul3A_131] : memref<24608xf32, #tpu.memory_space<vmem>> -> memref<512xf32, #tpu.memory_space<vmem>>
          tpu.vector_store_idx %scatter3A_413[%add3A_412], %get3A_331 : memref<512xf32, #tpu.memory_space<vmem>>[vector<16xi32>], vector<16xf32>,
          %add3A_414 = arith.constant 23 : i32
          %add3A_415 = vector.broadcast %add3A_414 : i32 to vector<16xi32>
          %add3A_416 = arith.addi %mul3A_3, %add3A_415 : vector<16xi32>
          %scatter3A_417 = tpu.memref_slice %arg6[%mul3A_131] : memref<24608xf32, #tpu.memory_space<vmem>> -> memref<512xf32, #tpu.memory_space<vmem>>
          tpu.vector_store_idx %scatter3A_417[%add3A_416], %get3A_337 : memref<512xf32, #tpu.memory_space<vmem>>[vector<16xi32>], vector<16xf32>,
          %add3A_418 = arith.constant 24 : i32
          %add3A_419 = vector.broadcast %add3A_418 : i32 to vector<16xi32>
          %add3A_420 = arith.addi %mul3A_3, %add3A_419 : vector<16xi32>
          %scatter3A_421 = tpu.memref_slice %arg6[%mul3A_131] : memref<24608xf32, #tpu.memory_space<vmem>> -> memref<512xf32, #tpu.memory_space<vmem>>
          tpu.vector_store_idx %scatter3A_421[%add3A_420], %get3A_343 : memref<512xf32, #tpu.memory_space<vmem>>[vector<16xi32>], vector<16xf32>,
          %add3A_422 = arith.constant 25 : i32
          %add3A_423 = vector.broadcast %add3A_422 : i32 to vector<16xi32>
          %add3A_424 = arith.addi %mul3A_3, %add3A_423 : vector<16xi32>
          %scatter3A_425 = tpu.memref_slice %arg6[%mul3A_131] : memref<24608xf32, #tpu.memory_space<vmem>> -> memref<512xf32, #tpu.memory_space<vmem>>
          tpu.vector_store_idx %scatter3A_425[%add3A_424], %get3A_349 : memref<512xf32, #tpu.memory_space<vmem>>[vector<16xi32>], vector<16xf32>,
          %add3A_426 = arith.constant 26 : i32
          %add3A_427 = vector.broadcast %add3A_426 : i32 to vector<16xi32>
          %add3A_428 = arith.addi %mul3A_3, %add3A_427 : vector<16xi32>
          %scatter3A_429 = tpu.memref_slice %arg6[%mul3A_131] : memref<24608xf32, #tpu.memory_space<vmem>> -> memref<512xf32, #tpu.memory_space<vmem>>
          tpu.vector_store_idx %scatter3A_429[%add3A_428], %get3A_355 : memref<512xf32, #tpu.memory_space<vmem>>[vector<16xi32>], vector<16xf32>,
          %add3A_430 = arith.constant 27 : i32
          %add3A_431 = vector.broadcast %add3A_430 : i32 to vector<16xi32>
          %add3A_432 = arith.addi %mul3A_3, %add3A_431 : vector<16xi32>
          %scatter3A_433 = tpu.memref_slice %arg6[%mul3A_131] : memref<24608xf32, #tpu.memory_space<vmem>> -> memref<512xf32, #tpu.memory_space<vmem>>
          tpu.vector_store_idx %scatter3A_433[%add3A_432], %get3A_361 : memref<512xf32, #tpu.memory_space<vmem>>[vector<16xi32>], vector<16xf32>,
          %add3A_434 = arith.constant 28 : i32
          %add3A_435 = vector.broadcast %add3A_434 : i32 to vector<16xi32>
          %add3A_436 = arith.addi %mul3A_3, %add3A_435 : vector<16xi32>
          %scatter3A_437 = tpu.memref_slice %arg6[%mul3A_131] : memref<24608xf32, #tpu.memory_space<vmem>> -> memref<512xf32, #tpu.memory_space<vmem>>
          tpu.vector_store_idx %scatter3A_437[%add3A_436], %get3A_367 : memref<512xf32, #tpu.memory_space<vmem>>[vector<16xi32>], vector<16xf32>,
          %add3A_438 = arith.constant 29 : i32
          %add3A_439 = vector.broadcast %add3A_438 : i32 to vector<16xi32>
          %add3A_440 = arith.addi %mul3A_3, %add3A_439 : vector<16xi32>
          %scatter3A_441 = tpu.memref_slice %arg6[%mul3A_131] : memref<24608xf32, #tpu.memory_space<vmem>> -> memref<512xf32, #tpu.memory_space<vmem>>
          tpu.vector_store_idx %scatter3A_441[%add3A_440], %get3A_373 : memref<512xf32, #tpu.memory_space<vmem>>[vector<16xi32>], vector<16xf32>,
          %add3A_442 = arith.constant 30 : i32
          %add3A_443 = vector.broadcast %add3A_442 : i32 to vector<16xi32>
          %add3A_444 = arith.addi %mul3A_3, %add3A_443 : vector<16xi32>
          %scatter3A_445 = tpu.memref_slice %arg6[%mul3A_131] : memref<24608xf32, #tpu.memory_space<vmem>> -> memref<512xf32, #tpu.memory_space<vmem>>
          tpu.vector_store_idx %scatter3A_445[%add3A_444], %get3A_379 : memref<512xf32, #tpu.memory_space<vmem>>[vector<16xi32>], vector<16xf32>,
          %add3A_446 = arith.constant 31 : i32
          %add3A_447 = vector.broadcast %add3A_446 : i32 to vector<16xi32>
          %add3A_448 = arith.addi %mul3A_3, %add3A_447 : vector<16xi32>
          %scatter3A_449 = tpu.memref_slice %arg6[%mul3A_131] : memref<24608xf32, #tpu.memory_space<vmem>> -> memref<512xf32, #tpu.memory_space<vmem>>
          tpu.vector_store_idx %scatter3A_449[%add3A_448], %get3A_385 : memref<512xf32, #tpu.memory_space<vmem>>[vector<16xi32>], vector<16xf32>,
          %scan3A_450 = arith.constant 0 : i32
          scf.yield %scan3A_450 : i32
        }
        %scan3A_127 = arith.constant 48 : i32
      } else {
      }
      %mul3A_63 = arith.constant 32 : i32
      %mul3A_64 = arith.muli %mul3A_38, %mul3A_63 : i32
      %add3A_65 = arith.addi %mul3A_64, %add3A : i32
      %lt3A_66 = arith.constant 1302 : i32
      %lt3A_67 = arith.cmpi slt, %add3A_65, %lt3A_66 : i32
      %convert_element_type3A_68 = arith.extui %lt3A_67 : i1 to i32
      %cond3A_69 = arith.constant 0 : i32
      %cond3A_70 = arith.cmpi ne, %convert_element_type3A_68, %cond3A_69 : i32
      scf.if %cond3A_70 {
        %mul3A_121 = arith.constant 24576 : i32
        %mul3A_122 = arith.muli %add3A_65, %mul3A_121 : i32
        %dma_start3A = arith.constant 0 : i32
        %dma_start3A_123 = tpu.memref_slice %arg6[%dma_start3A] : memref<24608xf32, #tpu.memory_space<vmem>> -> memref<24576xf32, #tpu.memory_space<vmem>>
        %dma_start3A_124 = tpu.memref_slice %arg3[%mul3A_122] : memref<31997952xf32, #tpu.memory_space<hbm>> -> memref<24576xf32, #tpu.memory_space<hbm>>
        %dma_start3A_125 = tpu.memref_slice %arg3[%mul3A_122] : memref<31997952xf32, #tpu.memory_space<hbm>> -> memref<24576xf32, #tpu.memory_space<hbm>>
        %dma_start3A_126 = arith.constant 0 : i32
        %dma_start3A_127 = tpu.memref_slice %arg6[%dma_start3A_126] : memref<24608xf32, #tpu.memory_space<vmem>> -> memref<24576xf32, #tpu.memory_space<vmem>>
        tpu.enqueue_dma source(%dma_start3A_127 : memref<24576xf32, #tpu.memory_space<vmem>>) target(%dma_start3A_125 : memref<24576xf32, #tpu.memory_space<hbm>>) target_semaphore(%arg10 : memref<!tpu.dma_semaphore, #tpu.memory_space<semaphore_mem>>)
      } else {
      }
      %add3A_71 = arith.constant 2 : i32
      %add3A_72 = arith.addi %mul3A_38, %add3A_71 : i32
      %mul3A_73 = arith.constant 32 : i32
      %mul3A_74 = arith.muli %add3A_72, %mul3A_73 : i32
      %add3A_75 = arith.addi %mul3A_74, %add3A : i32
      %lt3A_76 = arith.constant 1302 : i32
      %lt3A_77 = arith.cmpi slt, %add3A_75, %lt3A_76 : i32
      %convert_element_type3A_78 = arith.extui %lt3A_77 : i1 to i32
      %cond3A_79 = arith.constant 0 : i32
      %cond3A_80 = arith.cmpi ne, %convert_element_type3A_78, %cond3A_79 : i32
      scf.if %cond3A_80 {
        %mul3A_121 = arith.constant 768 : i32
        %mul3A_122 = arith.muli %add3A_75, %mul3A_121 : i32
        %dma_start3A = arith.constant 0 : i32
        %dma_start3A_123 = arith.constant 0 : i32
        %dma_start3A_124 = tpu.memref_slice %arg4[%dma_start3A, %dma_start3A_123] : memref<32x768xf32, #tpu.memory_space<vmem>> -> memref<32x768xf32, #tpu.memory_space<vmem>>
        %dma_start3A_125 = arith.constant 0 : i32
        %dma_start3A_126 = tpu.memref_slice %arg2[%dma_start3A_125, %mul3A_122] : memref<32x1000000xf32, #tpu.memory_space<hbm>> -> memref<32x768xf32, #tpu.memory_space<hbm>>
        %dma_start3A_127 = arith.constant 0 : i32
        %dma_start3A_128 = arith.constant 0 : i32
        %dma_start3A_129 = tpu.memref_slice %arg4[%dma_start3A_127, %dma_start3A_128] : memref<32x768xf32, #tpu.memory_space<vmem>> -> memref<32x768xf32, #tpu.memory_space<vmem>>
        %dma_start3A_130 = arith.constant 0 : i32
        %dma_start3A_131 = tpu.memref_slice %arg2[%dma_start3A_130, %mul3A_122] : memref<32x1000000xf32, #tpu.memory_space<hbm>> -> memref<32x768xf32, #tpu.memory_space<hbm>>
        tpu.enqueue_dma source(%dma_start3A_131 : memref<32x768xf32, #tpu.memory_space<hbm>>) target(%dma_start3A_129 : memref<32x768xf32, #tpu.memory_space<vmem>>) target_semaphore(%arg8 : memref<!tpu.dma_semaphore, #tpu.memory_space<semaphore_mem>>)
      } else {
      }
      %mul3A_81 = arith.constant 32 : i32
      %mul3A_82 = arith.muli %add3A_42, %mul3A_81 : i32
      %add3A_83 = arith.addi %mul3A_82, %add3A : i32
      %lt3A_84 = arith.constant 1302 : i32
      %lt3A_85 = arith.cmpi slt, %add3A_83, %lt3A_84 : i32
      %convert_element_type3A_86 = arith.extui %lt3A_85 : i1 to i32
      %cond3A_87 = arith.constant 0 : i32
      %cond3A_88 = arith.cmpi ne, %convert_element_type3A_86, %cond3A_87 : i32
      scf.if %cond3A_88 {
        %dma_wait3A = arith.constant 0 : i32
        %dma_wait3A_121 = arith.constant 0 : i32
        %dma_wait3A_122 = tpu.memref_slice %arg5[%dma_wait3A, %dma_wait3A_121] : memref<32x768xf32, #tpu.memory_space<vmem>> -> memref<32x768xf32, #tpu.memory_space<vmem>>
        %dma_wait3A_123 = arith.constant 0 : i32
        %dma_wait3A_124 = arith.constant 0 : i32
        %dma_wait3A_125 = tpu.memref_slice %arg2[%dma_wait3A_123, %dma_wait3A_124] : memref<32x1000000xf32, #tpu.memory_space<hbm>> -> memref<32x768xf32, #tpu.memory_space<hbm>>
        %dma_wait3A_126 = arith.constant 0 : i32
        %dma_wait3A_127 = arith.constant 0 : i32
        %dma_wait3A_128 = tpu.memref_slice %arg5[%dma_wait3A_126, %dma_wait3A_127] : memref<32x768xf32, #tpu.memory_space<vmem>> -> memref<32x768xf32, #tpu.memory_space<vmem>>
        %dma_wait3A_129 = arith.constant 0 : i32
        %dma_wait3A_130 = arith.constant 0 : i32
        %dma_wait3A_131 = tpu.memref_slice %arg2[%dma_wait3A_129, %dma_wait3A_130] : memref<32x1000000xf32, #tpu.memory_space<hbm>> -> memref<32x768xf32, #tpu.memory_space<hbm>>
        tpu.wait_dma2 semaphore(%arg9 : memref<!tpu.dma_semaphore, #tpu.memory_space<semaphore_mem>>) src(%dma_wait3A_131 : memref<32x768xf32, #tpu.memory_space<hbm>>) dst(%dma_wait3A_128 : memref<32x768xf32, #tpu.memory_space<vmem>>)
      } else {
      }
      %gt3A_89 = arith.constant 0 : i32
      %gt3A_90 = arith.cmpi sgt, %scan3A_35, %gt3A_89 : i32
      %convert_element_type3A_91 = arith.extui %gt3A_90 : i1 to i32
      %cond3A_92 = arith.constant 0 : i32
      %cond3A_93 = arith.cmpi ne, %convert_element_type3A_91, %cond3A_92 : i32
      scf.if %cond3A_93 {
        %sub3A = arith.constant 2 : i32
        %sub3A_121 = arith.subi %add3A_42, %sub3A : i32
        %mul3A_122 = arith.constant 32 : i32
        %mul3A_123 = arith.muli %sub3A_121, %mul3A_122 : i32
        %add3A_124 = arith.addi %mul3A_123, %add3A : i32
        %lt3A_125 = arith.constant 1302 : i32
        %lt3A_126 = arith.cmpi slt, %add3A_124, %lt3A_125 : i32
        %convert_element_type3A_127 = arith.extui %lt3A_126 : i1 to i32
        %cond3A_128 = arith.constant 0 : i32
        %cond3A_129 = arith.cmpi ne, %convert_element_type3A_127, %cond3A_128 : i32
        scf.if %cond3A_129 {
          %dma_wait3A = arith.constant 0 : i32
          %dma_wait3A_130 = tpu.memref_slice %arg7[%dma_wait3A] : memref<24608xf32, #tpu.memory_space<vmem>> -> memref<24576xf32, #tpu.memory_space<vmem>>
          %dma_wait3A_131 = arith.constant 0 : i32
          %dma_wait3A_132 = tpu.memref_slice %arg3[%dma_wait3A_131] : memref<31997952xf32, #tpu.memory_space<hbm>> -> memref<24576xf32, #tpu.memory_space<hbm>>
          %dma_wait3A_133 = arith.constant 0 : i32
          %dma_wait3A_134 = tpu.memref_slice %arg3[%dma_wait3A_133] : memref<31997952xf32, #tpu.memory_space<hbm>> -> memref<24576xf32, #tpu.memory_space<hbm>>
          %dma_wait3A_135 = arith.constant 0 : i32
          %dma_wait3A_136 = tpu.memref_slice %arg7[%dma_wait3A_135] : memref<24608xf32, #tpu.memory_space<vmem>> -> memref<24576xf32, #tpu.memory_space<vmem>>
          tpu.wait_dma2 semaphore(%arg11 : memref<!tpu.dma_semaphore, #tpu.memory_space<semaphore_mem>>) src(%dma_wait3A_136 : memref<24576xf32, #tpu.memory_space<vmem>>) dst(%dma_wait3A_134 : memref<24576xf32, #tpu.memory_space<hbm>>)
        } else {
        }
      } else {
      }
      %mul3A_94 = arith.constant 32 : i32
      %mul3A_95 = arith.muli %add3A_42, %mul3A_94 : i32
      %add3A_96 = arith.addi %mul3A_95, %add3A : i32
      %lt3A_97 = arith.constant 1302 : i32
      %lt3A_98 = arith.cmpi slt, %add3A_96, %lt3A_97 : i32
      %convert_element_type3A_99 = arith.extui %lt3A_98 : i1 to i32
      %cond3A_100 = arith.constant 0 : i32
      %cond3A_101 = arith.cmpi ne, %convert_element_type3A_99, %cond3A_100 : i32
      scf.if %cond3A_101 {
        %scan3A_121 = arith.constant 0 : i32
        %scan3A_122 = arith.constant 0 : i32
        %scan3A_123 = arith.constant 48 : i32
        %scan3A_124 = arith.addi %scan3A_122, %scan3A_123 : i32
        %scan3A_125 = arith.constant 1 : i32
        %scan3A_126 = scf.for %scan3A_128 = %scan3A_122 to %scan3A_124 step %scan3A_125 iter_args(%scan3A_129 = %scan3A_121) -> (i32)  : i32 {
          %mul3A_130 = arith.constant 512 : i32
          %mul3A_131 = arith.muli %scan3A_128, %mul3A_130 : i32
          %mul3A_132 = arith.constant 16 : i32
          %mul3A_133 = arith.muli %scan3A_128, %mul3A_132 : i32
          %get3A = arith.constant 0 : i32
          %get3A_134 = arith.index_cast %get3A : i32 to index
          %get3A_135 = arith.index_cast %mul3A_133 : i32 to index
          %get3A_136 = tpu.vector_load %arg5[%get3A_134, %get3A_135] {strides = array<i32>} : memref<32x768xf32, #tpu.memory_space<vmem>>, vector<16xf32>,
          %mul3A_137 = arith.constant 16 : i32
          %mul3A_138 = arith.muli %scan3A_128, %mul3A_137 : i32
          %get3A_139 = arith.constant 1 : i32
          %get3A_140 = arith.index_cast %get3A_139 : i32 to index
          %get3A_141 = arith.index_cast %mul3A_138 : i32 to index
          %get3A_142 = tpu.vector_load %arg5[%get3A_140, %get3A_141] {strides = array<i32>} : memref<32x768xf32, #tpu.memory_space<vmem>>, vector<16xf32>,
          %mul3A_143 = arith.constant 16 : i32
          %mul3A_144 = arith.muli %scan3A_128, %mul3A_143 : i32
          %get3A_145 = arith.constant 2 : i32
          %get3A_146 = arith.index_cast %get3A_145 : i32 to index
          %get3A_147 = arith.index_cast %mul3A_144 : i32 to index
          %get3A_148 = tpu.vector_load %arg5[%get3A_146, %get3A_147] {strides = array<i32>} : memref<32x768xf32, #tpu.memory_space<vmem>>, vector<16xf32>,
          %mul3A_149 = arith.constant 16 : i32
          %mul3A_150 = arith.muli %scan3A_128, %mul3A_149 : i32
          %get3A_151 = arith.constant 3 : i32
          %get3A_152 = arith.index_cast %get3A_151 : i32 to index
          %get3A_153 = arith.index_cast %mul3A_150 : i32 to index
          %get3A_154 = tpu.vector_load %arg5[%get3A_152, %get3A_153] {strides = array<i32>} : memref<32x768xf32, #tpu.memory_space<vmem>>, vector<16xf32>,
          %mul3A_155 = arith.constant 16 : i32
          %mul3A_156 = arith.muli %scan3A_128, %mul3A_155 : i32
          %get3A_157 = arith.constant 4 : i32
          %get3A_158 = arith.index_cast %get3A_157 : i32 to index
          %get3A_159 = arith.index_cast %mul3A_156 : i32 to index
          %get3A_160 = tpu.vector_load %arg5[%get3A_158, %get3A_159] {strides = array<i32>} : memref<32x768xf32, #tpu.memory_space<vmem>>, vector<16xf32>,
          %mul3A_161 = arith.constant 16 : i32
          %mul3A_162 = arith.muli %scan3A_128, %mul3A_161 : i32
          %get3A_163 = arith.constant 5 : i32
          %get3A_164 = arith.index_cast %get3A_163 : i32 to index
          %get3A_165 = arith.index_cast %mul3A_162 : i32 to index
          %get3A_166 = tpu.vector_load %arg5[%get3A_164, %get3A_165] {strides = array<i32>} : memref<32x768xf32, #tpu.memory_space<vmem>>, vector<16xf32>,
          %mul3A_167 = arith.constant 16 : i32
          %mul3A_168 = arith.muli %scan3A_128, %mul3A_167 : i32
          %get3A_169 = arith.constant 6 : i32
          %get3A_170 = arith.index_cast %get3A_169 : i32 to index
          %get3A_171 = arith.index_cast %mul3A_168 : i32 to index
          %get3A_172 = tpu.vector_load %arg5[%get3A_170, %get3A_171] {strides = array<i32>} : memref<32x768xf32, #tpu.memory_space<vmem>>, vector<16xf32>,
          %mul3A_173 = arith.constant 16 : i32
          %mul3A_174 = arith.muli %scan3A_128, %mul3A_173 : i32
          %get3A_175 = arith.constant 7 : i32
          %get3A_176 = arith.index_cast %get3A_175 : i32 to index
          %get3A_177 = arith.index_cast %mul3A_174 : i32 to index
          %get3A_178 = tpu.vector_load %arg5[%get3A_176, %get3A_177] {strides = array<i32>} : memref<32x768xf32, #tpu.memory_space<vmem>>, vector<16xf32>,
          %mul3A_179 = arith.constant 16 : i32
          %mul3A_180 = arith.muli %scan3A_128, %mul3A_179 : i32
          %get3A_181 = arith.constant 8 : i32
          %get3A_182 = arith.index_cast %get3A_181 : i32 to index
          %get3A_183 = arith.index_cast %mul3A_180 : i32 to index
          %get3A_184 = tpu.vector_load %arg5[%get3A_182, %get3A_183] {strides = array<i32>} : memref<32x768xf32, #tpu.memory_space<vmem>>, vector<16xf32>,
          %mul3A_185 = arith.constant 16 : i32
          %mul3A_186 = arith.muli %scan3A_128, %mul3A_185 : i32
          %get3A_187 = arith.constant 9 : i32
          %get3A_188 = arith.index_cast %get3A_187 : i32 to index
          %get3A_189 = arith.index_cast %mul3A_186 : i32 to index
          %get3A_190 = tpu.vector_load %arg5[%get3A_188, %get3A_189] {strides = array<i32>} : memref<32x768xf32, #tpu.memory_space<vmem>>, vector<16xf32>,
          %mul3A_191 = arith.constant 16 : i32
          %mul3A_192 = arith.muli %scan3A_128, %mul3A_191 : i32
          %get3A_193 = arith.constant 10 : i32
          %get3A_194 = arith.index_cast %get3A_193 : i32 to index
          %get3A_195 = arith.index_cast %mul3A_192 : i32 to index
          %get3A_196 = tpu.vector_load %arg5[%get3A_194, %get3A_195] {strides = array<i32>} : memref<32x768xf32, #tpu.memory_space<vmem>>, vector<16xf32>,
          %mul3A_197 = arith.constant 16 : i32
          %mul3A_198 = arith.muli %scan3A_128, %mul3A_197 : i32
          %get3A_199 = arith.constant 11 : i32
          %get3A_200 = arith.index_cast %get3A_199 : i32 to index
          %get3A_201 = arith.index_cast %mul3A_198 : i32 to index
          %get3A_202 = tpu.vector_load %arg5[%get3A_200, %get3A_201] {strides = array<i32>} : memref<32x768xf32, #tpu.memory_space<vmem>>, vector<16xf32>,
          %mul3A_203 = arith.constant 16 : i32
          %mul3A_204 = arith.muli %scan3A_128, %mul3A_203 : i32
          %get3A_205 = arith.constant 12 : i32
          %get3A_206 = arith.index_cast %get3A_205 : i32 to index
          %get3A_207 = arith.index_cast %mul3A_204 : i32 to index
          %get3A_208 = tpu.vector_load %arg5[%get3A_206, %get3A_207] {strides = array<i32>} : memref<32x768xf32, #tpu.memory_space<vmem>>, vector<16xf32>,
          %mul3A_209 = arith.constant 16 : i32
          %mul3A_210 = arith.muli %scan3A_128, %mul3A_209 : i32
          %get3A_211 = arith.constant 13 : i32
          %get3A_212 = arith.index_cast %get3A_211 : i32 to index
          %get3A_213 = arith.index_cast %mul3A_210 : i32 to index
          %get3A_214 = tpu.vector_load %arg5[%get3A_212, %get3A_213] {strides = array<i32>} : memref<32x768xf32, #tpu.memory_space<vmem>>, vector<16xf32>,
          %mul3A_215 = arith.constant 16 : i32
          %mul3A_216 = arith.muli %scan3A_128, %mul3A_215 : i32
          %get3A_217 = arith.constant 14 : i32
          %get3A_218 = arith.index_cast %get3A_217 : i32 to index
          %get3A_219 = arith.index_cast %mul3A_216 : i32 to index
          %get3A_220 = tpu.vector_load %arg5[%get3A_218, %get3A_219] {strides = array<i32>} : memref<32x768xf32, #tpu.memory_space<vmem>>, vector<16xf32>,
          %mul3A_221 = arith.constant 16 : i32
          %mul3A_222 = arith.muli %scan3A_128, %mul3A_221 : i32
          %get3A_223 = arith.constant 15 : i32
          %get3A_224 = arith.index_cast %get3A_223 : i32 to index
          %get3A_225 = arith.index_cast %mul3A_222 : i32 to index
          %get3A_226 = tpu.vector_load %arg5[%get3A_224, %get3A_225] {strides = array<i32>} : memref<32x768xf32, #tpu.memory_space<vmem>>, vector<16xf32>,
          %add3A_227 = arith.constant 0 : i32
          %add3A_228 = vector.broadcast %add3A_227 : i32 to vector<16xi32>
          %add3A_229 = arith.addi %mul3A_3, %add3A_228 : vector<16xi32>
          %scatter3A = tpu.memref_slice %arg7[%mul3A_131] : memref<24608xf32, #tpu.memory_space<vmem>> -> memref<512xf32, #tpu.memory_space<vmem>>
          tpu.vector_store_idx %scatter3A[%add3A_229], %get3A_136 : memref<512xf32, #tpu.memory_space<vmem>>[vector<16xi32>], vector<16xf32>,
          %add3A_230 = arith.constant 1 : i32
          %add3A_231 = vector.broadcast %add3A_230 : i32 to vector<16xi32>
          %add3A_232 = arith.addi %mul3A_3, %add3A_231 : vector<16xi32>
          %scatter3A_233 = tpu.memref_slice %arg7[%mul3A_131] : memref<24608xf32, #tpu.memory_space<vmem>> -> memref<512xf32, #tpu.memory_space<vmem>>
          tpu.vector_store_idx %scatter3A_233[%add3A_232], %get3A_142 : memref<512xf32, #tpu.memory_space<vmem>>[vector<16xi32>], vector<16xf32>,
          %add3A_234 = arith.constant 2 : i32
          %add3A_235 = vector.broadcast %add3A_234 : i32 to vector<16xi32>
          %add3A_236 = arith.addi %mul3A_3, %add3A_235 : vector<16xi32>
          %scatter3A_237 = tpu.memref_slice %arg7[%mul3A_131] : memref<24608xf32, #tpu.memory_space<vmem>> -> memref<512xf32, #tpu.memory_space<vmem>>
          tpu.vector_store_idx %scatter3A_237[%add3A_236], %get3A_148 : memref<512xf32, #tpu.memory_space<vmem>>[vector<16xi32>], vector<16xf32>,
          %add3A_238 = arith.constant 3 : i32
          %add3A_239 = vector.broadcast %add3A_238 : i32 to vector<16xi32>
          %add3A_240 = arith.addi %mul3A_3, %add3A_239 : vector<16xi32>
          %scatter3A_241 = tpu.memref_slice %arg7[%mul3A_131] : memref<24608xf32, #tpu.memory_space<vmem>> -> memref<512xf32, #tpu.memory_space<vmem>>
          tpu.vector_store_idx %scatter3A_241[%add3A_240], %get3A_154 : memref<512xf32, #tpu.memory_space<vmem>>[vector<16xi32>], vector<16xf32>,
          %add3A_242 = arith.constant 4 : i32
          %add3A_243 = vector.broadcast %add3A_242 : i32 to vector<16xi32>
          %add3A_244 = arith.addi %mul3A_3, %add3A_243 : vector<16xi32>
          %scatter3A_245 = tpu.memref_slice %arg7[%mul3A_131] : memref<24608xf32, #tpu.memory_space<vmem>> -> memref<512xf32, #tpu.memory_space<vmem>>
          tpu.vector_store_idx %scatter3A_245[%add3A_244], %get3A_160 : memref<512xf32, #tpu.memory_space<vmem>>[vector<16xi32>], vector<16xf32>,
          %add3A_246 = arith.constant 5 : i32
          %add3A_247 = vector.broadcast %add3A_246 : i32 to vector<16xi32>
          %add3A_248 = arith.addi %mul3A_3, %add3A_247 : vector<16xi32>
          %scatter3A_249 = tpu.memref_slice %arg7[%mul3A_131] : memref<24608xf32, #tpu.memory_space<vmem>> -> memref<512xf32, #tpu.memory_space<vmem>>
          tpu.vector_store_idx %scatter3A_249[%add3A_248], %get3A_166 : memref<512xf32, #tpu.memory_space<vmem>>[vector<16xi32>], vector<16xf32>,
          %add3A_250 = arith.constant 6 : i32
          %add3A_251 = vector.broadcast %add3A_250 : i32 to vector<16xi32>
          %add3A_252 = arith.addi %mul3A_3, %add3A_251 : vector<16xi32>
          %scatter3A_253 = tpu.memref_slice %arg7[%mul3A_131] : memref<24608xf32, #tpu.memory_space<vmem>> -> memref<512xf32, #tpu.memory_space<vmem>>
          tpu.vector_store_idx %scatter3A_253[%add3A_252], %get3A_172 : memref<512xf32, #tpu.memory_space<vmem>>[vector<16xi32>], vector<16xf32>,
          %add3A_254 = arith.constant 7 : i32
          %add3A_255 = vector.broadcast %add3A_254 : i32 to vector<16xi32>
          %add3A_256 = arith.addi %mul3A_3, %add3A_255 : vector<16xi32>
          %scatter3A_257 = tpu.memref_slice %arg7[%mul3A_131] : memref<24608xf32, #tpu.memory_space<vmem>> -> memref<512xf32, #tpu.memory_space<vmem>>
          tpu.vector_store_idx %scatter3A_257[%add3A_256], %get3A_178 : memref<512xf32, #tpu.memory_space<vmem>>[vector<16xi32>], vector<16xf32>,
          %add3A_258 = arith.constant 8 : i32
          %add3A_259 = vector.broadcast %add3A_258 : i32 to vector<16xi32>
          %add3A_260 = arith.addi %mul3A_3, %add3A_259 : vector<16xi32>
          %scatter3A_261 = tpu.memref_slice %arg7[%mul3A_131] : memref<24608xf32, #tpu.memory_space<vmem>> -> memref<512xf32, #tpu.memory_space<vmem>>
          tpu.vector_store_idx %scatter3A_261[%add3A_260], %get3A_184 : memref<512xf32, #tpu.memory_space<vmem>>[vector<16xi32>], vector<16xf32>,
          %add3A_262 = arith.constant 9 : i32
          %add3A_263 = vector.broadcast %add3A_262 : i32 to vector<16xi32>
          %add3A_264 = arith.addi %mul3A_3, %add3A_263 : vector<16xi32>
          %scatter3A_265 = tpu.memref_slice %arg7[%mul3A_131] : memref<24608xf32, #tpu.memory_space<vmem>> -> memref<512xf32, #tpu.memory_space<vmem>>
          tpu.vector_store_idx %scatter3A_265[%add3A_264], %get3A_190 : memref<512xf32, #tpu.memory_space<vmem>>[vector<16xi32>], vector<16xf32>,
          %add3A_266 = arith.constant 10 : i32
          %add3A_267 = vector.broadcast %add3A_266 : i32 to vector<16xi32>
          %add3A_268 = arith.addi %mul3A_3, %add3A_267 : vector<16xi32>
          %scatter3A_269 = tpu.memref_slice %arg7[%mul3A_131] : memref<24608xf32, #tpu.memory_space<vmem>> -> memref<512xf32, #tpu.memory_space<vmem>>
          tpu.vector_store_idx %scatter3A_269[%add3A_268], %get3A_196 : memref<512xf32, #tpu.memory_space<vmem>>[vector<16xi32>], vector<16xf32>,
          %add3A_270 = arith.constant 11 : i32
          %add3A_271 = vector.broadcast %add3A_270 : i32 to vector<16xi32>
          %add3A_272 = arith.addi %mul3A_3, %add3A_271 : vector<16xi32>
          %scatter3A_273 = tpu.memref_slice %arg7[%mul3A_131] : memref<24608xf32, #tpu.memory_space<vmem>> -> memref<512xf32, #tpu.memory_space<vmem>>
          tpu.vector_store_idx %scatter3A_273[%add3A_272], %get3A_202 : memref<512xf32, #tpu.memory_space<vmem>>[vector<16xi32>], vector<16xf32>,
          %add3A_274 = arith.constant 12 : i32
          %add3A_275 = vector.broadcast %add3A_274 : i32 to vector<16xi32>
          %add3A_276 = arith.addi %mul3A_3, %add3A_275 : vector<16xi32>
          %scatter3A_277 = tpu.memref_slice %arg7[%mul3A_131] : memref<24608xf32, #tpu.memory_space<vmem>> -> memref<512xf32, #tpu.memory_space<vmem>>
          tpu.vector_store_idx %scatter3A_277[%add3A_276], %get3A_208 : memref<512xf32, #tpu.memory_space<vmem>>[vector<16xi32>], vector<16xf32>,
          %add3A_278 = arith.constant 13 : i32
          %add3A_279 = vector.broadcast %add3A_278 : i32 to vector<16xi32>
          %add3A_280 = arith.addi %mul3A_3, %add3A_279 : vector<16xi32>
          %scatter3A_281 = tpu.memref_slice %arg7[%mul3A_131] : memref<24608xf32, #tpu.memory_space<vmem>> -> memref<512xf32, #tpu.memory_space<vmem>>
          tpu.vector_store_idx %scatter3A_281[%add3A_280], %get3A_214 : memref<512xf32, #tpu.memory_space<vmem>>[vector<16xi32>], vector<16xf32>,
          %add3A_282 = arith.constant 14 : i32
          %add3A_283 = vector.broadcast %add3A_282 : i32 to vector<16xi32>
          %add3A_284 = arith.addi %mul3A_3, %add3A_283 : vector<16xi32>
          %scatter3A_285 = tpu.memref_slice %arg7[%mul3A_131] : memref<24608xf32, #tpu.memory_space<vmem>> -> memref<512xf32, #tpu.memory_space<vmem>>
          tpu.vector_store_idx %scatter3A_285[%add3A_284], %get3A_220 : memref<512xf32, #tpu.memory_space<vmem>>[vector<16xi32>], vector<16xf32>,
          %add3A_286 = arith.constant 15 : i32
          %add3A_287 = vector.broadcast %add3A_286 : i32 to vector<16xi32>
          %add3A_288 = arith.addi %mul3A_3, %add3A_287 : vector<16xi32>
          %scatter3A_289 = tpu.memref_slice %arg7[%mul3A_131] : memref<24608xf32, #tpu.memory_space<vmem>> -> memref<512xf32, #tpu.memory_space<vmem>>
          tpu.vector_store_idx %scatter3A_289[%add3A_288], %get3A_226 : memref<512xf32, #tpu.memory_space<vmem>>[vector<16xi32>], vector<16xf32>,
          %mul3A_290 = arith.constant 16 : i32
          %mul3A_291 = arith.muli %scan3A_128, %mul3A_290 : i32
          %get3A_292 = arith.constant 16 : i32
          %get3A_293 = arith.index_cast %get3A_292 : i32 to index
          %get3A_294 = arith.index_cast %mul3A_291 : i32 to index
          %get3A_295 = tpu.vector_load %arg5[%get3A_293, %get3A_294] {strides = array<i32>} : memref<32x768xf32, #tpu.memory_space<vmem>>, vector<16xf32>,
          %mul3A_296 = arith.constant 16 : i32
          %mul3A_297 = arith.muli %scan3A_128, %mul3A_296 : i32
          %get3A_298 = arith.constant 17 : i32
          %get3A_299 = arith.index_cast %get3A_298 : i32 to index
          %get3A_300 = arith.index_cast %mul3A_297 : i32 to index
          %get3A_301 = tpu.vector_load %arg5[%get3A_299, %get3A_300] {strides = array<i32>} : memref<32x768xf32, #tpu.memory_space<vmem>>, vector<16xf32>,
          %mul3A_302 = arith.constant 16 : i32
          %mul3A_303 = arith.muli %scan3A_128, %mul3A_302 : i32
          %get3A_304 = arith.constant 18 : i32
          %get3A_305 = arith.index_cast %get3A_304 : i32 to index
          %get3A_306 = arith.index_cast %mul3A_303 : i32 to index
          %get3A_307 = tpu.vector_load %arg5[%get3A_305, %get3A_306] {strides = array<i32>} : memref<32x768xf32, #tpu.memory_space<vmem>>, vector<16xf32>,
          %mul3A_308 = arith.constant 16 : i32
          %mul3A_309 = arith.muli %scan3A_128, %mul3A_308 : i32
          %get3A_310 = arith.constant 19 : i32
          %get3A_311 = arith.index_cast %get3A_310 : i32 to index
          %get3A_312 = arith.index_cast %mul3A_309 : i32 to index
          %get3A_313 = tpu.vector_load %arg5[%get3A_311, %get3A_312] {strides = array<i32>} : memref<32x768xf32, #tpu.memory_space<vmem>>, vector<16xf32>,
          %mul3A_314 = arith.constant 16 : i32
          %mul3A_315 = arith.muli %scan3A_128, %mul3A_314 : i32
          %get3A_316 = arith.constant 20 : i32
          %get3A_317 = arith.index_cast %get3A_316 : i32 to index
          %get3A_318 = arith.index_cast %mul3A_315 : i32 to index
          %get3A_319 = tpu.vector_load %arg5[%get3A_317, %get3A_318] {strides = array<i32>} : memref<32x768xf32, #tpu.memory_space<vmem>>, vector<16xf32>,
          %mul3A_320 = arith.constant 16 : i32
          %mul3A_321 = arith.muli %scan3A_128, %mul3A_320 : i32
          %get3A_322 = arith.constant 21 : i32
          %get3A_323 = arith.index_cast %get3A_322 : i32 to index
          %get3A_324 = arith.index_cast %mul3A_321 : i32 to index
          %get3A_325 = tpu.vector_load %arg5[%get3A_323, %get3A_324] {strides = array<i32>} : memref<32x768xf32, #tpu.memory_space<vmem>>, vector<16xf32>,
          %mul3A_326 = arith.constant 16 : i32
          %mul3A_327 = arith.muli %scan3A_128, %mul3A_326 : i32
          %get3A_328 = arith.constant 22 : i32
          %get3A_329 = arith.index_cast %get3A_328 : i32 to index
          %get3A_330 = arith.index_cast %mul3A_327 : i32 to index
          %get3A_331 = tpu.vector_load %arg5[%get3A_329, %get3A_330] {strides = array<i32>} : memref<32x768xf32, #tpu.memory_space<vmem>>, vector<16xf32>,
          %mul3A_332 = arith.constant 16 : i32
          %mul3A_333 = arith.muli %scan3A_128, %mul3A_332 : i32
          %get3A_334 = arith.constant 23 : i32
          %get3A_335 = arith.index_cast %get3A_334 : i32 to index
          %get3A_336 = arith.index_cast %mul3A_333 : i32 to index
          %get3A_337 = tpu.vector_load %arg5[%get3A_335, %get3A_336] {strides = array<i32>} : memref<32x768xf32, #tpu.memory_space<vmem>>, vector<16xf32>,
          %mul3A_338 = arith.constant 16 : i32
          %mul3A_339 = arith.muli %scan3A_128, %mul3A_338 : i32
          %get3A_340 = arith.constant 24 : i32
          %get3A_341 = arith.index_cast %get3A_340 : i32 to index
          %get3A_342 = arith.index_cast %mul3A_339 : i32 to index
          %get3A_343 = tpu.vector_load %arg5[%get3A_341, %get3A_342] {strides = array<i32>} : memref<32x768xf32, #tpu.memory_space<vmem>>, vector<16xf32>,
          %mul3A_344 = arith.constant 16 : i32
          %mul3A_345 = arith.muli %scan3A_128, %mul3A_344 : i32
          %get3A_346 = arith.constant 25 : i32
          %get3A_347 = arith.index_cast %get3A_346 : i32 to index
          %get3A_348 = arith.index_cast %mul3A_345 : i32 to index
          %get3A_349 = tpu.vector_load %arg5[%get3A_347, %get3A_348] {strides = array<i32>} : memref<32x768xf32, #tpu.memory_space<vmem>>, vector<16xf32>,
          %mul3A_350 = arith.constant 16 : i32
          %mul3A_351 = arith.muli %scan3A_128, %mul3A_350 : i32
          %get3A_352 = arith.constant 26 : i32
          %get3A_353 = arith.index_cast %get3A_352 : i32 to index
          %get3A_354 = arith.index_cast %mul3A_351 : i32 to index
          %get3A_355 = tpu.vector_load %arg5[%get3A_353, %get3A_354] {strides = array<i32>} : memref<32x768xf32, #tpu.memory_space<vmem>>, vector<16xf32>,
          %mul3A_356 = arith.constant 16 : i32
          %mul3A_357 = arith.muli %scan3A_128, %mul3A_356 : i32
          %get3A_358 = arith.constant 27 : i32
          %get3A_359 = arith.index_cast %get3A_358 : i32 to index
          %get3A_360 = arith.index_cast %mul3A_357 : i32 to index
          %get3A_361 = tpu.vector_load %arg5[%get3A_359, %get3A_360] {strides = array<i32>} : memref<32x768xf32, #tpu.memory_space<vmem>>, vector<16xf32>,
          %mul3A_362 = arith.constant 16 : i32
          %mul3A_363 = arith.muli %scan3A_128, %mul3A_362 : i32
          %get3A_364 = arith.constant 28 : i32
          %get3A_365 = arith.index_cast %get3A_364 : i32 to index
          %get3A_366 = arith.index_cast %mul3A_363 : i32 to index
          %get3A_367 = tpu.vector_load %arg5[%get3A_365, %get3A_366] {strides = array<i32>} : memref<32x768xf32, #tpu.memory_space<vmem>>, vector<16xf32>,
          %mul3A_368 = arith.constant 16 : i32
          %mul3A_369 = arith.muli %scan3A_128, %mul3A_368 : i32
          %get3A_370 = arith.constant 29 : i32
          %get3A_371 = arith.index_cast %get3A_370 : i32 to index
          %get3A_372 = arith.index_cast %mul3A_369 : i32 to index
          %get3A_373 = tpu.vector_load %arg5[%get3A_371, %get3A_372] {strides = array<i32>} : memref<32x768xf32, #tpu.memory_space<vmem>>, vector<16xf32>,
          %mul3A_374 = arith.constant 16 : i32
          %mul3A_375 = arith.muli %scan3A_128, %mul3A_374 : i32
          %get3A_376 = arith.constant 30 : i32
          %get3A_377 = arith.index_cast %get3A_376 : i32 to index
          %get3A_378 = arith.index_cast %mul3A_375 : i32 to index
          %get3A_379 = tpu.vector_load %arg5[%get3A_377, %get3A_378] {strides = array<i32>} : memref<32x768xf32, #tpu.memory_space<vmem>>, vector<16xf32>,
          %mul3A_380 = arith.constant 16 : i32
          %mul3A_381 = arith.muli %scan3A_128, %mul3A_380 : i32
          %get3A_382 = arith.constant 31 : i32
          %get3A_383 = arith.index_cast %get3A_382 : i32 to index
          %get3A_384 = arith.index_cast %mul3A_381 : i32 to index
          %get3A_385 = tpu.vector_load %arg5[%get3A_383, %get3A_384] {strides = array<i32>} : memref<32x768xf32, #tpu.memory_space<vmem>>, vector<16xf32>,
          %add3A_386 = arith.constant 16 : i32
          %add3A_387 = vector.broadcast %add3A_386 : i32 to vector<16xi32>
          %add3A_388 = arith.addi %mul3A_3, %add3A_387 : vector<16xi32>
          %scatter3A_389 = tpu.memref_slice %arg7[%mul3A_131] : memref<24608xf32, #tpu.memory_space<vmem>> -> memref<512xf32, #tpu.memory_space<vmem>>
          tpu.vector_store_idx %scatter3A_389[%add3A_388], %get3A_295 : memref<512xf32, #tpu.memory_space<vmem>>[vector<16xi32>], vector<16xf32>,
          %add3A_390 = arith.constant 17 : i32
          %add3A_391 = vector.broadcast %add3A_390 : i32 to vector<16xi32>
          %add3A_392 = arith.addi %mul3A_3, %add3A_391 : vector<16xi32>
          %scatter3A_393 = tpu.memref_slice %arg7[%mul3A_131] : memref<24608xf32, #tpu.memory_space<vmem>> -> memref<512xf32, #tpu.memory_space<vmem>>
          tpu.vector_store_idx %scatter3A_393[%add3A_392], %get3A_301 : memref<512xf32, #tpu.memory_space<vmem>>[vector<16xi32>], vector<16xf32>,
          %add3A_394 = arith.constant 18 : i32
          %add3A_395 = vector.broadcast %add3A_394 : i32 to vector<16xi32>
          %add3A_396 = arith.addi %mul3A_3, %add3A_395 : vector<16xi32>
          %scatter3A_397 = tpu.memref_slice %arg7[%mul3A_131] : memref<24608xf32, #tpu.memory_space<vmem>> -> memref<512xf32, #tpu.memory_space<vmem>>
          tpu.vector_store_idx %scatter3A_397[%add3A_396], %get3A_307 : memref<512xf32, #tpu.memory_space<vmem>>[vector<16xi32>], vector<16xf32>,
          %add3A_398 = arith.constant 19 : i32
          %add3A_399 = vector.broadcast %add3A_398 : i32 to vector<16xi32>
          %add3A_400 = arith.addi %mul3A_3, %add3A_399 : vector<16xi32>
          %scatter3A_401 = tpu.memref_slice %arg7[%mul3A_131] : memref<24608xf32, #tpu.memory_space<vmem>> -> memref<512xf32, #tpu.memory_space<vmem>>
          tpu.vector_store_idx %scatter3A_401[%add3A_400], %get3A_313 : memref<512xf32, #tpu.memory_space<vmem>>[vector<16xi32>], vector<16xf32>,
          %add3A_402 = arith.constant 20 : i32
          %add3A_403 = vector.broadcast %add3A_402 : i32 to vector<16xi32>
          %add3A_404 = arith.addi %mul3A_3, %add3A_403 : vector<16xi32>
          %scatter3A_405 = tpu.memref_slice %arg7[%mul3A_131] : memref<24608xf32, #tpu.memory_space<vmem>> -> memref<512xf32, #tpu.memory_space<vmem>>
          tpu.vector_store_idx %scatter3A_405[%add3A_404], %get3A_319 : memref<512xf32, #tpu.memory_space<vmem>>[vector<16xi32>], vector<16xf32>,
          %add3A_406 = arith.constant 21 : i32
          %add3A_407 = vector.broadcast %add3A_406 : i32 to vector<16xi32>
          %add3A_408 = arith.addi %mul3A_3, %add3A_407 : vector<16xi32>
          %scatter3A_409 = tpu.memref_slice %arg7[%mul3A_131] : memref<24608xf32, #tpu.memory_space<vmem>> -> memref<512xf32, #tpu.memory_space<vmem>>
          tpu.vector_store_idx %scatter3A_409[%add3A_408], %get3A_325 : memref<512xf32, #tpu.memory_space<vmem>>[vector<16xi32>], vector<16xf32>,
          %add3A_410 = arith.constant 22 : i32
          %add3A_411 = vector.broadcast %add3A_410 : i32 to vector<16xi32>
          %add3A_412 = arith.addi %mul3A_3, %add3A_411 : vector<16xi32>
          %scatter3A_413 = tpu.memref_slice %arg7[%mul3A_131] : memref<24608xf32, #tpu.memory_space<vmem>> -> memref<512xf32, #tpu.memory_space<vmem>>
          tpu.vector_store_idx %scatter3A_413[%add3A_412], %get3A_331 : memref<512xf32, #tpu.memory_space<vmem>>[vector<16xi32>], vector<16xf32>,
          %add3A_414 = arith.constant 23 : i32
          %add3A_415 = vector.broadcast %add3A_414 : i32 to vector<16xi32>
          %add3A_416 = arith.addi %mul3A_3, %add3A_415 : vector<16xi32>
          %scatter3A_417 = tpu.memref_slice %arg7[%mul3A_131] : memref<24608xf32, #tpu.memory_space<vmem>> -> memref<512xf32, #tpu.memory_space<vmem>>
          tpu.vector_store_idx %scatter3A_417[%add3A_416], %get3A_337 : memref<512xf32, #tpu.memory_space<vmem>>[vector<16xi32>], vector<16xf32>,
          %add3A_418 = arith.constant 24 : i32
          %add3A_419 = vector.broadcast %add3A_418 : i32 to vector<16xi32>
          %add3A_420 = arith.addi %mul3A_3, %add3A_419 : vector<16xi32>
          %scatter3A_421 = tpu.memref_slice %arg7[%mul3A_131] : memref<24608xf32, #tpu.memory_space<vmem>> -> memref<512xf32, #tpu.memory_space<vmem>>
          tpu.vector_store_idx %scatter3A_421[%add3A_420], %get3A_343 : memref<512xf32, #tpu.memory_space<vmem>>[vector<16xi32>], vector<16xf32>,
          %add3A_422 = arith.constant 25 : i32
          %add3A_423 = vector.broadcast %add3A_422 : i32 to vector<16xi32>
          %add3A_424 = arith.addi %mul3A_3, %add3A_423 : vector<16xi32>
          %scatter3A_425 = tpu.memref_slice %arg7[%mul3A_131] : memref<24608xf32, #tpu.memory_space<vmem>> -> memref<512xf32, #tpu.memory_space<vmem>>
          tpu.vector_store_idx %scatter3A_425[%add3A_424], %get3A_349 : memref<512xf32, #tpu.memory_space<vmem>>[vector<16xi32>], vector<16xf32>,
          %add3A_426 = arith.constant 26 : i32
          %add3A_427 = vector.broadcast %add3A_426 : i32 to vector<16xi32>
          %add3A_428 = arith.addi %mul3A_3, %add3A_427 : vector<16xi32>
          %scatter3A_429 = tpu.memref_slice %arg7[%mul3A_131] : memref<24608xf32, #tpu.memory_space<vmem>> -> memref<512xf32, #tpu.memory_space<vmem>>
          tpu.vector_store_idx %scatter3A_429[%add3A_428], %get3A_355 : memref<512xf32, #tpu.memory_space<vmem>>[vector<16xi32>], vector<16xf32>,
          %add3A_430 = arith.constant 27 : i32
          %add3A_431 = vector.broadcast %add3A_430 : i32 to vector<16xi32>
          %add3A_432 = arith.addi %mul3A_3, %add3A_431 : vector<16xi32>
          %scatter3A_433 = tpu.memref_slice %arg7[%mul3A_131] : memref<24608xf32, #tpu.memory_space<vmem>> -> memref<512xf32, #tpu.memory_space<vmem>>
          tpu.vector_store_idx %scatter3A_433[%add3A_432], %get3A_361 : memref<512xf32, #tpu.memory_space<vmem>>[vector<16xi32>], vector<16xf32>,
          %add3A_434 = arith.constant 28 : i32
          %add3A_435 = vector.broadcast %add3A_434 : i32 to vector<16xi32>
          %add3A_436 = arith.addi %mul3A_3, %add3A_435 : vector<16xi32>
          %scatter3A_437 = tpu.memref_slice %arg7[%mul3A_131] : memref<24608xf32, #tpu.memory_space<vmem>> -> memref<512xf32, #tpu.memory_space<vmem>>
          tpu.vector_store_idx %scatter3A_437[%add3A_436], %get3A_367 : memref<512xf32, #tpu.memory_space<vmem>>[vector<16xi32>], vector<16xf32>,
          %add3A_438 = arith.constant 29 : i32
          %add3A_439 = vector.broadcast %add3A_438 : i32 to vector<16xi32>
          %add3A_440 = arith.addi %mul3A_3, %add3A_439 : vector<16xi32>
          %scatter3A_441 = tpu.memref_slice %arg7[%mul3A_131] : memref<24608xf32, #tpu.memory_space<vmem>> -> memref<512xf32, #tpu.memory_space<vmem>>
          tpu.vector_store_idx %scatter3A_441[%add3A_440], %get3A_373 : memref<512xf32, #tpu.memory_space<vmem>>[vector<16xi32>], vector<16xf32>,
          %add3A_442 = arith.constant 30 : i32
          %add3A_443 = vector.broadcast %add3A_442 : i32 to vector<16xi32>
          %add3A_444 = arith.addi %mul3A_3, %add3A_443 : vector<16xi32>
          %scatter3A_445 = tpu.memref_slice %arg7[%mul3A_131] : memref<24608xf32, #tpu.memory_space<vmem>> -> memref<512xf32, #tpu.memory_space<vmem>>
          tpu.vector_store_idx %scatter3A_445[%add3A_444], %get3A_379 : memref<512xf32, #tpu.memory_space<vmem>>[vector<16xi32>], vector<16xf32>,
          %add3A_446 = arith.constant 31 : i32
          %add3A_447 = vector.broadcast %add3A_446 : i32 to vector<16xi32>
          %add3A_448 = arith.addi %mul3A_3, %add3A_447 : vector<16xi32>
          %scatter3A_449 = tpu.memref_slice %arg7[%mul3A_131] : memref<24608xf32, #tpu.memory_space<vmem>> -> memref<512xf32, #tpu.memory_space<vmem>>
          tpu.vector_store_idx %scatter3A_449[%add3A_448], %get3A_385 : memref<512xf32, #tpu.memory_space<vmem>>[vector<16xi32>], vector<16xf32>,
          %scan3A_450 = arith.constant 0 : i32
          scf.yield %scan3A_450 : i32
        }
        %scan3A_127 = arith.constant 48 : i32
      } else {
      }
      %mul3A_102 = arith.constant 32 : i32
      %mul3A_103 = arith.muli %add3A_42, %mul3A_102 : i32
      %add3A_104 = arith.addi %mul3A_103, %add3A : i32
      %lt3A_105 = arith.constant 1302 : i32
      %lt3A_106 = arith.cmpi slt, %add3A_104, %lt3A_105 : i32
      %convert_element_type3A_107 = arith.extui %lt3A_106 : i1 to i32
      %cond3A_108 = arith.constant 0 : i32
      %cond3A_109 = arith.cmpi ne, %convert_element_type3A_107, %cond3A_108 : i32
      scf.if %cond3A_109 {
        %mul3A_121 = arith.constant 24576 : i32
        %mul3A_122 = arith.muli %add3A_104, %mul3A_121 : i32
        %dma_start3A = arith.constant 0 : i32
        %dma_start3A_123 = tpu.memref_slice %arg7[%dma_start3A] : memref<24608xf32, #tpu.memory_space<vmem>> -> memref<24576xf32, #tpu.memory_space<vmem>>
        %dma_start3A_124 = tpu.memref_slice %arg3[%mul3A_122] : memref<31997952xf32, #tpu.memory_space<hbm>> -> memref<24576xf32, #tpu.memory_space<hbm>>
        %dma_start3A_125 = tpu.memref_slice %arg3[%mul3A_122] : memref<31997952xf32, #tpu.memory_space<hbm>> -> memref<24576xf32, #tpu.memory_space<hbm>>
        %dma_start3A_126 = arith.constant 0 : i32
        %dma_start3A_127 = tpu.memref_slice %arg7[%dma_start3A_126] : memref<24608xf32, #tpu.memory_space<vmem>> -> memref<24576xf32, #tpu.memory_space<vmem>>
        tpu.enqueue_dma source(%dma_start3A_127 : memref<24576xf32, #tpu.memory_space<vmem>>) target(%dma_start3A_125 : memref<24576xf32, #tpu.memory_space<hbm>>) target_semaphore(%arg11 : memref<!tpu.dma_semaphore, #tpu.memory_space<semaphore_mem>>)
      } else {
      }
      %add3A_110 = arith.constant 2 : i32
      %add3A_111 = arith.addi %add3A_42, %add3A_110 : i32
      %mul3A_112 = arith.constant 32 : i32
      %mul3A_113 = arith.muli %add3A_111, %mul3A_112 : i32
      %add3A_114 = arith.addi %mul3A_113, %add3A : i32
      %lt3A_115 = arith.constant 1302 : i32
      %lt3A_116 = arith.cmpi slt, %add3A_114, %lt3A_115 : i32
      %convert_element_type3A_117 = arith.extui %lt3A_116 : i1 to i32
      %cond3A_118 = arith.constant 0 : i32
      %cond3A_119 = arith.cmpi ne, %convert_element_type3A_117, %cond3A_118 : i32
      scf.if %cond3A_119 {
        %mul3A_121 = arith.constant 768 : i32
        %mul3A_122 = arith.muli %add3A_114, %mul3A_121 : i32
        %dma_start3A = arith.constant 0 : i32
        %dma_start3A_123 = arith.constant 0 : i32
        %dma_start3A_124 = tpu.memref_slice %arg5[%dma_start3A, %dma_start3A_123] : memref<32x768xf32, #tpu.memory_space<vmem>> -> memref<32x768xf32, #tpu.memory_space<vmem>>
        %dma_start3A_125 = arith.constant 0 : i32
        %dma_start3A_126 = tpu.memref_slice %arg2[%dma_start3A_125, %mul3A_122] : memref<32x1000000xf32, #tpu.memory_space<hbm>> -> memref<32x768xf32, #tpu.memory_space<hbm>>
        %dma_start3A_127 = arith.constant 0 : i32
        %dma_start3A_128 = arith.constant 0 : i32
        %dma_start3A_129 = tpu.memref_slice %arg5[%dma_start3A_127, %dma_start3A_128] : memref<32x768xf32, #tpu.memory_space<vmem>> -> memref<32x768xf32, #tpu.memory_space<vmem>>
        %dma_start3A_130 = arith.constant 0 : i32
        %dma_start3A_131 = tpu.memref_slice %arg2[%dma_start3A_130, %mul3A_122] : memref<32x1000000xf32, #tpu.memory_space<hbm>> -> memref<32x768xf32, #tpu.memory_space<hbm>>
        tpu.enqueue_dma source(%dma_start3A_131 : memref<32x768xf32, #tpu.memory_space<hbm>>) target(%dma_start3A_129 : memref<32x768xf32, #tpu.memory_space<vmem>>) target_semaphore(%arg9 : memref<!tpu.dma_semaphore, #tpu.memory_space<semaphore_mem>>)
      } else {
      }
      %scan3A_120 = arith.constant 0 : i32
      scf.yield %scan3A_120 : i32
    }
    %scan3A_20 = arith.constant 21 : i32
    %add3A_21 = arith.constant 1344 : i32
    %add3A_22 = arith.addi %add3A_21, %add3A : i32
    %lt3A_23 = arith.constant 1302 : i32
    %lt3A_24 = arith.cmpi slt, %add3A_22, %lt3A_23 : i32
    %convert_element_type3A_25 = arith.extui %lt3A_24 : i1 to i32
    %cond3A_26 = arith.constant 0 : i32
    %cond3A_27 = arith.cmpi ne, %convert_element_type3A_25, %cond3A_26 : i32
    scf.if %cond3A_27 {
      %dma_wait3A = arith.constant 0 : i32
      %dma_wait3A_35 = tpu.memref_slice %arg6[%dma_wait3A] : memref<24608xf32, #tpu.memory_space<vmem>> -> memref<24576xf32, #tpu.memory_space<vmem>>
      %dma_wait3A_36 = arith.constant 0 : i32
      %dma_wait3A_37 = tpu.memref_slice %arg3[%dma_wait3A_36] : memref<31997952xf32, #tpu.memory_space<hbm>> -> memref<24576xf32, #tpu.memory_space<hbm>>
      %dma_wait3A_38 = arith.constant 0 : i32
      %dma_wait3A_39 = tpu.memref_slice %arg3[%dma_wait3A_38] : memref<31997952xf32, #tpu.memory_space<hbm>> -> memref<24576xf32, #tpu.memory_space<hbm>>
      %dma_wait3A_40 = arith.constant 0 : i32
      %dma_wait3A_41 = tpu.memref_slice %arg6[%dma_wait3A_40] : memref<24608xf32, #tpu.memory_space<vmem>> -> memref<24576xf32, #tpu.memory_space<vmem>>
      tpu.wait_dma2 semaphore(%arg10 : memref<!tpu.dma_semaphore, #tpu.memory_space<semaphore_mem>>) src(%dma_wait3A_41 : memref<24576xf32, #tpu.memory_space<vmem>>) dst(%dma_wait3A_39 : memref<24576xf32, #tpu.memory_space<hbm>>)
    } else {
    }
    %add3A_28 = arith.constant 1376 : i32
    %add3A_29 = arith.addi %add3A_28, %add3A : i32
    %lt3A_30 = arith.constant 1302 : i32
    %lt3A_31 = arith.cmpi slt, %add3A_29, %lt3A_30 : i32
    %convert_element_type3A_32 = arith.extui %lt3A_31 : i1 to i32
    %cond3A_33 = arith.constant 0 : i32
    %cond3A_34 = arith.cmpi ne, %convert_element_type3A_32, %cond3A_33 : i32
    scf.if %cond3A_34 {
      %dma_wait3A = arith.constant 0 : i32
      %dma_wait3A_35 = tpu.memref_slice %arg7[%dma_wait3A] : memref<24608xf32, #tpu.memory_space<vmem>> -> memref<24576xf32, #tpu.memory_space<vmem>>
      %dma_wait3A_36 = arith.constant 0 : i32
      %dma_wait3A_37 = tpu.memref_slice %arg3[%dma_wait3A_36] : memref<31997952xf32, #tpu.memory_space<hbm>> -> memref<24576xf32, #tpu.memory_space<hbm>>
      %dma_wait3A_38 = arith.constant 0 : i32
      %dma_wait3A_39 = tpu.memref_slice %arg3[%dma_wait3A_38] : memref<31997952xf32, #tpu.memory_space<hbm>> -> memref<24576xf32, #tpu.memory_space<hbm>>
      %dma_wait3A_40 = arith.constant 0 : i32
      %dma_wait3A_41 = tpu.memref_slice %arg7[%dma_wait3A_40] : memref<24608xf32, #tpu.memory_space<vmem>> -> memref<24576xf32, #tpu.memory_space<vmem>>
      tpu.wait_dma2 semaphore(%arg11 : memref<!tpu.dma_semaphore, #tpu.memory_space<semaphore_mem>>) src(%dma_wait3A_41 : memref<24576xf32, #tpu.memory_space<vmem>>) dst(%dma_wait3A_39 : memref<24576xf32, #tpu.memory_space<hbm>>)
    } else {
    }
    return
  }
}

#map = affine_map<(d0, d1) -> (0)>
#map1 = affine_map<(d0, d1) -> (0, 0)>
module attributes {stable_mosaic.version = 14 : i64} {
  func.func @_emb_body(%arg0: i32, %arg1: i32, %arg2: memref<204800xi32, #tpu.memory_space<hbm>>, %arg3: memref<999936x32xf32, #tpu.memory_space<hbm>>, %arg4: memref<64x32xf32, #tpu.memory_space<hbm>>, %arg5: memref<204800x32xf32, #tpu.memory_space<hbm>>, %arg6: memref<6400xi32, #tpu.memory_space<vmem>>, %arg7: memref<6400xi32, #tpu.memory_space<vmem>>, %arg8: memref<1600x32xf32, #tpu.memory_space<vmem>>, %arg9: memref<64x32xf32, #tpu.memory_space<vmem>>, %arg10: memref<!tpu.dma_semaphore, #tpu.memory_space<semaphore_mem>>) attributes {dimension_semantics = [#tpu.dimension_semantics<core_parallel>, #tpu.dimension_semantics<subcore_parallel>], iteration_bounds = array<i64: 2, 16>, scalar_prefetch = 0 : i64, scratch_operands = 5 : i64, tpu.core_type = #tpu.core_type<sc_vector_subcore>, window_params = [{transform_indices = #map}, {transform_indices = #map1}, {transform_indices = #map1}, {transform_indices = #map1}]} {
    %mul3A = arith.constant 2 : i32
    %mul3A_0 = arith.muli %arg1, %mul3A : i32
    %add3A = arith.addi %mul3A_0, %arg0 : i32
    %iota3A = tpu.iota {dimensions = array<i32: 0>} : vector<16xi32>
    %mul3A_1 = arith.constant 6400 : i32
    %mul3A_2 = arith.muli %add3A, %mul3A_1 : i32
    "tpu.region"() ({
      %run_scoped3A = tpu.sem_alloc : memref<!tpu.dma_semaphore, #tpu.memory_space<semaphore_mem>>
      %dma_start3A_83 = tpu.memref_slice %arg2[%mul3A_2] : memref<204800xi32, #tpu.memory_space<hbm>> -> memref<6400xi32, #tpu.memory_space<hbm>>
      %dma_start3A_84 = tpu.memref_slice %arg2[%mul3A_2] : memref<204800xi32, #tpu.memory_space<hbm>> -> memref<6400xi32, #tpu.memory_space<hbm>>
      tpu.enqueue_dma source(%dma_start3A_84 : memref<6400xi32, #tpu.memory_space<hbm>>) target(%arg6 : memref<6400xi32, #tpu.memory_space<vmem>>) target_semaphore(%run_scoped3A : memref<!tpu.dma_semaphore, #tpu.memory_space<semaphore_mem>>)
      %dma_wait3A_85 = tpu.memref_slice %arg2[%mul3A_2] : memref<204800xi32, #tpu.memory_space<hbm>> -> memref<6400xi32, #tpu.memory_space<hbm>>
      %dma_wait3A_86 = tpu.memref_slice %arg2[%mul3A_2] : memref<204800xi32, #tpu.memory_space<hbm>> -> memref<6400xi32, #tpu.memory_space<hbm>>
      tpu.wait_dma2 semaphore(%run_scoped3A : memref<!tpu.dma_semaphore, #tpu.memory_space<semaphore_mem>>) src(%dma_wait3A_86 : memref<6400xi32, #tpu.memory_space<hbm>>) dst(%arg6 : memref<6400xi32, #tpu.memory_space<vmem>>)
      tpu.yield
    }) : () -> ()
    "tpu.region"() ({
      %run_scoped3A = tpu.sem_alloc : memref<!tpu.dma_semaphore, #tpu.memory_space<semaphore_mem>>
      tpu.enqueue_dma source(%arg4 : memref<64x32xf32, #tpu.memory_space<hbm>>) target(%arg9 : memref<64x32xf32, #tpu.memory_space<vmem>>) target_semaphore(%run_scoped3A : memref<!tpu.dma_semaphore, #tpu.memory_space<semaphore_mem>>)
      tpu.wait_dma2 semaphore(%run_scoped3A : memref<!tpu.dma_semaphore, #tpu.memory_space<semaphore_mem>>) src(%arg4 : memref<64x32xf32, #tpu.memory_space<hbm>>) dst(%arg9 : memref<64x32xf32, #tpu.memory_space<vmem>>)
      tpu.yield
    }) : () -> ()
    %scan3A = arith.constant 0 : i32
    %scan3A_3 = arith.constant 0 : i32
    %scan3A_4 = arith.constant 400 : i32
    %scan3A_5 = arith.addi %scan3A_3, %scan3A_4 : i32
    %scan3A_6 = arith.constant 1 : i32
    %scan3A_7 = scf.for %scan3A_83 = %scan3A_3 to %scan3A_5 step %scan3A_6 iter_args(%scan3A_84 = %scan3A) -> (i32)  : i32 {
      %mul3A_85 = arith.constant 16 : i32
      %mul3A_86 = arith.muli %scan3A_83, %mul3A_85 : i32
      %get3A = arith.index_cast %mul3A_86 : i32 to index
      %get3A_87 = tpu.vector_load %arg6[%get3A] {strides = array<i32>} : memref<6400xi32, #tpu.memory_space<vmem>>, vector<16xi32>,
      %min3A = arith.constant 999935 : i32
      %min3A_88 = vector.broadcast %min3A : i32 to vector<16xi32>
      %min3A_89 = arith.minsi %get3A_87, %min3A_88 : vector<16xi32>
      %mul3A_90 = arith.constant 16 : i32
      %mul3A_91 = arith.muli %scan3A_83, %mul3A_90 : i32
      %swap3A = arith.index_cast %mul3A_91 : i32 to index
      %swap3A_92 = tpu.vector_load %arg7[%swap3A] {strides = array<i32>} : memref<6400xi32, #tpu.memory_space<vmem>>, vector<16xi32>,
      tpu.vector_store %arg7[%swap3A], %min3A_89 {strides = array<i32>} : memref<6400xi32, #tpu.memory_space<vmem>>, vector<16xi32>,
      %scan3A_93 = arith.constant 0 : i32
      scf.yield %scan3A_93 : i32
    }
    %scan3A_8 = arith.constant 400 : i32
    %dma_start3A = arith.constant 0 : i32
    %dma_start3A_9 = tpu.memref_slice %arg7[%dma_start3A] : memref<6400xi32, #tpu.memory_space<vmem>> -> memref<1600xi32, #tpu.memory_space<vmem>>
    %dma_start3A_10 = arith.constant 0 : i32
    %dma_start3A_11 = arith.constant 0 : i32
    %dma_start3A_12 = tpu.memref_slice %arg3[%dma_start3A_10, %dma_start3A_11] : memref<999936x32xf32, #tpu.memory_space<hbm>> -> memref<999936x32xf32, #tpu.memory_space<hbm>>
    tpu.enqueue_indirect_dma source(%dma_start3A_12 : memref<999936x32xf32, #tpu.memory_space<hbm>>) target(%arg8 : memref<1600x32xf32, #tpu.memory_space<vmem>>) offsets(%dma_start3A_9 : memref<1600xi32, #tpu.memory_space<vmem>>) semaphore(%arg10 : memref<!tpu.dma_semaphore, #tpu.memory_space<semaphore_mem>>)
    %dma_wait3A = arith.constant 0 : i32
    %dma_wait3A_13 = tpu.memref_slice %arg7[%dma_wait3A] : memref<6400xi32, #tpu.memory_space<vmem>> -> memref<1600xi32, #tpu.memory_space<vmem>>
    %dma_wait3A_14 = arith.constant 0 : i32
    %dma_wait3A_15 = arith.constant 0 : i32
    %dma_wait3A_16 = tpu.memref_slice %arg3[%dma_wait3A_14, %dma_wait3A_15] : memref<999936x32xf32, #tpu.memory_space<hbm>> -> memref<999936x32xf32, #tpu.memory_space<hbm>>
    tpu.wait_indirect_dma semaphore(%arg10 : memref<!tpu.dma_semaphore, #tpu.memory_space<semaphore_mem>>) src(%dma_wait3A_16 : memref<999936x32xf32, #tpu.memory_space<hbm>>) dst(%arg8 : memref<1600x32xf32, #tpu.memory_space<vmem>>)
    %scan3A_17 = arith.constant 0 : i32
    %scan3A_18 = arith.constant 0 : i32
    %scan3A_19 = arith.constant 100 : i32
    %scan3A_20 = arith.addi %scan3A_18, %scan3A_19 : i32
    %scan3A_21 = arith.constant 1 : i32
    %scan3A_22 = scf.for %scan3A_83 = %scan3A_18 to %scan3A_20 step %scan3A_21 iter_args(%scan3A_84 = %scan3A_17) -> (i32)  : i32 {
      %mul3A_85 = arith.constant 16 : i32
      %mul3A_86 = arith.muli %scan3A_83, %mul3A_85 : i32
      %add3A_87 = arith.constant 0 : i32
      %add3A_88 = arith.addi %add3A_87, %mul3A_86 : i32
      %get3A = arith.index_cast %add3A_88 : i32 to index
      %get3A_89 = tpu.vector_load %arg6[%get3A] {strides = array<i32>} : memref<6400xi32, #tpu.memory_space<vmem>>, vector<16xi32>,
      %ge3A = arith.constant 999936 : i32
      %ge3A_90 = vector.broadcast %ge3A : i32 to vector<16xi32>
      %ge3A_91 = arith.cmpi sge, %get3A_89, %ge3A_90 : vector<16xi32>
      %all_reduce_population_count3A = tpu.all_reduce %ge3A_91 {dim = 0 : i64, kind = #tpu.reduction_kind<sum>} : vector<16xi1> -> vector<16xi32>
      %slice3A = vector.extract_strided_slice %all_reduce_population_count3A {offsets = [0], sizes = [1], strides = [1]} : vector<16xi32> to vector<1xi32>
      %squeeze3A = vector.extract %slice3A[0] : i32 from vector<1xi32>
      %gt3A = arith.constant 0 : i32
      %gt3A_92 = arith.cmpi sgt, %squeeze3A, %gt3A : i32
      %convert_element_type3A = arith.extui %gt3A_92 : i1 to i32
      %cond3A = arith.constant 0 : i32
      %cond3A_93 = arith.cmpi ne, %convert_element_type3A, %cond3A : i32
      scf.if %cond3A_93 {
        %sub3A = arith.constant 999936 : i32
        %sub3A_95 = vector.broadcast %sub3A : i32 to vector<16xi32>
        %sub3A_96 = arith.subi %get3A_89, %sub3A_95 : vector<16xi32>
        %max3A = arith.constant 0 : i32
        %max3A_97 = vector.broadcast %max3A : i32 to vector<16xi32>
        %max3A_98 = arith.maxsi %sub3A_96, %max3A_97 : vector<16xi32>
        %mul3A_99 = arith.constant 16 : i32
        %mul3A_100 = arith.muli %scan3A_83, %mul3A_99 : i32
        %add3A_101 = vector.broadcast %mul3A_100 : i32 to vector<16xi32>
        %add3A_102 = arith.addi %iota3A, %add3A_101 : vector<16xi32>
        %broadcast_in_dim3A = arith.constant 0 : i32
        %broadcast_in_dim3A_103 = vector.broadcast %broadcast_in_dim3A : i32 to vector<16xi32>
        %gather3A = tpu.vector_load_idx %arg9[%max3A_98, %broadcast_in_dim3A_103] masked %ge3A_91 : memref<64x32xf32, #tpu.memory_space<vmem>>[vector<16xi32>, vector<16xi32>], vector<16xf32>, vector<16xi1>
        tpu.vector_store_idx %arg8[%add3A_102, %broadcast_in_dim3A_103], %gather3A masked %ge3A_91 : memref<1600x32xf32, #tpu.memory_space<vmem>>[vector<16xi32>, vector<16xi32>], vector<16xf32>, vector<16xi1>
        %broadcast_in_dim3A_104 = arith.constant 1 : i32
        %broadcast_in_dim3A_105 = vector.broadcast %broadcast_in_dim3A_104 : i32 to vector<16xi32>
        %gather3A_106 = tpu.vector_load_idx %arg9[%max3A_98, %broadcast_in_dim3A_105] masked %ge3A_91 : memref<64x32xf32, #tpu.memory_space<vmem>>[vector<16xi32>, vector<16xi32>], vector<16xf32>, vector<16xi1>
        tpu.vector_store_idx %arg8[%add3A_102, %broadcast_in_dim3A_105], %gather3A_106 masked %ge3A_91 : memref<1600x32xf32, #tpu.memory_space<vmem>>[vector<16xi32>, vector<16xi32>], vector<16xf32>, vector<16xi1>
        %broadcast_in_dim3A_107 = arith.constant 2 : i32
        %broadcast_in_dim3A_108 = vector.broadcast %broadcast_in_dim3A_107 : i32 to vector<16xi32>
        %gather3A_109 = tpu.vector_load_idx %arg9[%max3A_98, %broadcast_in_dim3A_108] masked %ge3A_91 : memref<64x32xf32, #tpu.memory_space<vmem>>[vector<16xi32>, vector<16xi32>], vector<16xf32>, vector<16xi1>
        tpu.vector_store_idx %arg8[%add3A_102, %broadcast_in_dim3A_108], %gather3A_109 masked %ge3A_91 : memref<1600x32xf32, #tpu.memory_space<vmem>>[vector<16xi32>, vector<16xi32>], vector<16xf32>, vector<16xi1>
        %broadcast_in_dim3A_110 = arith.constant 3 : i32
        %broadcast_in_dim3A_111 = vector.broadcast %broadcast_in_dim3A_110 : i32 to vector<16xi32>
        %gather3A_112 = tpu.vector_load_idx %arg9[%max3A_98, %broadcast_in_dim3A_111] masked %ge3A_91 : memref<64x32xf32, #tpu.memory_space<vmem>>[vector<16xi32>, vector<16xi32>], vector<16xf32>, vector<16xi1>
        tpu.vector_store_idx %arg8[%add3A_102, %broadcast_in_dim3A_111], %gather3A_112 masked %ge3A_91 : memref<1600x32xf32, #tpu.memory_space<vmem>>[vector<16xi32>, vector<16xi32>], vector<16xf32>, vector<16xi1>
        %broadcast_in_dim3A_113 = arith.constant 4 : i32
        %broadcast_in_dim3A_114 = vector.broadcast %broadcast_in_dim3A_113 : i32 to vector<16xi32>
        %gather3A_115 = tpu.vector_load_idx %arg9[%max3A_98, %broadcast_in_dim3A_114] masked %ge3A_91 : memref<64x32xf32, #tpu.memory_space<vmem>>[vector<16xi32>, vector<16xi32>], vector<16xf32>, vector<16xi1>
        tpu.vector_store_idx %arg8[%add3A_102, %broadcast_in_dim3A_114], %gather3A_115 masked %ge3A_91 : memref<1600x32xf32, #tpu.memory_space<vmem>>[vector<16xi32>, vector<16xi32>], vector<16xf32>, vector<16xi1>
        %broadcast_in_dim3A_116 = arith.constant 5 : i32
        %broadcast_in_dim3A_117 = vector.broadcast %broadcast_in_dim3A_116 : i32 to vector<16xi32>
        %gather3A_118 = tpu.vector_load_idx %arg9[%max3A_98, %broadcast_in_dim3A_117] masked %ge3A_91 : memref<64x32xf32, #tpu.memory_space<vmem>>[vector<16xi32>, vector<16xi32>], vector<16xf32>, vector<16xi1>
        tpu.vector_store_idx %arg8[%add3A_102, %broadcast_in_dim3A_117], %gather3A_118 masked %ge3A_91 : memref<1600x32xf32, #tpu.memory_space<vmem>>[vector<16xi32>, vector<16xi32>], vector<16xf32>, vector<16xi1>
        %broadcast_in_dim3A_119 = arith.constant 6 : i32
        %broadcast_in_dim3A_120 = vector.broadcast %broadcast_in_dim3A_119 : i32 to vector<16xi32>
        %gather3A_121 = tpu.vector_load_idx %arg9[%max3A_98, %broadcast_in_dim3A_120] masked %ge3A_91 : memref<64x32xf32, #tpu.memory_space<vmem>>[vector<16xi32>, vector<16xi32>], vector<16xf32>, vector<16xi1>
        tpu.vector_store_idx %arg8[%add3A_102, %broadcast_in_dim3A_120], %gather3A_121 masked %ge3A_91 : memref<1600x32xf32, #tpu.memory_space<vmem>>[vector<16xi32>, vector<16xi32>], vector<16xf32>, vector<16xi1>
        %broadcast_in_dim3A_122 = arith.constant 7 : i32
        %broadcast_in_dim3A_123 = vector.broadcast %broadcast_in_dim3A_122 : i32 to vector<16xi32>
        %gather3A_124 = tpu.vector_load_idx %arg9[%max3A_98, %broadcast_in_dim3A_123] masked %ge3A_91 : memref<64x32xf32, #tpu.memory_space<vmem>>[vector<16xi32>, vector<16xi32>], vector<16xf32>, vector<16xi1>
        tpu.vector_store_idx %arg8[%add3A_102, %broadcast_in_dim3A_123], %gather3A_124 masked %ge3A_91 : memref<1600x32xf32, #tpu.memory_space<vmem>>[vector<16xi32>, vector<16xi32>], vector<16xf32>, vector<16xi1>
        %broadcast_in_dim3A_125 = arith.constant 8 : i32
        %broadcast_in_dim3A_126 = vector.broadcast %broadcast_in_dim3A_125 : i32 to vector<16xi32>
        %gather3A_127 = tpu.vector_load_idx %arg9[%max3A_98, %broadcast_in_dim3A_126] masked %ge3A_91 : memref<64x32xf32, #tpu.memory_space<vmem>>[vector<16xi32>, vector<16xi32>], vector<16xf32>, vector<16xi1>
        tpu.vector_store_idx %arg8[%add3A_102, %broadcast_in_dim3A_126], %gather3A_127 masked %ge3A_91 : memref<1600x32xf32, #tpu.memory_space<vmem>>[vector<16xi32>, vector<16xi32>], vector<16xf32>, vector<16xi1>
        %broadcast_in_dim3A_128 = arith.constant 9 : i32
        %broadcast_in_dim3A_129 = vector.broadcast %broadcast_in_dim3A_128 : i32 to vector<16xi32>
        %gather3A_130 = tpu.vector_load_idx %arg9[%max3A_98, %broadcast_in_dim3A_129] masked %ge3A_91 : memref<64x32xf32, #tpu.memory_space<vmem>>[vector<16xi32>, vector<16xi32>], vector<16xf32>, vector<16xi1>
        tpu.vector_store_idx %arg8[%add3A_102, %broadcast_in_dim3A_129], %gather3A_130 masked %ge3A_91 : memref<1600x32xf32, #tpu.memory_space<vmem>>[vector<16xi32>, vector<16xi32>], vector<16xf32>, vector<16xi1>
        %broadcast_in_dim3A_131 = arith.constant 10 : i32
        %broadcast_in_dim3A_132 = vector.broadcast %broadcast_in_dim3A_131 : i32 to vector<16xi32>
        %gather3A_133 = tpu.vector_load_idx %arg9[%max3A_98, %broadcast_in_dim3A_132] masked %ge3A_91 : memref<64x32xf32, #tpu.memory_space<vmem>>[vector<16xi32>, vector<16xi32>], vector<16xf32>, vector<16xi1>
        tpu.vector_store_idx %arg8[%add3A_102, %broadcast_in_dim3A_132], %gather3A_133 masked %ge3A_91 : memref<1600x32xf32, #tpu.memory_space<vmem>>[vector<16xi32>, vector<16xi32>], vector<16xf32>, vector<16xi1>
        %broadcast_in_dim3A_134 = arith.constant 11 : i32
        %broadcast_in_dim3A_135 = vector.broadcast %broadcast_in_dim3A_134 : i32 to vector<16xi32>
        %gather3A_136 = tpu.vector_load_idx %arg9[%max3A_98, %broadcast_in_dim3A_135] masked %ge3A_91 : memref<64x32xf32, #tpu.memory_space<vmem>>[vector<16xi32>, vector<16xi32>], vector<16xf32>, vector<16xi1>
        tpu.vector_store_idx %arg8[%add3A_102, %broadcast_in_dim3A_135], %gather3A_136 masked %ge3A_91 : memref<1600x32xf32, #tpu.memory_space<vmem>>[vector<16xi32>, vector<16xi32>], vector<16xf32>, vector<16xi1>
        %broadcast_in_dim3A_137 = arith.constant 12 : i32
        %broadcast_in_dim3A_138 = vector.broadcast %broadcast_in_dim3A_137 : i32 to vector<16xi32>
        %gather3A_139 = tpu.vector_load_idx %arg9[%max3A_98, %broadcast_in_dim3A_138] masked %ge3A_91 : memref<64x32xf32, #tpu.memory_space<vmem>>[vector<16xi32>, vector<16xi32>], vector<16xf32>, vector<16xi1>
        tpu.vector_store_idx %arg8[%add3A_102, %broadcast_in_dim3A_138], %gather3A_139 masked %ge3A_91 : memref<1600x32xf32, #tpu.memory_space<vmem>>[vector<16xi32>, vector<16xi32>], vector<16xf32>, vector<16xi1>
        %broadcast_in_dim3A_140 = arith.constant 13 : i32
        %broadcast_in_dim3A_141 = vector.broadcast %broadcast_in_dim3A_140 : i32 to vector<16xi32>
        %gather3A_142 = tpu.vector_load_idx %arg9[%max3A_98, %broadcast_in_dim3A_141] masked %ge3A_91 : memref<64x32xf32, #tpu.memory_space<vmem>>[vector<16xi32>, vector<16xi32>], vector<16xf32>, vector<16xi1>
        tpu.vector_store_idx %arg8[%add3A_102, %broadcast_in_dim3A_141], %gather3A_142 masked %ge3A_91 : memref<1600x32xf32, #tpu.memory_space<vmem>>[vector<16xi32>, vector<16xi32>], vector<16xf32>, vector<16xi1>
        %broadcast_in_dim3A_143 = arith.constant 14 : i32
        %broadcast_in_dim3A_144 = vector.broadcast %broadcast_in_dim3A_143 : i32 to vector<16xi32>
        %gather3A_145 = tpu.vector_load_idx %arg9[%max3A_98, %broadcast_in_dim3A_144] masked %ge3A_91 : memref<64x32xf32, #tpu.memory_space<vmem>>[vector<16xi32>, vector<16xi32>], vector<16xf32>, vector<16xi1>
        tpu.vector_store_idx %arg8[%add3A_102, %broadcast_in_dim3A_144], %gather3A_145 masked %ge3A_91 : memref<1600x32xf32, #tpu.memory_space<vmem>>[vector<16xi32>, vector<16xi32>], vector<16xf32>, vector<16xi1>
        %broadcast_in_dim3A_146 = arith.constant 15 : i32
        %broadcast_in_dim3A_147 = vector.broadcast %broadcast_in_dim3A_146 : i32 to vector<16xi32>
        %gather3A_148 = tpu.vector_load_idx %arg9[%max3A_98, %broadcast_in_dim3A_147] masked %ge3A_91 : memref<64x32xf32, #tpu.memory_space<vmem>>[vector<16xi32>, vector<16xi32>], vector<16xf32>, vector<16xi1>
        tpu.vector_store_idx %arg8[%add3A_102, %broadcast_in_dim3A_147], %gather3A_148 masked %ge3A_91 : memref<1600x32xf32, #tpu.memory_space<vmem>>[vector<16xi32>, vector<16xi32>], vector<16xf32>, vector<16xi1>
        %broadcast_in_dim3A_149 = arith.constant 16 : i32
        %broadcast_in_dim3A_150 = vector.broadcast %broadcast_in_dim3A_149 : i32 to vector<16xi32>
        %gather3A_151 = tpu.vector_load_idx %arg9[%max3A_98, %broadcast_in_dim3A_150] masked %ge3A_91 : memref<64x32xf32, #tpu.memory_space<vmem>>[vector<16xi32>, vector<16xi32>], vector<16xf32>, vector<16xi1>
        tpu.vector_store_idx %arg8[%add3A_102, %broadcast_in_dim3A_150], %gather3A_151 masked %ge3A_91 : memref<1600x32xf32, #tpu.memory_space<vmem>>[vector<16xi32>, vector<16xi32>], vector<16xf32>, vector<16xi1>
        %broadcast_in_dim3A_152 = arith.constant 17 : i32
        %broadcast_in_dim3A_153 = vector.broadcast %broadcast_in_dim3A_152 : i32 to vector<16xi32>
        %gather3A_154 = tpu.vector_load_idx %arg9[%max3A_98, %broadcast_in_dim3A_153] masked %ge3A_91 : memref<64x32xf32, #tpu.memory_space<vmem>>[vector<16xi32>, vector<16xi32>], vector<16xf32>, vector<16xi1>
        tpu.vector_store_idx %arg8[%add3A_102, %broadcast_in_dim3A_153], %gather3A_154 masked %ge3A_91 : memref<1600x32xf32, #tpu.memory_space<vmem>>[vector<16xi32>, vector<16xi32>], vector<16xf32>, vector<16xi1>
        %broadcast_in_dim3A_155 = arith.constant 18 : i32
        %broadcast_in_dim3A_156 = vector.broadcast %broadcast_in_dim3A_155 : i32 to vector<16xi32>
        %gather3A_157 = tpu.vector_load_idx %arg9[%max3A_98, %broadcast_in_dim3A_156] masked %ge3A_91 : memref<64x32xf32, #tpu.memory_space<vmem>>[vector<16xi32>, vector<16xi32>], vector<16xf32>, vector<16xi1>
        tpu.vector_store_idx %arg8[%add3A_102, %broadcast_in_dim3A_156], %gather3A_157 masked %ge3A_91 : memref<1600x32xf32, #tpu.memory_space<vmem>>[vector<16xi32>, vector<16xi32>], vector<16xf32>, vector<16xi1>
        %broadcast_in_dim3A_158 = arith.constant 19 : i32
        %broadcast_in_dim3A_159 = vector.broadcast %broadcast_in_dim3A_158 : i32 to vector<16xi32>
        %gather3A_160 = tpu.vector_load_idx %arg9[%max3A_98, %broadcast_in_dim3A_159] masked %ge3A_91 : memref<64x32xf32, #tpu.memory_space<vmem>>[vector<16xi32>, vector<16xi32>], vector<16xf32>, vector<16xi1>
        tpu.vector_store_idx %arg8[%add3A_102, %broadcast_in_dim3A_159], %gather3A_160 masked %ge3A_91 : memref<1600x32xf32, #tpu.memory_space<vmem>>[vector<16xi32>, vector<16xi32>], vector<16xf32>, vector<16xi1>
        %broadcast_in_dim3A_161 = arith.constant 20 : i32
        %broadcast_in_dim3A_162 = vector.broadcast %broadcast_in_dim3A_161 : i32 to vector<16xi32>
        %gather3A_163 = tpu.vector_load_idx %arg9[%max3A_98, %broadcast_in_dim3A_162] masked %ge3A_91 : memref<64x32xf32, #tpu.memory_space<vmem>>[vector<16xi32>, vector<16xi32>], vector<16xf32>, vector<16xi1>
        tpu.vector_store_idx %arg8[%add3A_102, %broadcast_in_dim3A_162], %gather3A_163 masked %ge3A_91 : memref<1600x32xf32, #tpu.memory_space<vmem>>[vector<16xi32>, vector<16xi32>], vector<16xf32>, vector<16xi1>
        %broadcast_in_dim3A_164 = arith.constant 21 : i32
        %broadcast_in_dim3A_165 = vector.broadcast %broadcast_in_dim3A_164 : i32 to vector<16xi32>
        %gather3A_166 = tpu.vector_load_idx %arg9[%max3A_98, %broadcast_in_dim3A_165] masked %ge3A_91 : memref<64x32xf32, #tpu.memory_space<vmem>>[vector<16xi32>, vector<16xi32>], vector<16xf32>, vector<16xi1>
        tpu.vector_store_idx %arg8[%add3A_102, %broadcast_in_dim3A_165], %gather3A_166 masked %ge3A_91 : memref<1600x32xf32, #tpu.memory_space<vmem>>[vector<16xi32>, vector<16xi32>], vector<16xf32>, vector<16xi1>
        %broadcast_in_dim3A_167 = arith.constant 22 : i32
        %broadcast_in_dim3A_168 = vector.broadcast %broadcast_in_dim3A_167 : i32 to vector<16xi32>
        %gather3A_169 = tpu.vector_load_idx %arg9[%max3A_98, %broadcast_in_dim3A_168] masked %ge3A_91 : memref<64x32xf32, #tpu.memory_space<vmem>>[vector<16xi32>, vector<16xi32>], vector<16xf32>, vector<16xi1>
        tpu.vector_store_idx %arg8[%add3A_102, %broadcast_in_dim3A_168], %gather3A_169 masked %ge3A_91 : memref<1600x32xf32, #tpu.memory_space<vmem>>[vector<16xi32>, vector<16xi32>], vector<16xf32>, vector<16xi1>
        %broadcast_in_dim3A_170 = arith.constant 23 : i32
        %broadcast_in_dim3A_171 = vector.broadcast %broadcast_in_dim3A_170 : i32 to vector<16xi32>
        %gather3A_172 = tpu.vector_load_idx %arg9[%max3A_98, %broadcast_in_dim3A_171] masked %ge3A_91 : memref<64x32xf32, #tpu.memory_space<vmem>>[vector<16xi32>, vector<16xi32>], vector<16xf32>, vector<16xi1>
        tpu.vector_store_idx %arg8[%add3A_102, %broadcast_in_dim3A_171], %gather3A_172 masked %ge3A_91 : memref<1600x32xf32, #tpu.memory_space<vmem>>[vector<16xi32>, vector<16xi32>], vector<16xf32>, vector<16xi1>
        %broadcast_in_dim3A_173 = arith.constant 24 : i32
        %broadcast_in_dim3A_174 = vector.broadcast %broadcast_in_dim3A_173 : i32 to vector<16xi32>
        %gather3A_175 = tpu.vector_load_idx %arg9[%max3A_98, %broadcast_in_dim3A_174] masked %ge3A_91 : memref<64x32xf32, #tpu.memory_space<vmem>>[vector<16xi32>, vector<16xi32>], vector<16xf32>, vector<16xi1>
        tpu.vector_store_idx %arg8[%add3A_102, %broadcast_in_dim3A_174], %gather3A_175 masked %ge3A_91 : memref<1600x32xf32, #tpu.memory_space<vmem>>[vector<16xi32>, vector<16xi32>], vector<16xf32>, vector<16xi1>
        %broadcast_in_dim3A_176 = arith.constant 25 : i32
        %broadcast_in_dim3A_177 = vector.broadcast %broadcast_in_dim3A_176 : i32 to vector<16xi32>
        %gather3A_178 = tpu.vector_load_idx %arg9[%max3A_98, %broadcast_in_dim3A_177] masked %ge3A_91 : memref<64x32xf32, #tpu.memory_space<vmem>>[vector<16xi32>, vector<16xi32>], vector<16xf32>, vector<16xi1>
        tpu.vector_store_idx %arg8[%add3A_102, %broadcast_in_dim3A_177], %gather3A_178 masked %ge3A_91 : memref<1600x32xf32, #tpu.memory_space<vmem>>[vector<16xi32>, vector<16xi32>], vector<16xf32>, vector<16xi1>
        %broadcast_in_dim3A_179 = arith.constant 26 : i32
        %broadcast_in_dim3A_180 = vector.broadcast %broadcast_in_dim3A_179 : i32 to vector<16xi32>
        %gather3A_181 = tpu.vector_load_idx %arg9[%max3A_98, %broadcast_in_dim3A_180] masked %ge3A_91 : memref<64x32xf32, #tpu.memory_space<vmem>>[vector<16xi32>, vector<16xi32>], vector<16xf32>, vector<16xi1>
        tpu.vector_store_idx %arg8[%add3A_102, %broadcast_in_dim3A_180], %gather3A_181 masked %ge3A_91 : memref<1600x32xf32, #tpu.memory_space<vmem>>[vector<16xi32>, vector<16xi32>], vector<16xf32>, vector<16xi1>
        %broadcast_in_dim3A_182 = arith.constant 27 : i32
        %broadcast_in_dim3A_183 = vector.broadcast %broadcast_in_dim3A_182 : i32 to vector<16xi32>
        %gather3A_184 = tpu.vector_load_idx %arg9[%max3A_98, %broadcast_in_dim3A_183] masked %ge3A_91 : memref<64x32xf32, #tpu.memory_space<vmem>>[vector<16xi32>, vector<16xi32>], vector<16xf32>, vector<16xi1>
        tpu.vector_store_idx %arg8[%add3A_102, %broadcast_in_dim3A_183], %gather3A_184 masked %ge3A_91 : memref<1600x32xf32, #tpu.memory_space<vmem>>[vector<16xi32>, vector<16xi32>], vector<16xf32>, vector<16xi1>
        %broadcast_in_dim3A_185 = arith.constant 28 : i32
        %broadcast_in_dim3A_186 = vector.broadcast %broadcast_in_dim3A_185 : i32 to vector<16xi32>
        %gather3A_187 = tpu.vector_load_idx %arg9[%max3A_98, %broadcast_in_dim3A_186] masked %ge3A_91 : memref<64x32xf32, #tpu.memory_space<vmem>>[vector<16xi32>, vector<16xi32>], vector<16xf32>, vector<16xi1>
        tpu.vector_store_idx %arg8[%add3A_102, %broadcast_in_dim3A_186], %gather3A_187 masked %ge3A_91 : memref<1600x32xf32, #tpu.memory_space<vmem>>[vector<16xi32>, vector<16xi32>], vector<16xf32>, vector<16xi1>
        %broadcast_in_dim3A_188 = arith.constant 29 : i32
        %broadcast_in_dim3A_189 = vector.broadcast %broadcast_in_dim3A_188 : i32 to vector<16xi32>
        %gather3A_190 = tpu.vector_load_idx %arg9[%max3A_98, %broadcast_in_dim3A_189] masked %ge3A_91 : memref<64x32xf32, #tpu.memory_space<vmem>>[vector<16xi32>, vector<16xi32>], vector<16xf32>, vector<16xi1>
        tpu.vector_store_idx %arg8[%add3A_102, %broadcast_in_dim3A_189], %gather3A_190 masked %ge3A_91 : memref<1600x32xf32, #tpu.memory_space<vmem>>[vector<16xi32>, vector<16xi32>], vector<16xf32>, vector<16xi1>
        %broadcast_in_dim3A_191 = arith.constant 30 : i32
        %broadcast_in_dim3A_192 = vector.broadcast %broadcast_in_dim3A_191 : i32 to vector<16xi32>
        %gather3A_193 = tpu.vector_load_idx %arg9[%max3A_98, %broadcast_in_dim3A_192] masked %ge3A_91 : memref<64x32xf32, #tpu.memory_space<vmem>>[vector<16xi32>, vector<16xi32>], vector<16xf32>, vector<16xi1>
        tpu.vector_store_idx %arg8[%add3A_102, %broadcast_in_dim3A_192], %gather3A_193 masked %ge3A_91 : memref<1600x32xf32, #tpu.memory_space<vmem>>[vector<16xi32>, vector<16xi32>], vector<16xf32>, vector<16xi1>
        %broadcast_in_dim3A_194 = arith.constant 31 : i32
        %broadcast_in_dim3A_195 = vector.broadcast %broadcast_in_dim3A_194 : i32 to vector<16xi32>
        %gather3A_196 = tpu.vector_load_idx %arg9[%max3A_98, %broadcast_in_dim3A_195] masked %ge3A_91 : memref<64x32xf32, #tpu.memory_space<vmem>>[vector<16xi32>, vector<16xi32>], vector<16xf32>, vector<16xi1>
        tpu.vector_store_idx %arg8[%add3A_102, %broadcast_in_dim3A_195], %gather3A_196 masked %ge3A_91 : memref<1600x32xf32, #tpu.memory_space<vmem>>[vector<16xi32>, vector<16xi32>], vector<16xf32>, vector<16xi1>
      } else {
      }
      %scan3A_94 = arith.constant 0 : i32
      scf.yield %scan3A_94 : i32
    }
    %scan3A_23 = arith.constant 100 : i32
    %add3A_24 = arith.constant 0 : i32
    %add3A_25 = arith.addi %mul3A_2, %add3A_24 : i32
    "tpu.region"() ({
      %run_scoped3A = tpu.sem_alloc : memref<!tpu.dma_semaphore, #tpu.memory_space<semaphore_mem>>
      %dma_start3A_83 = arith.constant 0 : i32
      %dma_start3A_84 = tpu.memref_slice %arg5[%add3A_25, %dma_start3A_83] : memref<204800x32xf32, #tpu.memory_space<hbm>> -> memref<1600x32xf32, #tpu.memory_space<hbm>>
      %dma_start3A_85 = arith.constant 0 : i32
      %dma_start3A_86 = tpu.memref_slice %arg5[%add3A_25, %dma_start3A_85] : memref<204800x32xf32, #tpu.memory_space<hbm>> -> memref<1600x32xf32, #tpu.memory_space<hbm>>
      tpu.enqueue_dma source(%arg8 : memref<1600x32xf32, #tpu.memory_space<vmem>>) target(%dma_start3A_86 : memref<1600x32xf32, #tpu.memory_space<hbm>>) target_semaphore(%run_scoped3A : memref<!tpu.dma_semaphore, #tpu.memory_space<semaphore_mem>>)
      %dma_wait3A_87 = arith.constant 0 : i32
      %dma_wait3A_88 = tpu.memref_slice %arg5[%add3A_25, %dma_wait3A_87] : memref<204800x32xf32, #tpu.memory_space<hbm>> -> memref<1600x32xf32, #tpu.memory_space<hbm>>
      %dma_wait3A_89 = arith.constant 0 : i32
      %dma_wait3A_90 = tpu.memref_slice %arg5[%add3A_25, %dma_wait3A_89] : memref<204800x32xf32, #tpu.memory_space<hbm>> -> memref<1600x32xf32, #tpu.memory_space<hbm>>
      tpu.wait_dma2 semaphore(%run_scoped3A : memref<!tpu.dma_semaphore, #tpu.memory_space<semaphore_mem>>) src(%arg8 : memref<1600x32xf32, #tpu.memory_space<vmem>>) dst(%dma_wait3A_90 : memref<1600x32xf32, #tpu.memory_space<hbm>>)
      tpu.yield
    }) : () -> ()
    %dma_start3A_26 = arith.constant 1600 : i32
    %dma_start3A_27 = tpu.memref_slice %arg7[%dma_start3A_26] : memref<6400xi32, #tpu.memory_space<vmem>> -> memref<1600xi32, #tpu.memory_space<vmem>>
    %dma_start3A_28 = arith.constant 0 : i32
    %dma_start3A_29 = arith.constant 0 : i32
    %dma_start3A_30 = tpu.memref_slice %arg3[%dma_start3A_28, %dma_start3A_29] : memref<999936x32xf32, #tpu.memory_space<hbm>> -> memref<999936x32xf32, #tpu.memory_space<hbm>>
    tpu.enqueue_indirect_dma source(%dma_start3A_30 : memref<999936x32xf32, #tpu.memory_space<hbm>>) target(%arg8 : memref<1600x32xf32, #tpu.memory_space<vmem>>) offsets(%dma_start3A_27 : memref<1600xi32, #tpu.memory_space<vmem>>) semaphore(%arg10 : memref<!tpu.dma_semaphore, #tpu.memory_space<semaphore_mem>>)
    %dma_wait3A_31 = arith.constant 1600 : i32
    %dma_wait3A_32 = tpu.memref_slice %arg7[%dma_wait3A_31] : memref<6400xi32, #tpu.memory_space<vmem>> -> memref<1600xi32, #tpu.memory_space<vmem>>
    %dma_wait3A_33 = arith.constant 0 : i32
    %dma_wait3A_34 = arith.constant 0 : i32
    %dma_wait3A_35 = tpu.memref_slice %arg3[%dma_wait3A_33, %dma_wait3A_34] : memref<999936x32xf32, #tpu.memory_space<hbm>> -> memref<999936x32xf32, #tpu.memory_space<hbm>>
    tpu.wait_indirect_dma semaphore(%arg10 : memref<!tpu.dma_semaphore, #tpu.memory_space<semaphore_mem>>) src(%dma_wait3A_35 : memref<999936x32xf32, #tpu.memory_space<hbm>>) dst(%arg8 : memref<1600x32xf32, #tpu.memory_space<vmem>>)
    %scan3A_36 = arith.constant 0 : i32
    %scan3A_37 = arith.constant 0 : i32
    %scan3A_38 = arith.constant 100 : i32
    %scan3A_39 = arith.addi %scan3A_37, %scan3A_38 : i32
    %scan3A_40 = arith.constant 1 : i32
    %scan3A_41 = scf.for %scan3A_83 = %scan3A_37 to %scan3A_39 step %scan3A_40 iter_args(%scan3A_84 = %scan3A_36) -> (i32)  : i32 {
      %mul3A_85 = arith.constant 16 : i32
      %mul3A_86 = arith.muli %scan3A_83, %mul3A_85 : i32
      %add3A_87 = arith.constant 1600 : i32
      %add3A_88 = arith.addi %add3A_87, %mul3A_86 : i32
      %get3A = arith.index_cast %add3A_88 : i32 to index
      %get3A_89 = tpu.vector_load %arg6[%get3A] {strides = array<i32>} : memref<6400xi32, #tpu.memory_space<vmem>>, vector<16xi32>,
      %ge3A = arith.constant 999936 : i32
      %ge3A_90 = vector.broadcast %ge3A : i32 to vector<16xi32>
      %ge3A_91 = arith.cmpi sge, %get3A_89, %ge3A_90 : vector<16xi32>
      %all_reduce_population_count3A = tpu.all_reduce %ge3A_91 {dim = 0 : i64, kind = #tpu.reduction_kind<sum>} : vector<16xi1> -> vector<16xi32>
      %slice3A = vector.extract_strided_slice %all_reduce_population_count3A {offsets = [0], sizes = [1], strides = [1]} : vector<16xi32> to vector<1xi32>
      %squeeze3A = vector.extract %slice3A[0] : i32 from vector<1xi32>
      %gt3A = arith.constant 0 : i32
      %gt3A_92 = arith.cmpi sgt, %squeeze3A, %gt3A : i32
      %convert_element_type3A = arith.extui %gt3A_92 : i1 to i32
      %cond3A = arith.constant 0 : i32
      %cond3A_93 = arith.cmpi ne, %convert_element_type3A, %cond3A : i32
      scf.if %cond3A_93 {
        %sub3A = arith.constant 999936 : i32
        %sub3A_95 = vector.broadcast %sub3A : i32 to vector<16xi32>
        %sub3A_96 = arith.subi %get3A_89, %sub3A_95 : vector<16xi32>
        %max3A = arith.constant 0 : i32
        %max3A_97 = vector.broadcast %max3A : i32 to vector<16xi32>
        %max3A_98 = arith.maxsi %sub3A_96, %max3A_97 : vector<16xi32>
        %mul3A_99 = arith.constant 16 : i32
        %mul3A_100 = arith.muli %scan3A_83, %mul3A_99 : i32
        %add3A_101 = vector.broadcast %mul3A_100 : i32 to vector<16xi32>
        %add3A_102 = arith.addi %iota3A, %add3A_101 : vector<16xi32>
        %broadcast_in_dim3A = arith.constant 0 : i32
        %broadcast_in_dim3A_103 = vector.broadcast %broadcast_in_dim3A : i32 to vector<16xi32>
        %gather3A = tpu.vector_load_idx %arg9[%max3A_98, %broadcast_in_dim3A_103] masked %ge3A_91 : memref<64x32xf32, #tpu.memory_space<vmem>>[vector<16xi32>, vector<16xi32>], vector<16xf32>, vector<16xi1>
        tpu.vector_store_idx %arg8[%add3A_102, %broadcast_in_dim3A_103], %gather3A masked %ge3A_91 : memref<1600x32xf32, #tpu.memory_space<vmem>>[vector<16xi32>, vector<16xi32>], vector<16xf32>, vector<16xi1>
        %broadcast_in_dim3A_104 = arith.constant 1 : i32
        %broadcast_in_dim3A_105 = vector.broadcast %broadcast_in_dim3A_104 : i32 to vector<16xi32>
        %gather3A_106 = tpu.vector_load_idx %arg9[%max3A_98, %broadcast_in_dim3A_105] masked %ge3A_91 : memref<64x32xf32, #tpu.memory_space<vmem>>[vector<16xi32>, vector<16xi32>], vector<16xf32>, vector<16xi1>
        tpu.vector_store_idx %arg8[%add3A_102, %broadcast_in_dim3A_105], %gather3A_106 masked %ge3A_91 : memref<1600x32xf32, #tpu.memory_space<vmem>>[vector<16xi32>, vector<16xi32>], vector<16xf32>, vector<16xi1>
        %broadcast_in_dim3A_107 = arith.constant 2 : i32
        %broadcast_in_dim3A_108 = vector.broadcast %broadcast_in_dim3A_107 : i32 to vector<16xi32>
        %gather3A_109 = tpu.vector_load_idx %arg9[%max3A_98, %broadcast_in_dim3A_108] masked %ge3A_91 : memref<64x32xf32, #tpu.memory_space<vmem>>[vector<16xi32>, vector<16xi32>], vector<16xf32>, vector<16xi1>
        tpu.vector_store_idx %arg8[%add3A_102, %broadcast_in_dim3A_108], %gather3A_109 masked %ge3A_91 : memref<1600x32xf32, #tpu.memory_space<vmem>>[vector<16xi32>, vector<16xi32>], vector<16xf32>, vector<16xi1>
        %broadcast_in_dim3A_110 = arith.constant 3 : i32
        %broadcast_in_dim3A_111 = vector.broadcast %broadcast_in_dim3A_110 : i32 to vector<16xi32>
        %gather3A_112 = tpu.vector_load_idx %arg9[%max3A_98, %broadcast_in_dim3A_111] masked %ge3A_91 : memref<64x32xf32, #tpu.memory_space<vmem>>[vector<16xi32>, vector<16xi32>], vector<16xf32>, vector<16xi1>
        tpu.vector_store_idx %arg8[%add3A_102, %broadcast_in_dim3A_111], %gather3A_112 masked %ge3A_91 : memref<1600x32xf32, #tpu.memory_space<vmem>>[vector<16xi32>, vector<16xi32>], vector<16xf32>, vector<16xi1>
        %broadcast_in_dim3A_113 = arith.constant 4 : i32
        %broadcast_in_dim3A_114 = vector.broadcast %broadcast_in_dim3A_113 : i32 to vector<16xi32>
        %gather3A_115 = tpu.vector_load_idx %arg9[%max3A_98, %broadcast_in_dim3A_114] masked %ge3A_91 : memref<64x32xf32, #tpu.memory_space<vmem>>[vector<16xi32>, vector<16xi32>], vector<16xf32>, vector<16xi1>
        tpu.vector_store_idx %arg8[%add3A_102, %broadcast_in_dim3A_114], %gather3A_115 masked %ge3A_91 : memref<1600x32xf32, #tpu.memory_space<vmem>>[vector<16xi32>, vector<16xi32>], vector<16xf32>, vector<16xi1>
        %broadcast_in_dim3A_116 = arith.constant 5 : i32
        %broadcast_in_dim3A_117 = vector.broadcast %broadcast_in_dim3A_116 : i32 to vector<16xi32>
        %gather3A_118 = tpu.vector_load_idx %arg9[%max3A_98, %broadcast_in_dim3A_117] masked %ge3A_91 : memref<64x32xf32, #tpu.memory_space<vmem>>[vector<16xi32>, vector<16xi32>], vector<16xf32>, vector<16xi1>
        tpu.vector_store_idx %arg8[%add3A_102, %broadcast_in_dim3A_117], %gather3A_118 masked %ge3A_91 : memref<1600x32xf32, #tpu.memory_space<vmem>>[vector<16xi32>, vector<16xi32>], vector<16xf32>, vector<16xi1>
        %broadcast_in_dim3A_119 = arith.constant 6 : i32
        %broadcast_in_dim3A_120 = vector.broadcast %broadcast_in_dim3A_119 : i32 to vector<16xi32>
        %gather3A_121 = tpu.vector_load_idx %arg9[%max3A_98, %broadcast_in_dim3A_120] masked %ge3A_91 : memref<64x32xf32, #tpu.memory_space<vmem>>[vector<16xi32>, vector<16xi32>], vector<16xf32>, vector<16xi1>
        tpu.vector_store_idx %arg8[%add3A_102, %broadcast_in_dim3A_120], %gather3A_121 masked %ge3A_91 : memref<1600x32xf32, #tpu.memory_space<vmem>>[vector<16xi32>, vector<16xi32>], vector<16xf32>, vector<16xi1>
        %broadcast_in_dim3A_122 = arith.constant 7 : i32
        %broadcast_in_dim3A_123 = vector.broadcast %broadcast_in_dim3A_122 : i32 to vector<16xi32>
        %gather3A_124 = tpu.vector_load_idx %arg9[%max3A_98, %broadcast_in_dim3A_123] masked %ge3A_91 : memref<64x32xf32, #tpu.memory_space<vmem>>[vector<16xi32>, vector<16xi32>], vector<16xf32>, vector<16xi1>
        tpu.vector_store_idx %arg8[%add3A_102, %broadcast_in_dim3A_123], %gather3A_124 masked %ge3A_91 : memref<1600x32xf32, #tpu.memory_space<vmem>>[vector<16xi32>, vector<16xi32>], vector<16xf32>, vector<16xi1>
        %broadcast_in_dim3A_125 = arith.constant 8 : i32
        %broadcast_in_dim3A_126 = vector.broadcast %broadcast_in_dim3A_125 : i32 to vector<16xi32>
        %gather3A_127 = tpu.vector_load_idx %arg9[%max3A_98, %broadcast_in_dim3A_126] masked %ge3A_91 : memref<64x32xf32, #tpu.memory_space<vmem>>[vector<16xi32>, vector<16xi32>], vector<16xf32>, vector<16xi1>
        tpu.vector_store_idx %arg8[%add3A_102, %broadcast_in_dim3A_126], %gather3A_127 masked %ge3A_91 : memref<1600x32xf32, #tpu.memory_space<vmem>>[vector<16xi32>, vector<16xi32>], vector<16xf32>, vector<16xi1>
        %broadcast_in_dim3A_128 = arith.constant 9 : i32
        %broadcast_in_dim3A_129 = vector.broadcast %broadcast_in_dim3A_128 : i32 to vector<16xi32>
        %gather3A_130 = tpu.vector_load_idx %arg9[%max3A_98, %broadcast_in_dim3A_129] masked %ge3A_91 : memref<64x32xf32, #tpu.memory_space<vmem>>[vector<16xi32>, vector<16xi32>], vector<16xf32>, vector<16xi1>
        tpu.vector_store_idx %arg8[%add3A_102, %broadcast_in_dim3A_129], %gather3A_130 masked %ge3A_91 : memref<1600x32xf32, #tpu.memory_space<vmem>>[vector<16xi32>, vector<16xi32>], vector<16xf32>, vector<16xi1>
        %broadcast_in_dim3A_131 = arith.constant 10 : i32
        %broadcast_in_dim3A_132 = vector.broadcast %broadcast_in_dim3A_131 : i32 to vector<16xi32>
        %gather3A_133 = tpu.vector_load_idx %arg9[%max3A_98, %broadcast_in_dim3A_132] masked %ge3A_91 : memref<64x32xf32, #tpu.memory_space<vmem>>[vector<16xi32>, vector<16xi32>], vector<16xf32>, vector<16xi1>
        tpu.vector_store_idx %arg8[%add3A_102, %broadcast_in_dim3A_132], %gather3A_133 masked %ge3A_91 : memref<1600x32xf32, #tpu.memory_space<vmem>>[vector<16xi32>, vector<16xi32>], vector<16xf32>, vector<16xi1>
        %broadcast_in_dim3A_134 = arith.constant 11 : i32
        %broadcast_in_dim3A_135 = vector.broadcast %broadcast_in_dim3A_134 : i32 to vector<16xi32>
        %gather3A_136 = tpu.vector_load_idx %arg9[%max3A_98, %broadcast_in_dim3A_135] masked %ge3A_91 : memref<64x32xf32, #tpu.memory_space<vmem>>[vector<16xi32>, vector<16xi32>], vector<16xf32>, vector<16xi1>
        tpu.vector_store_idx %arg8[%add3A_102, %broadcast_in_dim3A_135], %gather3A_136 masked %ge3A_91 : memref<1600x32xf32, #tpu.memory_space<vmem>>[vector<16xi32>, vector<16xi32>], vector<16xf32>, vector<16xi1>
        %broadcast_in_dim3A_137 = arith.constant 12 : i32
        %broadcast_in_dim3A_138 = vector.broadcast %broadcast_in_dim3A_137 : i32 to vector<16xi32>
        %gather3A_139 = tpu.vector_load_idx %arg9[%max3A_98, %broadcast_in_dim3A_138] masked %ge3A_91 : memref<64x32xf32, #tpu.memory_space<vmem>>[vector<16xi32>, vector<16xi32>], vector<16xf32>, vector<16xi1>
        tpu.vector_store_idx %arg8[%add3A_102, %broadcast_in_dim3A_138], %gather3A_139 masked %ge3A_91 : memref<1600x32xf32, #tpu.memory_space<vmem>>[vector<16xi32>, vector<16xi32>], vector<16xf32>, vector<16xi1>
        %broadcast_in_dim3A_140 = arith.constant 13 : i32
        %broadcast_in_dim3A_141 = vector.broadcast %broadcast_in_dim3A_140 : i32 to vector<16xi32>
        %gather3A_142 = tpu.vector_load_idx %arg9[%max3A_98, %broadcast_in_dim3A_141] masked %ge3A_91 : memref<64x32xf32, #tpu.memory_space<vmem>>[vector<16xi32>, vector<16xi32>], vector<16xf32>, vector<16xi1>
        tpu.vector_store_idx %arg8[%add3A_102, %broadcast_in_dim3A_141], %gather3A_142 masked %ge3A_91 : memref<1600x32xf32, #tpu.memory_space<vmem>>[vector<16xi32>, vector<16xi32>], vector<16xf32>, vector<16xi1>
        %broadcast_in_dim3A_143 = arith.constant 14 : i32
        %broadcast_in_dim3A_144 = vector.broadcast %broadcast_in_dim3A_143 : i32 to vector<16xi32>
        %gather3A_145 = tpu.vector_load_idx %arg9[%max3A_98, %broadcast_in_dim3A_144] masked %ge3A_91 : memref<64x32xf32, #tpu.memory_space<vmem>>[vector<16xi32>, vector<16xi32>], vector<16xf32>, vector<16xi1>
        tpu.vector_store_idx %arg8[%add3A_102, %broadcast_in_dim3A_144], %gather3A_145 masked %ge3A_91 : memref<1600x32xf32, #tpu.memory_space<vmem>>[vector<16xi32>, vector<16xi32>], vector<16xf32>, vector<16xi1>
        %broadcast_in_dim3A_146 = arith.constant 15 : i32
        %broadcast_in_dim3A_147 = vector.broadcast %broadcast_in_dim3A_146 : i32 to vector<16xi32>
        %gather3A_148 = tpu.vector_load_idx %arg9[%max3A_98, %broadcast_in_dim3A_147] masked %ge3A_91 : memref<64x32xf32, #tpu.memory_space<vmem>>[vector<16xi32>, vector<16xi32>], vector<16xf32>, vector<16xi1>
        tpu.vector_store_idx %arg8[%add3A_102, %broadcast_in_dim3A_147], %gather3A_148 masked %ge3A_91 : memref<1600x32xf32, #tpu.memory_space<vmem>>[vector<16xi32>, vector<16xi32>], vector<16xf32>, vector<16xi1>
        %broadcast_in_dim3A_149 = arith.constant 16 : i32
        %broadcast_in_dim3A_150 = vector.broadcast %broadcast_in_dim3A_149 : i32 to vector<16xi32>
        %gather3A_151 = tpu.vector_load_idx %arg9[%max3A_98, %broadcast_in_dim3A_150] masked %ge3A_91 : memref<64x32xf32, #tpu.memory_space<vmem>>[vector<16xi32>, vector<16xi32>], vector<16xf32>, vector<16xi1>
        tpu.vector_store_idx %arg8[%add3A_102, %broadcast_in_dim3A_150], %gather3A_151 masked %ge3A_91 : memref<1600x32xf32, #tpu.memory_space<vmem>>[vector<16xi32>, vector<16xi32>], vector<16xf32>, vector<16xi1>
        %broadcast_in_dim3A_152 = arith.constant 17 : i32
        %broadcast_in_dim3A_153 = vector.broadcast %broadcast_in_dim3A_152 : i32 to vector<16xi32>
        %gather3A_154 = tpu.vector_load_idx %arg9[%max3A_98, %broadcast_in_dim3A_153] masked %ge3A_91 : memref<64x32xf32, #tpu.memory_space<vmem>>[vector<16xi32>, vector<16xi32>], vector<16xf32>, vector<16xi1>
        tpu.vector_store_idx %arg8[%add3A_102, %broadcast_in_dim3A_153], %gather3A_154 masked %ge3A_91 : memref<1600x32xf32, #tpu.memory_space<vmem>>[vector<16xi32>, vector<16xi32>], vector<16xf32>, vector<16xi1>
        %broadcast_in_dim3A_155 = arith.constant 18 : i32
        %broadcast_in_dim3A_156 = vector.broadcast %broadcast_in_dim3A_155 : i32 to vector<16xi32>
        %gather3A_157 = tpu.vector_load_idx %arg9[%max3A_98, %broadcast_in_dim3A_156] masked %ge3A_91 : memref<64x32xf32, #tpu.memory_space<vmem>>[vector<16xi32>, vector<16xi32>], vector<16xf32>, vector<16xi1>
        tpu.vector_store_idx %arg8[%add3A_102, %broadcast_in_dim3A_156], %gather3A_157 masked %ge3A_91 : memref<1600x32xf32, #tpu.memory_space<vmem>>[vector<16xi32>, vector<16xi32>], vector<16xf32>, vector<16xi1>
        %broadcast_in_dim3A_158 = arith.constant 19 : i32
        %broadcast_in_dim3A_159 = vector.broadcast %broadcast_in_dim3A_158 : i32 to vector<16xi32>
        %gather3A_160 = tpu.vector_load_idx %arg9[%max3A_98, %broadcast_in_dim3A_159] masked %ge3A_91 : memref<64x32xf32, #tpu.memory_space<vmem>>[vector<16xi32>, vector<16xi32>], vector<16xf32>, vector<16xi1>
        tpu.vector_store_idx %arg8[%add3A_102, %broadcast_in_dim3A_159], %gather3A_160 masked %ge3A_91 : memref<1600x32xf32, #tpu.memory_space<vmem>>[vector<16xi32>, vector<16xi32>], vector<16xf32>, vector<16xi1>
        %broadcast_in_dim3A_161 = arith.constant 20 : i32
        %broadcast_in_dim3A_162 = vector.broadcast %broadcast_in_dim3A_161 : i32 to vector<16xi32>
        %gather3A_163 = tpu.vector_load_idx %arg9[%max3A_98, %broadcast_in_dim3A_162] masked %ge3A_91 : memref<64x32xf32, #tpu.memory_space<vmem>>[vector<16xi32>, vector<16xi32>], vector<16xf32>, vector<16xi1>
        tpu.vector_store_idx %arg8[%add3A_102, %broadcast_in_dim3A_162], %gather3A_163 masked %ge3A_91 : memref<1600x32xf32, #tpu.memory_space<vmem>>[vector<16xi32>, vector<16xi32>], vector<16xf32>, vector<16xi1>
        %broadcast_in_dim3A_164 = arith.constant 21 : i32
        %broadcast_in_dim3A_165 = vector.broadcast %broadcast_in_dim3A_164 : i32 to vector<16xi32>
        %gather3A_166 = tpu.vector_load_idx %arg9[%max3A_98, %broadcast_in_dim3A_165] masked %ge3A_91 : memref<64x32xf32, #tpu.memory_space<vmem>>[vector<16xi32>, vector<16xi32>], vector<16xf32>, vector<16xi1>
        tpu.vector_store_idx %arg8[%add3A_102, %broadcast_in_dim3A_165], %gather3A_166 masked %ge3A_91 : memref<1600x32xf32, #tpu.memory_space<vmem>>[vector<16xi32>, vector<16xi32>], vector<16xf32>, vector<16xi1>
        %broadcast_in_dim3A_167 = arith.constant 22 : i32
        %broadcast_in_dim3A_168 = vector.broadcast %broadcast_in_dim3A_167 : i32 to vector<16xi32>
        %gather3A_169 = tpu.vector_load_idx %arg9[%max3A_98, %broadcast_in_dim3A_168] masked %ge3A_91 : memref<64x32xf32, #tpu.memory_space<vmem>>[vector<16xi32>, vector<16xi32>], vector<16xf32>, vector<16xi1>
        tpu.vector_store_idx %arg8[%add3A_102, %broadcast_in_dim3A_168], %gather3A_169 masked %ge3A_91 : memref<1600x32xf32, #tpu.memory_space<vmem>>[vector<16xi32>, vector<16xi32>], vector<16xf32>, vector<16xi1>
        %broadcast_in_dim3A_170 = arith.constant 23 : i32
        %broadcast_in_dim3A_171 = vector.broadcast %broadcast_in_dim3A_170 : i32 to vector<16xi32>
        %gather3A_172 = tpu.vector_load_idx %arg9[%max3A_98, %broadcast_in_dim3A_171] masked %ge3A_91 : memref<64x32xf32, #tpu.memory_space<vmem>>[vector<16xi32>, vector<16xi32>], vector<16xf32>, vector<16xi1>
        tpu.vector_store_idx %arg8[%add3A_102, %broadcast_in_dim3A_171], %gather3A_172 masked %ge3A_91 : memref<1600x32xf32, #tpu.memory_space<vmem>>[vector<16xi32>, vector<16xi32>], vector<16xf32>, vector<16xi1>
        %broadcast_in_dim3A_173 = arith.constant 24 : i32
        %broadcast_in_dim3A_174 = vector.broadcast %broadcast_in_dim3A_173 : i32 to vector<16xi32>
        %gather3A_175 = tpu.vector_load_idx %arg9[%max3A_98, %broadcast_in_dim3A_174] masked %ge3A_91 : memref<64x32xf32, #tpu.memory_space<vmem>>[vector<16xi32>, vector<16xi32>], vector<16xf32>, vector<16xi1>
        tpu.vector_store_idx %arg8[%add3A_102, %broadcast_in_dim3A_174], %gather3A_175 masked %ge3A_91 : memref<1600x32xf32, #tpu.memory_space<vmem>>[vector<16xi32>, vector<16xi32>], vector<16xf32>, vector<16xi1>
        %broadcast_in_dim3A_176 = arith.constant 25 : i32
        %broadcast_in_dim3A_177 = vector.broadcast %broadcast_in_dim3A_176 : i32 to vector<16xi32>
        %gather3A_178 = tpu.vector_load_idx %arg9[%max3A_98, %broadcast_in_dim3A_177] masked %ge3A_91 : memref<64x32xf32, #tpu.memory_space<vmem>>[vector<16xi32>, vector<16xi32>], vector<16xf32>, vector<16xi1>
        tpu.vector_store_idx %arg8[%add3A_102, %broadcast_in_dim3A_177], %gather3A_178 masked %ge3A_91 : memref<1600x32xf32, #tpu.memory_space<vmem>>[vector<16xi32>, vector<16xi32>], vector<16xf32>, vector<16xi1>
        %broadcast_in_dim3A_179 = arith.constant 26 : i32
        %broadcast_in_dim3A_180 = vector.broadcast %broadcast_in_dim3A_179 : i32 to vector<16xi32>
        %gather3A_181 = tpu.vector_load_idx %arg9[%max3A_98, %broadcast_in_dim3A_180] masked %ge3A_91 : memref<64x32xf32, #tpu.memory_space<vmem>>[vector<16xi32>, vector<16xi32>], vector<16xf32>, vector<16xi1>
        tpu.vector_store_idx %arg8[%add3A_102, %broadcast_in_dim3A_180], %gather3A_181 masked %ge3A_91 : memref<1600x32xf32, #tpu.memory_space<vmem>>[vector<16xi32>, vector<16xi32>], vector<16xf32>, vector<16xi1>
        %broadcast_in_dim3A_182 = arith.constant 27 : i32
        %broadcast_in_dim3A_183 = vector.broadcast %broadcast_in_dim3A_182 : i32 to vector<16xi32>
        %gather3A_184 = tpu.vector_load_idx %arg9[%max3A_98, %broadcast_in_dim3A_183] masked %ge3A_91 : memref<64x32xf32, #tpu.memory_space<vmem>>[vector<16xi32>, vector<16xi32>], vector<16xf32>, vector<16xi1>
        tpu.vector_store_idx %arg8[%add3A_102, %broadcast_in_dim3A_183], %gather3A_184 masked %ge3A_91 : memref<1600x32xf32, #tpu.memory_space<vmem>>[vector<16xi32>, vector<16xi32>], vector<16xf32>, vector<16xi1>
        %broadcast_in_dim3A_185 = arith.constant 28 : i32
        %broadcast_in_dim3A_186 = vector.broadcast %broadcast_in_dim3A_185 : i32 to vector<16xi32>
        %gather3A_187 = tpu.vector_load_idx %arg9[%max3A_98, %broadcast_in_dim3A_186] masked %ge3A_91 : memref<64x32xf32, #tpu.memory_space<vmem>>[vector<16xi32>, vector<16xi32>], vector<16xf32>, vector<16xi1>
        tpu.vector_store_idx %arg8[%add3A_102, %broadcast_in_dim3A_186], %gather3A_187 masked %ge3A_91 : memref<1600x32xf32, #tpu.memory_space<vmem>>[vector<16xi32>, vector<16xi32>], vector<16xf32>, vector<16xi1>
        %broadcast_in_dim3A_188 = arith.constant 29 : i32
        %broadcast_in_dim3A_189 = vector.broadcast %broadcast_in_dim3A_188 : i32 to vector<16xi32>
        %gather3A_190 = tpu.vector_load_idx %arg9[%max3A_98, %broadcast_in_dim3A_189] masked %ge3A_91 : memref<64x32xf32, #tpu.memory_space<vmem>>[vector<16xi32>, vector<16xi32>], vector<16xf32>, vector<16xi1>
        tpu.vector_store_idx %arg8[%add3A_102, %broadcast_in_dim3A_189], %gather3A_190 masked %ge3A_91 : memref<1600x32xf32, #tpu.memory_space<vmem>>[vector<16xi32>, vector<16xi32>], vector<16xf32>, vector<16xi1>
        %broadcast_in_dim3A_191 = arith.constant 30 : i32
        %broadcast_in_dim3A_192 = vector.broadcast %broadcast_in_dim3A_191 : i32 to vector<16xi32>
        %gather3A_193 = tpu.vector_load_idx %arg9[%max3A_98, %broadcast_in_dim3A_192] masked %ge3A_91 : memref<64x32xf32, #tpu.memory_space<vmem>>[vector<16xi32>, vector<16xi32>], vector<16xf32>, vector<16xi1>
        tpu.vector_store_idx %arg8[%add3A_102, %broadcast_in_dim3A_192], %gather3A_193 masked %ge3A_91 : memref<1600x32xf32, #tpu.memory_space<vmem>>[vector<16xi32>, vector<16xi32>], vector<16xf32>, vector<16xi1>
        %broadcast_in_dim3A_194 = arith.constant 31 : i32
        %broadcast_in_dim3A_195 = vector.broadcast %broadcast_in_dim3A_194 : i32 to vector<16xi32>
        %gather3A_196 = tpu.vector_load_idx %arg9[%max3A_98, %broadcast_in_dim3A_195] masked %ge3A_91 : memref<64x32xf32, #tpu.memory_space<vmem>>[vector<16xi32>, vector<16xi32>], vector<16xf32>, vector<16xi1>
        tpu.vector_store_idx %arg8[%add3A_102, %broadcast_in_dim3A_195], %gather3A_196 masked %ge3A_91 : memref<1600x32xf32, #tpu.memory_space<vmem>>[vector<16xi32>, vector<16xi32>], vector<16xf32>, vector<16xi1>
      } else {
      }
      %scan3A_94 = arith.constant 0 : i32
      scf.yield %scan3A_94 : i32
    }
    %scan3A_42 = arith.constant 100 : i32
    %add3A_43 = arith.constant 1600 : i32
    %add3A_44 = arith.addi %mul3A_2, %add3A_43 : i32
    "tpu.region"() ({
      %run_scoped3A = tpu.sem_alloc : memref<!tpu.dma_semaphore, #tpu.memory_space<semaphore_mem>>
      %dma_start3A_83 = arith.constant 0 : i32
      %dma_start3A_84 = tpu.memref_slice %arg5[%add3A_44, %dma_start3A_83] : memref<204800x32xf32, #tpu.memory_space<hbm>> -> memref<1600x32xf32, #tpu.memory_space<hbm>>
      %dma_start3A_85 = arith.constant 0 : i32
      %dma_start3A_86 = tpu.memref_slice %arg5[%add3A_44, %dma_start3A_85] : memref<204800x32xf32, #tpu.memory_space<hbm>> -> memref<1600x32xf32, #tpu.memory_space<hbm>>
      tpu.enqueue_dma source(%arg8 : memref<1600x32xf32, #tpu.memory_space<vmem>>) target(%dma_start3A_86 : memref<1600x32xf32, #tpu.memory_space<hbm>>) target_semaphore(%run_scoped3A : memref<!tpu.dma_semaphore, #tpu.memory_space<semaphore_mem>>)
      %dma_wait3A_87 = arith.constant 0 : i32
      %dma_wait3A_88 = tpu.memref_slice %arg5[%add3A_44, %dma_wait3A_87] : memref<204800x32xf32, #tpu.memory_space<hbm>> -> memref<1600x32xf32, #tpu.memory_space<hbm>>
      %dma_wait3A_89 = arith.constant 0 : i32
      %dma_wait3A_90 = tpu.memref_slice %arg5[%add3A_44, %dma_wait3A_89] : memref<204800x32xf32, #tpu.memory_space<hbm>> -> memref<1600x32xf32, #tpu.memory_space<hbm>>
      tpu.wait_dma2 semaphore(%run_scoped3A : memref<!tpu.dma_semaphore, #tpu.memory_space<semaphore_mem>>) src(%arg8 : memref<1600x32xf32, #tpu.memory_space<vmem>>) dst(%dma_wait3A_90 : memref<1600x32xf32, #tpu.memory_space<hbm>>)
      tpu.yield
    }) : () -> ()
    %dma_start3A_45 = arith.constant 3200 : i32
    %dma_start3A_46 = tpu.memref_slice %arg7[%dma_start3A_45] : memref<6400xi32, #tpu.memory_space<vmem>> -> memref<1600xi32, #tpu.memory_space<vmem>>
    %dma_start3A_47 = arith.constant 0 : i32
    %dma_start3A_48 = arith.constant 0 : i32
    %dma_start3A_49 = tpu.memref_slice %arg3[%dma_start3A_47, %dma_start3A_48] : memref<999936x32xf32, #tpu.memory_space<hbm>> -> memref<999936x32xf32, #tpu.memory_space<hbm>>
    tpu.enqueue_indirect_dma source(%dma_start3A_49 : memref<999936x32xf32, #tpu.memory_space<hbm>>) target(%arg8 : memref<1600x32xf32, #tpu.memory_space<vmem>>) offsets(%dma_start3A_46 : memref<1600xi32, #tpu.memory_space<vmem>>) semaphore(%arg10 : memref<!tpu.dma_semaphore, #tpu.memory_space<semaphore_mem>>)
    %dma_wait3A_50 = arith.constant 3200 : i32
    %dma_wait3A_51 = tpu.memref_slice %arg7[%dma_wait3A_50] : memref<6400xi32, #tpu.memory_space<vmem>> -> memref<1600xi32, #tpu.memory_space<vmem>>
    %dma_wait3A_52 = arith.constant 0 : i32
    %dma_wait3A_53 = arith.constant 0 : i32
    %dma_wait3A_54 = tpu.memref_slice %arg3[%dma_wait3A_52, %dma_wait3A_53] : memref<999936x32xf32, #tpu.memory_space<hbm>> -> memref<999936x32xf32, #tpu.memory_space<hbm>>
    tpu.wait_indirect_dma semaphore(%arg10 : memref<!tpu.dma_semaphore, #tpu.memory_space<semaphore_mem>>) src(%dma_wait3A_54 : memref<999936x32xf32, #tpu.memory_space<hbm>>) dst(%arg8 : memref<1600x32xf32, #tpu.memory_space<vmem>>)
    %scan3A_55 = arith.constant 0 : i32
    %scan3A_56 = arith.constant 0 : i32
    %scan3A_57 = arith.constant 100 : i32
    %scan3A_58 = arith.addi %scan3A_56, %scan3A_57 : i32
    %scan3A_59 = arith.constant 1 : i32
    %scan3A_60 = scf.for %scan3A_83 = %scan3A_56 to %scan3A_58 step %scan3A_59 iter_args(%scan3A_84 = %scan3A_55) -> (i32)  : i32 {
      %mul3A_85 = arith.constant 16 : i32
      %mul3A_86 = arith.muli %scan3A_83, %mul3A_85 : i32
      %add3A_87 = arith.constant 3200 : i32
      %add3A_88 = arith.addi %add3A_87, %mul3A_86 : i32
      %get3A = arith.index_cast %add3A_88 : i32 to index
      %get3A_89 = tpu.vector_load %arg6[%get3A] {strides = array<i32>} : memref<6400xi32, #tpu.memory_space<vmem>>, vector<16xi32>,
      %ge3A = arith.constant 999936 : i32
      %ge3A_90 = vector.broadcast %ge3A : i32 to vector<16xi32>
      %ge3A_91 = arith.cmpi sge, %get3A_89, %ge3A_90 : vector<16xi32>
      %all_reduce_population_count3A = tpu.all_reduce %ge3A_91 {dim = 0 : i64, kind = #tpu.reduction_kind<sum>} : vector<16xi1> -> vector<16xi32>
      %slice3A = vector.extract_strided_slice %all_reduce_population_count3A {offsets = [0], sizes = [1], strides = [1]} : vector<16xi32> to vector<1xi32>
      %squeeze3A = vector.extract %slice3A[0] : i32 from vector<1xi32>
      %gt3A = arith.constant 0 : i32
      %gt3A_92 = arith.cmpi sgt, %squeeze3A, %gt3A : i32
      %convert_element_type3A = arith.extui %gt3A_92 : i1 to i32
      %cond3A = arith.constant 0 : i32
      %cond3A_93 = arith.cmpi ne, %convert_element_type3A, %cond3A : i32
      scf.if %cond3A_93 {
        %sub3A = arith.constant 999936 : i32
        %sub3A_95 = vector.broadcast %sub3A : i32 to vector<16xi32>
        %sub3A_96 = arith.subi %get3A_89, %sub3A_95 : vector<16xi32>
        %max3A = arith.constant 0 : i32
        %max3A_97 = vector.broadcast %max3A : i32 to vector<16xi32>
        %max3A_98 = arith.maxsi %sub3A_96, %max3A_97 : vector<16xi32>
        %mul3A_99 = arith.constant 16 : i32
        %mul3A_100 = arith.muli %scan3A_83, %mul3A_99 : i32
        %add3A_101 = vector.broadcast %mul3A_100 : i32 to vector<16xi32>
        %add3A_102 = arith.addi %iota3A, %add3A_101 : vector<16xi32>
        %broadcast_in_dim3A = arith.constant 0 : i32
        %broadcast_in_dim3A_103 = vector.broadcast %broadcast_in_dim3A : i32 to vector<16xi32>
        %gather3A = tpu.vector_load_idx %arg9[%max3A_98, %broadcast_in_dim3A_103] masked %ge3A_91 : memref<64x32xf32, #tpu.memory_space<vmem>>[vector<16xi32>, vector<16xi32>], vector<16xf32>, vector<16xi1>
        tpu.vector_store_idx %arg8[%add3A_102, %broadcast_in_dim3A_103], %gather3A masked %ge3A_91 : memref<1600x32xf32, #tpu.memory_space<vmem>>[vector<16xi32>, vector<16xi32>], vector<16xf32>, vector<16xi1>
        %broadcast_in_dim3A_104 = arith.constant 1 : i32
        %broadcast_in_dim3A_105 = vector.broadcast %broadcast_in_dim3A_104 : i32 to vector<16xi32>
        %gather3A_106 = tpu.vector_load_idx %arg9[%max3A_98, %broadcast_in_dim3A_105] masked %ge3A_91 : memref<64x32xf32, #tpu.memory_space<vmem>>[vector<16xi32>, vector<16xi32>], vector<16xf32>, vector<16xi1>
        tpu.vector_store_idx %arg8[%add3A_102, %broadcast_in_dim3A_105], %gather3A_106 masked %ge3A_91 : memref<1600x32xf32, #tpu.memory_space<vmem>>[vector<16xi32>, vector<16xi32>], vector<16xf32>, vector<16xi1>
        %broadcast_in_dim3A_107 = arith.constant 2 : i32
        %broadcast_in_dim3A_108 = vector.broadcast %broadcast_in_dim3A_107 : i32 to vector<16xi32>
        %gather3A_109 = tpu.vector_load_idx %arg9[%max3A_98, %broadcast_in_dim3A_108] masked %ge3A_91 : memref<64x32xf32, #tpu.memory_space<vmem>>[vector<16xi32>, vector<16xi32>], vector<16xf32>, vector<16xi1>
        tpu.vector_store_idx %arg8[%add3A_102, %broadcast_in_dim3A_108], %gather3A_109 masked %ge3A_91 : memref<1600x32xf32, #tpu.memory_space<vmem>>[vector<16xi32>, vector<16xi32>], vector<16xf32>, vector<16xi1>
        %broadcast_in_dim3A_110 = arith.constant 3 : i32
        %broadcast_in_dim3A_111 = vector.broadcast %broadcast_in_dim3A_110 : i32 to vector<16xi32>
        %gather3A_112 = tpu.vector_load_idx %arg9[%max3A_98, %broadcast_in_dim3A_111] masked %ge3A_91 : memref<64x32xf32, #tpu.memory_space<vmem>>[vector<16xi32>, vector<16xi32>], vector<16xf32>, vector<16xi1>
        tpu.vector_store_idx %arg8[%add3A_102, %broadcast_in_dim3A_111], %gather3A_112 masked %ge3A_91 : memref<1600x32xf32, #tpu.memory_space<vmem>>[vector<16xi32>, vector<16xi32>], vector<16xf32>, vector<16xi1>
        %broadcast_in_dim3A_113 = arith.constant 4 : i32
        %broadcast_in_dim3A_114 = vector.broadcast %broadcast_in_dim3A_113 : i32 to vector<16xi32>
        %gather3A_115 = tpu.vector_load_idx %arg9[%max3A_98, %broadcast_in_dim3A_114] masked %ge3A_91 : memref<64x32xf32, #tpu.memory_space<vmem>>[vector<16xi32>, vector<16xi32>], vector<16xf32>, vector<16xi1>
        tpu.vector_store_idx %arg8[%add3A_102, %broadcast_in_dim3A_114], %gather3A_115 masked %ge3A_91 : memref<1600x32xf32, #tpu.memory_space<vmem>>[vector<16xi32>, vector<16xi32>], vector<16xf32>, vector<16xi1>
        %broadcast_in_dim3A_116 = arith.constant 5 : i32
        %broadcast_in_dim3A_117 = vector.broadcast %broadcast_in_dim3A_116 : i32 to vector<16xi32>
        %gather3A_118 = tpu.vector_load_idx %arg9[%max3A_98, %broadcast_in_dim3A_117] masked %ge3A_91 : memref<64x32xf32, #tpu.memory_space<vmem>>[vector<16xi32>, vector<16xi32>], vector<16xf32>, vector<16xi1>
        tpu.vector_store_idx %arg8[%add3A_102, %broadcast_in_dim3A_117], %gather3A_118 masked %ge3A_91 : memref<1600x32xf32, #tpu.memory_space<vmem>>[vector<16xi32>, vector<16xi32>], vector<16xf32>, vector<16xi1>
        %broadcast_in_dim3A_119 = arith.constant 6 : i32
        %broadcast_in_dim3A_120 = vector.broadcast %broadcast_in_dim3A_119 : i32 to vector<16xi32>
        %gather3A_121 = tpu.vector_load_idx %arg9[%max3A_98, %broadcast_in_dim3A_120] masked %ge3A_91 : memref<64x32xf32, #tpu.memory_space<vmem>>[vector<16xi32>, vector<16xi32>], vector<16xf32>, vector<16xi1>
        tpu.vector_store_idx %arg8[%add3A_102, %broadcast_in_dim3A_120], %gather3A_121 masked %ge3A_91 : memref<1600x32xf32, #tpu.memory_space<vmem>>[vector<16xi32>, vector<16xi32>], vector<16xf32>, vector<16xi1>
        %broadcast_in_dim3A_122 = arith.constant 7 : i32
        %broadcast_in_dim3A_123 = vector.broadcast %broadcast_in_dim3A_122 : i32 to vector<16xi32>
        %gather3A_124 = tpu.vector_load_idx %arg9[%max3A_98, %broadcast_in_dim3A_123] masked %ge3A_91 : memref<64x32xf32, #tpu.memory_space<vmem>>[vector<16xi32>, vector<16xi32>], vector<16xf32>, vector<16xi1>
        tpu.vector_store_idx %arg8[%add3A_102, %broadcast_in_dim3A_123], %gather3A_124 masked %ge3A_91 : memref<1600x32xf32, #tpu.memory_space<vmem>>[vector<16xi32>, vector<16xi32>], vector<16xf32>, vector<16xi1>
        %broadcast_in_dim3A_125 = arith.constant 8 : i32
        %broadcast_in_dim3A_126 = vector.broadcast %broadcast_in_dim3A_125 : i32 to vector<16xi32>
        %gather3A_127 = tpu.vector_load_idx %arg9[%max3A_98, %broadcast_in_dim3A_126] masked %ge3A_91 : memref<64x32xf32, #tpu.memory_space<vmem>>[vector<16xi32>, vector<16xi32>], vector<16xf32>, vector<16xi1>
        tpu.vector_store_idx %arg8[%add3A_102, %broadcast_in_dim3A_126], %gather3A_127 masked %ge3A_91 : memref<1600x32xf32, #tpu.memory_space<vmem>>[vector<16xi32>, vector<16xi32>], vector<16xf32>, vector<16xi1>
        %broadcast_in_dim3A_128 = arith.constant 9 : i32
        %broadcast_in_dim3A_129 = vector.broadcast %broadcast_in_dim3A_128 : i32 to vector<16xi32>
        %gather3A_130 = tpu.vector_load_idx %arg9[%max3A_98, %broadcast_in_dim3A_129] masked %ge3A_91 : memref<64x32xf32, #tpu.memory_space<vmem>>[vector<16xi32>, vector<16xi32>], vector<16xf32>, vector<16xi1>
        tpu.vector_store_idx %arg8[%add3A_102, %broadcast_in_dim3A_129], %gather3A_130 masked %ge3A_91 : memref<1600x32xf32, #tpu.memory_space<vmem>>[vector<16xi32>, vector<16xi32>], vector<16xf32>, vector<16xi1>
        %broadcast_in_dim3A_131 = arith.constant 10 : i32
        %broadcast_in_dim3A_132 = vector.broadcast %broadcast_in_dim3A_131 : i32 to vector<16xi32>
        %gather3A_133 = tpu.vector_load_idx %arg9[%max3A_98, %broadcast_in_dim3A_132] masked %ge3A_91 : memref<64x32xf32, #tpu.memory_space<vmem>>[vector<16xi32>, vector<16xi32>], vector<16xf32>, vector<16xi1>
        tpu.vector_store_idx %arg8[%add3A_102, %broadcast_in_dim3A_132], %gather3A_133 masked %ge3A_91 : memref<1600x32xf32, #tpu.memory_space<vmem>>[vector<16xi32>, vector<16xi32>], vector<16xf32>, vector<16xi1>
        %broadcast_in_dim3A_134 = arith.constant 11 : i32
        %broadcast_in_dim3A_135 = vector.broadcast %broadcast_in_dim3A_134 : i32 to vector<16xi32>
        %gather3A_136 = tpu.vector_load_idx %arg9[%max3A_98, %broadcast_in_dim3A_135] masked %ge3A_91 : memref<64x32xf32, #tpu.memory_space<vmem>>[vector<16xi32>, vector<16xi32>], vector<16xf32>, vector<16xi1>
        tpu.vector_store_idx %arg8[%add3A_102, %broadcast_in_dim3A_135], %gather3A_136 masked %ge3A_91 : memref<1600x32xf32, #tpu.memory_space<vmem>>[vector<16xi32>, vector<16xi32>], vector<16xf32>, vector<16xi1>
        %broadcast_in_dim3A_137 = arith.constant 12 : i32
        %broadcast_in_dim3A_138 = vector.broadcast %broadcast_in_dim3A_137 : i32 to vector<16xi32>
        %gather3A_139 = tpu.vector_load_idx %arg9[%max3A_98, %broadcast_in_dim3A_138] masked %ge3A_91 : memref<64x32xf32, #tpu.memory_space<vmem>>[vector<16xi32>, vector<16xi32>], vector<16xf32>, vector<16xi1>
        tpu.vector_store_idx %arg8[%add3A_102, %broadcast_in_dim3A_138], %gather3A_139 masked %ge3A_91 : memref<1600x32xf32, #tpu.memory_space<vmem>>[vector<16xi32>, vector<16xi32>], vector<16xf32>, vector<16xi1>
        %broadcast_in_dim3A_140 = arith.constant 13 : i32
        %broadcast_in_dim3A_141 = vector.broadcast %broadcast_in_dim3A_140 : i32 to vector<16xi32>
        %gather3A_142 = tpu.vector_load_idx %arg9[%max3A_98, %broadcast_in_dim3A_141] masked %ge3A_91 : memref<64x32xf32, #tpu.memory_space<vmem>>[vector<16xi32>, vector<16xi32>], vector<16xf32>, vector<16xi1>
        tpu.vector_store_idx %arg8[%add3A_102, %broadcast_in_dim3A_141], %gather3A_142 masked %ge3A_91 : memref<1600x32xf32, #tpu.memory_space<vmem>>[vector<16xi32>, vector<16xi32>], vector<16xf32>, vector<16xi1>
        %broadcast_in_dim3A_143 = arith.constant 14 : i32
        %broadcast_in_dim3A_144 = vector.broadcast %broadcast_in_dim3A_143 : i32 to vector<16xi32>
        %gather3A_145 = tpu.vector_load_idx %arg9[%max3A_98, %broadcast_in_dim3A_144] masked %ge3A_91 : memref<64x32xf32, #tpu.memory_space<vmem>>[vector<16xi32>, vector<16xi32>], vector<16xf32>, vector<16xi1>
        tpu.vector_store_idx %arg8[%add3A_102, %broadcast_in_dim3A_144], %gather3A_145 masked %ge3A_91 : memref<1600x32xf32, #tpu.memory_space<vmem>>[vector<16xi32>, vector<16xi32>], vector<16xf32>, vector<16xi1>
        %broadcast_in_dim3A_146 = arith.constant 15 : i32
        %broadcast_in_dim3A_147 = vector.broadcast %broadcast_in_dim3A_146 : i32 to vector<16xi32>
        %gather3A_148 = tpu.vector_load_idx %arg9[%max3A_98, %broadcast_in_dim3A_147] masked %ge3A_91 : memref<64x32xf32, #tpu.memory_space<vmem>>[vector<16xi32>, vector<16xi32>], vector<16xf32>, vector<16xi1>
        tpu.vector_store_idx %arg8[%add3A_102, %broadcast_in_dim3A_147], %gather3A_148 masked %ge3A_91 : memref<1600x32xf32, #tpu.memory_space<vmem>>[vector<16xi32>, vector<16xi32>], vector<16xf32>, vector<16xi1>
        %broadcast_in_dim3A_149 = arith.constant 16 : i32
        %broadcast_in_dim3A_150 = vector.broadcast %broadcast_in_dim3A_149 : i32 to vector<16xi32>
        %gather3A_151 = tpu.vector_load_idx %arg9[%max3A_98, %broadcast_in_dim3A_150] masked %ge3A_91 : memref<64x32xf32, #tpu.memory_space<vmem>>[vector<16xi32>, vector<16xi32>], vector<16xf32>, vector<16xi1>
        tpu.vector_store_idx %arg8[%add3A_102, %broadcast_in_dim3A_150], %gather3A_151 masked %ge3A_91 : memref<1600x32xf32, #tpu.memory_space<vmem>>[vector<16xi32>, vector<16xi32>], vector<16xf32>, vector<16xi1>
        %broadcast_in_dim3A_152 = arith.constant 17 : i32
        %broadcast_in_dim3A_153 = vector.broadcast %broadcast_in_dim3A_152 : i32 to vector<16xi32>
        %gather3A_154 = tpu.vector_load_idx %arg9[%max3A_98, %broadcast_in_dim3A_153] masked %ge3A_91 : memref<64x32xf32, #tpu.memory_space<vmem>>[vector<16xi32>, vector<16xi32>], vector<16xf32>, vector<16xi1>
        tpu.vector_store_idx %arg8[%add3A_102, %broadcast_in_dim3A_153], %gather3A_154 masked %ge3A_91 : memref<1600x32xf32, #tpu.memory_space<vmem>>[vector<16xi32>, vector<16xi32>], vector<16xf32>, vector<16xi1>
        %broadcast_in_dim3A_155 = arith.constant 18 : i32
        %broadcast_in_dim3A_156 = vector.broadcast %broadcast_in_dim3A_155 : i32 to vector<16xi32>
        %gather3A_157 = tpu.vector_load_idx %arg9[%max3A_98, %broadcast_in_dim3A_156] masked %ge3A_91 : memref<64x32xf32, #tpu.memory_space<vmem>>[vector<16xi32>, vector<16xi32>], vector<16xf32>, vector<16xi1>
        tpu.vector_store_idx %arg8[%add3A_102, %broadcast_in_dim3A_156], %gather3A_157 masked %ge3A_91 : memref<1600x32xf32, #tpu.memory_space<vmem>>[vector<16xi32>, vector<16xi32>], vector<16xf32>, vector<16xi1>
        %broadcast_in_dim3A_158 = arith.constant 19 : i32
        %broadcast_in_dim3A_159 = vector.broadcast %broadcast_in_dim3A_158 : i32 to vector<16xi32>
        %gather3A_160 = tpu.vector_load_idx %arg9[%max3A_98, %broadcast_in_dim3A_159] masked %ge3A_91 : memref<64x32xf32, #tpu.memory_space<vmem>>[vector<16xi32>, vector<16xi32>], vector<16xf32>, vector<16xi1>
        tpu.vector_store_idx %arg8[%add3A_102, %broadcast_in_dim3A_159], %gather3A_160 masked %ge3A_91 : memref<1600x32xf32, #tpu.memory_space<vmem>>[vector<16xi32>, vector<16xi32>], vector<16xf32>, vector<16xi1>
        %broadcast_in_dim3A_161 = arith.constant 20 : i32
        %broadcast_in_dim3A_162 = vector.broadcast %broadcast_in_dim3A_161 : i32 to vector<16xi32>
        %gather3A_163 = tpu.vector_load_idx %arg9[%max3A_98, %broadcast_in_dim3A_162] masked %ge3A_91 : memref<64x32xf32, #tpu.memory_space<vmem>>[vector<16xi32>, vector<16xi32>], vector<16xf32>, vector<16xi1>
        tpu.vector_store_idx %arg8[%add3A_102, %broadcast_in_dim3A_162], %gather3A_163 masked %ge3A_91 : memref<1600x32xf32, #tpu.memory_space<vmem>>[vector<16xi32>, vector<16xi32>], vector<16xf32>, vector<16xi1>
        %broadcast_in_dim3A_164 = arith.constant 21 : i32
        %broadcast_in_dim3A_165 = vector.broadcast %broadcast_in_dim3A_164 : i32 to vector<16xi32>
        %gather3A_166 = tpu.vector_load_idx %arg9[%max3A_98, %broadcast_in_dim3A_165] masked %ge3A_91 : memref<64x32xf32, #tpu.memory_space<vmem>>[vector<16xi32>, vector<16xi32>], vector<16xf32>, vector<16xi1>
        tpu.vector_store_idx %arg8[%add3A_102, %broadcast_in_dim3A_165], %gather3A_166 masked %ge3A_91 : memref<1600x32xf32, #tpu.memory_space<vmem>>[vector<16xi32>, vector<16xi32>], vector<16xf32>, vector<16xi1>
        %broadcast_in_dim3A_167 = arith.constant 22 : i32
        %broadcast_in_dim3A_168 = vector.broadcast %broadcast_in_dim3A_167 : i32 to vector<16xi32>
        %gather3A_169 = tpu.vector_load_idx %arg9[%max3A_98, %broadcast_in_dim3A_168] masked %ge3A_91 : memref<64x32xf32, #tpu.memory_space<vmem>>[vector<16xi32>, vector<16xi32>], vector<16xf32>, vector<16xi1>
        tpu.vector_store_idx %arg8[%add3A_102, %broadcast_in_dim3A_168], %gather3A_169 masked %ge3A_91 : memref<1600x32xf32, #tpu.memory_space<vmem>>[vector<16xi32>, vector<16xi32>], vector<16xf32>, vector<16xi1>
        %broadcast_in_dim3A_170 = arith.constant 23 : i32
        %broadcast_in_dim3A_171 = vector.broadcast %broadcast_in_dim3A_170 : i32 to vector<16xi32>
        %gather3A_172 = tpu.vector_load_idx %arg9[%max3A_98, %broadcast_in_dim3A_171] masked %ge3A_91 : memref<64x32xf32, #tpu.memory_space<vmem>>[vector<16xi32>, vector<16xi32>], vector<16xf32>, vector<16xi1>
        tpu.vector_store_idx %arg8[%add3A_102, %broadcast_in_dim3A_171], %gather3A_172 masked %ge3A_91 : memref<1600x32xf32, #tpu.memory_space<vmem>>[vector<16xi32>, vector<16xi32>], vector<16xf32>, vector<16xi1>
        %broadcast_in_dim3A_173 = arith.constant 24 : i32
        %broadcast_in_dim3A_174 = vector.broadcast %broadcast_in_dim3A_173 : i32 to vector<16xi32>
        %gather3A_175 = tpu.vector_load_idx %arg9[%max3A_98, %broadcast_in_dim3A_174] masked %ge3A_91 : memref<64x32xf32, #tpu.memory_space<vmem>>[vector<16xi32>, vector<16xi32>], vector<16xf32>, vector<16xi1>
        tpu.vector_store_idx %arg8[%add3A_102, %broadcast_in_dim3A_174], %gather3A_175 masked %ge3A_91 : memref<1600x32xf32, #tpu.memory_space<vmem>>[vector<16xi32>, vector<16xi32>], vector<16xf32>, vector<16xi1>
        %broadcast_in_dim3A_176 = arith.constant 25 : i32
        %broadcast_in_dim3A_177 = vector.broadcast %broadcast_in_dim3A_176 : i32 to vector<16xi32>
        %gather3A_178 = tpu.vector_load_idx %arg9[%max3A_98, %broadcast_in_dim3A_177] masked %ge3A_91 : memref<64x32xf32, #tpu.memory_space<vmem>>[vector<16xi32>, vector<16xi32>], vector<16xf32>, vector<16xi1>
        tpu.vector_store_idx %arg8[%add3A_102, %broadcast_in_dim3A_177], %gather3A_178 masked %ge3A_91 : memref<1600x32xf32, #tpu.memory_space<vmem>>[vector<16xi32>, vector<16xi32>], vector<16xf32>, vector<16xi1>
        %broadcast_in_dim3A_179 = arith.constant 26 : i32
        %broadcast_in_dim3A_180 = vector.broadcast %broadcast_in_dim3A_179 : i32 to vector<16xi32>
        %gather3A_181 = tpu.vector_load_idx %arg9[%max3A_98, %broadcast_in_dim3A_180] masked %ge3A_91 : memref<64x32xf32, #tpu.memory_space<vmem>>[vector<16xi32>, vector<16xi32>], vector<16xf32>, vector<16xi1>
        tpu.vector_store_idx %arg8[%add3A_102, %broadcast_in_dim3A_180], %gather3A_181 masked %ge3A_91 : memref<1600x32xf32, #tpu.memory_space<vmem>>[vector<16xi32>, vector<16xi32>], vector<16xf32>, vector<16xi1>
        %broadcast_in_dim3A_182 = arith.constant 27 : i32
        %broadcast_in_dim3A_183 = vector.broadcast %broadcast_in_dim3A_182 : i32 to vector<16xi32>
        %gather3A_184 = tpu.vector_load_idx %arg9[%max3A_98, %broadcast_in_dim3A_183] masked %ge3A_91 : memref<64x32xf32, #tpu.memory_space<vmem>>[vector<16xi32>, vector<16xi32>], vector<16xf32>, vector<16xi1>
        tpu.vector_store_idx %arg8[%add3A_102, %broadcast_in_dim3A_183], %gather3A_184 masked %ge3A_91 : memref<1600x32xf32, #tpu.memory_space<vmem>>[vector<16xi32>, vector<16xi32>], vector<16xf32>, vector<16xi1>
        %broadcast_in_dim3A_185 = arith.constant 28 : i32
        %broadcast_in_dim3A_186 = vector.broadcast %broadcast_in_dim3A_185 : i32 to vector<16xi32>
        %gather3A_187 = tpu.vector_load_idx %arg9[%max3A_98, %broadcast_in_dim3A_186] masked %ge3A_91 : memref<64x32xf32, #tpu.memory_space<vmem>>[vector<16xi32>, vector<16xi32>], vector<16xf32>, vector<16xi1>
        tpu.vector_store_idx %arg8[%add3A_102, %broadcast_in_dim3A_186], %gather3A_187 masked %ge3A_91 : memref<1600x32xf32, #tpu.memory_space<vmem>>[vector<16xi32>, vector<16xi32>], vector<16xf32>, vector<16xi1>
        %broadcast_in_dim3A_188 = arith.constant 29 : i32
        %broadcast_in_dim3A_189 = vector.broadcast %broadcast_in_dim3A_188 : i32 to vector<16xi32>
        %gather3A_190 = tpu.vector_load_idx %arg9[%max3A_98, %broadcast_in_dim3A_189] masked %ge3A_91 : memref<64x32xf32, #tpu.memory_space<vmem>>[vector<16xi32>, vector<16xi32>], vector<16xf32>, vector<16xi1>
        tpu.vector_store_idx %arg8[%add3A_102, %broadcast_in_dim3A_189], %gather3A_190 masked %ge3A_91 : memref<1600x32xf32, #tpu.memory_space<vmem>>[vector<16xi32>, vector<16xi32>], vector<16xf32>, vector<16xi1>
        %broadcast_in_dim3A_191 = arith.constant 30 : i32
        %broadcast_in_dim3A_192 = vector.broadcast %broadcast_in_dim3A_191 : i32 to vector<16xi32>
        %gather3A_193 = tpu.vector_load_idx %arg9[%max3A_98, %broadcast_in_dim3A_192] masked %ge3A_91 : memref<64x32xf32, #tpu.memory_space<vmem>>[vector<16xi32>, vector<16xi32>], vector<16xf32>, vector<16xi1>
        tpu.vector_store_idx %arg8[%add3A_102, %broadcast_in_dim3A_192], %gather3A_193 masked %ge3A_91 : memref<1600x32xf32, #tpu.memory_space<vmem>>[vector<16xi32>, vector<16xi32>], vector<16xf32>, vector<16xi1>
        %broadcast_in_dim3A_194 = arith.constant 31 : i32
        %broadcast_in_dim3A_195 = vector.broadcast %broadcast_in_dim3A_194 : i32 to vector<16xi32>
        %gather3A_196 = tpu.vector_load_idx %arg9[%max3A_98, %broadcast_in_dim3A_195] masked %ge3A_91 : memref<64x32xf32, #tpu.memory_space<vmem>>[vector<16xi32>, vector<16xi32>], vector<16xf32>, vector<16xi1>
        tpu.vector_store_idx %arg8[%add3A_102, %broadcast_in_dim3A_195], %gather3A_196 masked %ge3A_91 : memref<1600x32xf32, #tpu.memory_space<vmem>>[vector<16xi32>, vector<16xi32>], vector<16xf32>, vector<16xi1>
      } else {
      }
      %scan3A_94 = arith.constant 0 : i32
      scf.yield %scan3A_94 : i32
    }
    %scan3A_61 = arith.constant 100 : i32
    %add3A_62 = arith.constant 3200 : i32
    %add3A_63 = arith.addi %mul3A_2, %add3A_62 : i32
    "tpu.region"() ({
      %run_scoped3A = tpu.sem_alloc : memref<!tpu.dma_semaphore, #tpu.memory_space<semaphore_mem>>
      %dma_start3A_83 = arith.constant 0 : i32
      %dma_start3A_84 = tpu.memref_slice %arg5[%add3A_63, %dma_start3A_83] : memref<204800x32xf32, #tpu.memory_space<hbm>> -> memref<1600x32xf32, #tpu.memory_space<hbm>>
      %dma_start3A_85 = arith.constant 0 : i32
      %dma_start3A_86 = tpu.memref_slice %arg5[%add3A_63, %dma_start3A_85] : memref<204800x32xf32, #tpu.memory_space<hbm>> -> memref<1600x32xf32, #tpu.memory_space<hbm>>
      tpu.enqueue_dma source(%arg8 : memref<1600x32xf32, #tpu.memory_space<vmem>>) target(%dma_start3A_86 : memref<1600x32xf32, #tpu.memory_space<hbm>>) target_semaphore(%run_scoped3A : memref<!tpu.dma_semaphore, #tpu.memory_space<semaphore_mem>>)
      %dma_wait3A_87 = arith.constant 0 : i32
      %dma_wait3A_88 = tpu.memref_slice %arg5[%add3A_63, %dma_wait3A_87] : memref<204800x32xf32, #tpu.memory_space<hbm>> -> memref<1600x32xf32, #tpu.memory_space<hbm>>
      %dma_wait3A_89 = arith.constant 0 : i32
      %dma_wait3A_90 = tpu.memref_slice %arg5[%add3A_63, %dma_wait3A_89] : memref<204800x32xf32, #tpu.memory_space<hbm>> -> memref<1600x32xf32, #tpu.memory_space<hbm>>
      tpu.wait_dma2 semaphore(%run_scoped3A : memref<!tpu.dma_semaphore, #tpu.memory_space<semaphore_mem>>) src(%arg8 : memref<1600x32xf32, #tpu.memory_space<vmem>>) dst(%dma_wait3A_90 : memref<1600x32xf32, #tpu.memory_space<hbm>>)
      tpu.yield
    }) : () -> ()
    %dma_start3A_64 = arith.constant 4800 : i32
    %dma_start3A_65 = tpu.memref_slice %arg7[%dma_start3A_64] : memref<6400xi32, #tpu.memory_space<vmem>> -> memref<1600xi32, #tpu.memory_space<vmem>>
    %dma_start3A_66 = arith.constant 0 : i32
    %dma_start3A_67 = arith.constant 0 : i32
    %dma_start3A_68 = tpu.memref_slice %arg3[%dma_start3A_66, %dma_start3A_67] : memref<999936x32xf32, #tpu.memory_space<hbm>> -> memref<999936x32xf32, #tpu.memory_space<hbm>>
    tpu.enqueue_indirect_dma source(%dma_start3A_68 : memref<999936x32xf32, #tpu.memory_space<hbm>>) target(%arg8 : memref<1600x32xf32, #tpu.memory_space<vmem>>) offsets(%dma_start3A_65 : memref<1600xi32, #tpu.memory_space<vmem>>) semaphore(%arg10 : memref<!tpu.dma_semaphore, #tpu.memory_space<semaphore_mem>>)
    %dma_wait3A_69 = arith.constant 4800 : i32
    %dma_wait3A_70 = tpu.memref_slice %arg7[%dma_wait3A_69] : memref<6400xi32, #tpu.memory_space<vmem>> -> memref<1600xi32, #tpu.memory_space<vmem>>
    %dma_wait3A_71 = arith.constant 0 : i32
    %dma_wait3A_72 = arith.constant 0 : i32
    %dma_wait3A_73 = tpu.memref_slice %arg3[%dma_wait3A_71, %dma_wait3A_72] : memref<999936x32xf32, #tpu.memory_space<hbm>> -> memref<999936x32xf32, #tpu.memory_space<hbm>>
    tpu.wait_indirect_dma semaphore(%arg10 : memref<!tpu.dma_semaphore, #tpu.memory_space<semaphore_mem>>) src(%dma_wait3A_73 : memref<999936x32xf32, #tpu.memory_space<hbm>>) dst(%arg8 : memref<1600x32xf32, #tpu.memory_space<vmem>>)
    %scan3A_74 = arith.constant 0 : i32
    %scan3A_75 = arith.constant 0 : i32
    %scan3A_76 = arith.constant 100 : i32
    %scan3A_77 = arith.addi %scan3A_75, %scan3A_76 : i32
    %scan3A_78 = arith.constant 1 : i32
    %scan3A_79 = scf.for %scan3A_83 = %scan3A_75 to %scan3A_77 step %scan3A_78 iter_args(%scan3A_84 = %scan3A_74) -> (i32)  : i32 {
      %mul3A_85 = arith.constant 16 : i32
      %mul3A_86 = arith.muli %scan3A_83, %mul3A_85 : i32
      %add3A_87 = arith.constant 4800 : i32
      %add3A_88 = arith.addi %add3A_87, %mul3A_86 : i32
      %get3A = arith.index_cast %add3A_88 : i32 to index
      %get3A_89 = tpu.vector_load %arg6[%get3A] {strides = array<i32>} : memref<6400xi32, #tpu.memory_space<vmem>>, vector<16xi32>,
      %ge3A = arith.constant 999936 : i32
      %ge3A_90 = vector.broadcast %ge3A : i32 to vector<16xi32>
      %ge3A_91 = arith.cmpi sge, %get3A_89, %ge3A_90 : vector<16xi32>
      %all_reduce_population_count3A = tpu.all_reduce %ge3A_91 {dim = 0 : i64, kind = #tpu.reduction_kind<sum>} : vector<16xi1> -> vector<16xi32>
      %slice3A = vector.extract_strided_slice %all_reduce_population_count3A {offsets = [0], sizes = [1], strides = [1]} : vector<16xi32> to vector<1xi32>
      %squeeze3A = vector.extract %slice3A[0] : i32 from vector<1xi32>
      %gt3A = arith.constant 0 : i32
      %gt3A_92 = arith.cmpi sgt, %squeeze3A, %gt3A : i32
      %convert_element_type3A = arith.extui %gt3A_92 : i1 to i32
      %cond3A = arith.constant 0 : i32
      %cond3A_93 = arith.cmpi ne, %convert_element_type3A, %cond3A : i32
      scf.if %cond3A_93 {
        %sub3A = arith.constant 999936 : i32
        %sub3A_95 = vector.broadcast %sub3A : i32 to vector<16xi32>
        %sub3A_96 = arith.subi %get3A_89, %sub3A_95 : vector<16xi32>
        %max3A = arith.constant 0 : i32
        %max3A_97 = vector.broadcast %max3A : i32 to vector<16xi32>
        %max3A_98 = arith.maxsi %sub3A_96, %max3A_97 : vector<16xi32>
        %mul3A_99 = arith.constant 16 : i32
        %mul3A_100 = arith.muli %scan3A_83, %mul3A_99 : i32
        %add3A_101 = vector.broadcast %mul3A_100 : i32 to vector<16xi32>
        %add3A_102 = arith.addi %iota3A, %add3A_101 : vector<16xi32>
        %broadcast_in_dim3A = arith.constant 0 : i32
        %broadcast_in_dim3A_103 = vector.broadcast %broadcast_in_dim3A : i32 to vector<16xi32>
        %gather3A = tpu.vector_load_idx %arg9[%max3A_98, %broadcast_in_dim3A_103] masked %ge3A_91 : memref<64x32xf32, #tpu.memory_space<vmem>>[vector<16xi32>, vector<16xi32>], vector<16xf32>, vector<16xi1>
        tpu.vector_store_idx %arg8[%add3A_102, %broadcast_in_dim3A_103], %gather3A masked %ge3A_91 : memref<1600x32xf32, #tpu.memory_space<vmem>>[vector<16xi32>, vector<16xi32>], vector<16xf32>, vector<16xi1>
        %broadcast_in_dim3A_104 = arith.constant 1 : i32
        %broadcast_in_dim3A_105 = vector.broadcast %broadcast_in_dim3A_104 : i32 to vector<16xi32>
        %gather3A_106 = tpu.vector_load_idx %arg9[%max3A_98, %broadcast_in_dim3A_105] masked %ge3A_91 : memref<64x32xf32, #tpu.memory_space<vmem>>[vector<16xi32>, vector<16xi32>], vector<16xf32>, vector<16xi1>
        tpu.vector_store_idx %arg8[%add3A_102, %broadcast_in_dim3A_105], %gather3A_106 masked %ge3A_91 : memref<1600x32xf32, #tpu.memory_space<vmem>>[vector<16xi32>, vector<16xi32>], vector<16xf32>, vector<16xi1>
        %broadcast_in_dim3A_107 = arith.constant 2 : i32
        %broadcast_in_dim3A_108 = vector.broadcast %broadcast_in_dim3A_107 : i32 to vector<16xi32>
        %gather3A_109 = tpu.vector_load_idx %arg9[%max3A_98, %broadcast_in_dim3A_108] masked %ge3A_91 : memref<64x32xf32, #tpu.memory_space<vmem>>[vector<16xi32>, vector<16xi32>], vector<16xf32>, vector<16xi1>
        tpu.vector_store_idx %arg8[%add3A_102, %broadcast_in_dim3A_108], %gather3A_109 masked %ge3A_91 : memref<1600x32xf32, #tpu.memory_space<vmem>>[vector<16xi32>, vector<16xi32>], vector<16xf32>, vector<16xi1>
        %broadcast_in_dim3A_110 = arith.constant 3 : i32
        %broadcast_in_dim3A_111 = vector.broadcast %broadcast_in_dim3A_110 : i32 to vector<16xi32>
        %gather3A_112 = tpu.vector_load_idx %arg9[%max3A_98, %broadcast_in_dim3A_111] masked %ge3A_91 : memref<64x32xf32, #tpu.memory_space<vmem>>[vector<16xi32>, vector<16xi32>], vector<16xf32>, vector<16xi1>
        tpu.vector_store_idx %arg8[%add3A_102, %broadcast_in_dim3A_111], %gather3A_112 masked %ge3A_91 : memref<1600x32xf32, #tpu.memory_space<vmem>>[vector<16xi32>, vector<16xi32>], vector<16xf32>, vector<16xi1>
        %broadcast_in_dim3A_113 = arith.constant 4 : i32
        %broadcast_in_dim3A_114 = vector.broadcast %broadcast_in_dim3A_113 : i32 to vector<16xi32>
        %gather3A_115 = tpu.vector_load_idx %arg9[%max3A_98, %broadcast_in_dim3A_114] masked %ge3A_91 : memref<64x32xf32, #tpu.memory_space<vmem>>[vector<16xi32>, vector<16xi32>], vector<16xf32>, vector<16xi1>
        tpu.vector_store_idx %arg8[%add3A_102, %broadcast_in_dim3A_114], %gather3A_115 masked %ge3A_91 : memref<1600x32xf32, #tpu.memory_space<vmem>>[vector<16xi32>, vector<16xi32>], vector<16xf32>, vector<16xi1>
        %broadcast_in_dim3A_116 = arith.constant 5 : i32
        %broadcast_in_dim3A_117 = vector.broadcast %broadcast_in_dim3A_116 : i32 to vector<16xi32>
        %gather3A_118 = tpu.vector_load_idx %arg9[%max3A_98, %broadcast_in_dim3A_117] masked %ge3A_91 : memref<64x32xf32, #tpu.memory_space<vmem>>[vector<16xi32>, vector<16xi32>], vector<16xf32>, vector<16xi1>
        tpu.vector_store_idx %arg8[%add3A_102, %broadcast_in_dim3A_117], %gather3A_118 masked %ge3A_91 : memref<1600x32xf32, #tpu.memory_space<vmem>>[vector<16xi32>, vector<16xi32>], vector<16xf32>, vector<16xi1>
        %broadcast_in_dim3A_119 = arith.constant 6 : i32
        %broadcast_in_dim3A_120 = vector.broadcast %broadcast_in_dim3A_119 : i32 to vector<16xi32>
        %gather3A_121 = tpu.vector_load_idx %arg9[%max3A_98, %broadcast_in_dim3A_120] masked %ge3A_91 : memref<64x32xf32, #tpu.memory_space<vmem>>[vector<16xi32>, vector<16xi32>], vector<16xf32>, vector<16xi1>
        tpu.vector_store_idx %arg8[%add3A_102, %broadcast_in_dim3A_120], %gather3A_121 masked %ge3A_91 : memref<1600x32xf32, #tpu.memory_space<vmem>>[vector<16xi32>, vector<16xi32>], vector<16xf32>, vector<16xi1>
        %broadcast_in_dim3A_122 = arith.constant 7 : i32
        %broadcast_in_dim3A_123 = vector.broadcast %broadcast_in_dim3A_122 : i32 to vector<16xi32>
        %gather3A_124 = tpu.vector_load_idx %arg9[%max3A_98, %broadcast_in_dim3A_123] masked %ge3A_91 : memref<64x32xf32, #tpu.memory_space<vmem>>[vector<16xi32>, vector<16xi32>], vector<16xf32>, vector<16xi1>
        tpu.vector_store_idx %arg8[%add3A_102, %broadcast_in_dim3A_123], %gather3A_124 masked %ge3A_91 : memref<1600x32xf32, #tpu.memory_space<vmem>>[vector<16xi32>, vector<16xi32>], vector<16xf32>, vector<16xi1>
        %broadcast_in_dim3A_125 = arith.constant 8 : i32
        %broadcast_in_dim3A_126 = vector.broadcast %broadcast_in_dim3A_125 : i32 to vector<16xi32>
        %gather3A_127 = tpu.vector_load_idx %arg9[%max3A_98, %broadcast_in_dim3A_126] masked %ge3A_91 : memref<64x32xf32, #tpu.memory_space<vmem>>[vector<16xi32>, vector<16xi32>], vector<16xf32>, vector<16xi1>
        tpu.vector_store_idx %arg8[%add3A_102, %broadcast_in_dim3A_126], %gather3A_127 masked %ge3A_91 : memref<1600x32xf32, #tpu.memory_space<vmem>>[vector<16xi32>, vector<16xi32>], vector<16xf32>, vector<16xi1>
        %broadcast_in_dim3A_128 = arith.constant 9 : i32
        %broadcast_in_dim3A_129 = vector.broadcast %broadcast_in_dim3A_128 : i32 to vector<16xi32>
        %gather3A_130 = tpu.vector_load_idx %arg9[%max3A_98, %broadcast_in_dim3A_129] masked %ge3A_91 : memref<64x32xf32, #tpu.memory_space<vmem>>[vector<16xi32>, vector<16xi32>], vector<16xf32>, vector<16xi1>
        tpu.vector_store_idx %arg8[%add3A_102, %broadcast_in_dim3A_129], %gather3A_130 masked %ge3A_91 : memref<1600x32xf32, #tpu.memory_space<vmem>>[vector<16xi32>, vector<16xi32>], vector<16xf32>, vector<16xi1>
        %broadcast_in_dim3A_131 = arith.constant 10 : i32
        %broadcast_in_dim3A_132 = vector.broadcast %broadcast_in_dim3A_131 : i32 to vector<16xi32>
        %gather3A_133 = tpu.vector_load_idx %arg9[%max3A_98, %broadcast_in_dim3A_132] masked %ge3A_91 : memref<64x32xf32, #tpu.memory_space<vmem>>[vector<16xi32>, vector<16xi32>], vector<16xf32>, vector<16xi1>
        tpu.vector_store_idx %arg8[%add3A_102, %broadcast_in_dim3A_132], %gather3A_133 masked %ge3A_91 : memref<1600x32xf32, #tpu.memory_space<vmem>>[vector<16xi32>, vector<16xi32>], vector<16xf32>, vector<16xi1>
        %broadcast_in_dim3A_134 = arith.constant 11 : i32
        %broadcast_in_dim3A_135 = vector.broadcast %broadcast_in_dim3A_134 : i32 to vector<16xi32>
        %gather3A_136 = tpu.vector_load_idx %arg9[%max3A_98, %broadcast_in_dim3A_135] masked %ge3A_91 : memref<64x32xf32, #tpu.memory_space<vmem>>[vector<16xi32>, vector<16xi32>], vector<16xf32>, vector<16xi1>
        tpu.vector_store_idx %arg8[%add3A_102, %broadcast_in_dim3A_135], %gather3A_136 masked %ge3A_91 : memref<1600x32xf32, #tpu.memory_space<vmem>>[vector<16xi32>, vector<16xi32>], vector<16xf32>, vector<16xi1>
        %broadcast_in_dim3A_137 = arith.constant 12 : i32
        %broadcast_in_dim3A_138 = vector.broadcast %broadcast_in_dim3A_137 : i32 to vector<16xi32>
        %gather3A_139 = tpu.vector_load_idx %arg9[%max3A_98, %broadcast_in_dim3A_138] masked %ge3A_91 : memref<64x32xf32, #tpu.memory_space<vmem>>[vector<16xi32>, vector<16xi32>], vector<16xf32>, vector<16xi1>
        tpu.vector_store_idx %arg8[%add3A_102, %broadcast_in_dim3A_138], %gather3A_139 masked %ge3A_91 : memref<1600x32xf32, #tpu.memory_space<vmem>>[vector<16xi32>, vector<16xi32>], vector<16xf32>, vector<16xi1>
        %broadcast_in_dim3A_140 = arith.constant 13 : i32
        %broadcast_in_dim3A_141 = vector.broadcast %broadcast_in_dim3A_140 : i32 to vector<16xi32>
        %gather3A_142 = tpu.vector_load_idx %arg9[%max3A_98, %broadcast_in_dim3A_141] masked %ge3A_91 : memref<64x32xf32, #tpu.memory_space<vmem>>[vector<16xi32>, vector<16xi32>], vector<16xf32>, vector<16xi1>
        tpu.vector_store_idx %arg8[%add3A_102, %broadcast_in_dim3A_141], %gather3A_142 masked %ge3A_91 : memref<1600x32xf32, #tpu.memory_space<vmem>>[vector<16xi32>, vector<16xi32>], vector<16xf32>, vector<16xi1>
        %broadcast_in_dim3A_143 = arith.constant 14 : i32
        %broadcast_in_dim3A_144 = vector.broadcast %broadcast_in_dim3A_143 : i32 to vector<16xi32>
        %gather3A_145 = tpu.vector_load_idx %arg9[%max3A_98, %broadcast_in_dim3A_144] masked %ge3A_91 : memref<64x32xf32, #tpu.memory_space<vmem>>[vector<16xi32>, vector<16xi32>], vector<16xf32>, vector<16xi1>
        tpu.vector_store_idx %arg8[%add3A_102, %broadcast_in_dim3A_144], %gather3A_145 masked %ge3A_91 : memref<1600x32xf32, #tpu.memory_space<vmem>>[vector<16xi32>, vector<16xi32>], vector<16xf32>, vector<16xi1>
        %broadcast_in_dim3A_146 = arith.constant 15 : i32
        %broadcast_in_dim3A_147 = vector.broadcast %broadcast_in_dim3A_146 : i32 to vector<16xi32>
        %gather3A_148 = tpu.vector_load_idx %arg9[%max3A_98, %broadcast_in_dim3A_147] masked %ge3A_91 : memref<64x32xf32, #tpu.memory_space<vmem>>[vector<16xi32>, vector<16xi32>], vector<16xf32>, vector<16xi1>
        tpu.vector_store_idx %arg8[%add3A_102, %broadcast_in_dim3A_147], %gather3A_148 masked %ge3A_91 : memref<1600x32xf32, #tpu.memory_space<vmem>>[vector<16xi32>, vector<16xi32>], vector<16xf32>, vector<16xi1>
        %broadcast_in_dim3A_149 = arith.constant 16 : i32
        %broadcast_in_dim3A_150 = vector.broadcast %broadcast_in_dim3A_149 : i32 to vector<16xi32>
        %gather3A_151 = tpu.vector_load_idx %arg9[%max3A_98, %broadcast_in_dim3A_150] masked %ge3A_91 : memref<64x32xf32, #tpu.memory_space<vmem>>[vector<16xi32>, vector<16xi32>], vector<16xf32>, vector<16xi1>
        tpu.vector_store_idx %arg8[%add3A_102, %broadcast_in_dim3A_150], %gather3A_151 masked %ge3A_91 : memref<1600x32xf32, #tpu.memory_space<vmem>>[vector<16xi32>, vector<16xi32>], vector<16xf32>, vector<16xi1>
        %broadcast_in_dim3A_152 = arith.constant 17 : i32
        %broadcast_in_dim3A_153 = vector.broadcast %broadcast_in_dim3A_152 : i32 to vector<16xi32>
        %gather3A_154 = tpu.vector_load_idx %arg9[%max3A_98, %broadcast_in_dim3A_153] masked %ge3A_91 : memref<64x32xf32, #tpu.memory_space<vmem>>[vector<16xi32>, vector<16xi32>], vector<16xf32>, vector<16xi1>
        tpu.vector_store_idx %arg8[%add3A_102, %broadcast_in_dim3A_153], %gather3A_154 masked %ge3A_91 : memref<1600x32xf32, #tpu.memory_space<vmem>>[vector<16xi32>, vector<16xi32>], vector<16xf32>, vector<16xi1>
        %broadcast_in_dim3A_155 = arith.constant 18 : i32
        %broadcast_in_dim3A_156 = vector.broadcast %broadcast_in_dim3A_155 : i32 to vector<16xi32>
        %gather3A_157 = tpu.vector_load_idx %arg9[%max3A_98, %broadcast_in_dim3A_156] masked %ge3A_91 : memref<64x32xf32, #tpu.memory_space<vmem>>[vector<16xi32>, vector<16xi32>], vector<16xf32>, vector<16xi1>
        tpu.vector_store_idx %arg8[%add3A_102, %broadcast_in_dim3A_156], %gather3A_157 masked %ge3A_91 : memref<1600x32xf32, #tpu.memory_space<vmem>>[vector<16xi32>, vector<16xi32>], vector<16xf32>, vector<16xi1>
        %broadcast_in_dim3A_158 = arith.constant 19 : i32
        %broadcast_in_dim3A_159 = vector.broadcast %broadcast_in_dim3A_158 : i32 to vector<16xi32>
        %gather3A_160 = tpu.vector_load_idx %arg9[%max3A_98, %broadcast_in_dim3A_159] masked %ge3A_91 : memref<64x32xf32, #tpu.memory_space<vmem>>[vector<16xi32>, vector<16xi32>], vector<16xf32>, vector<16xi1>
        tpu.vector_store_idx %arg8[%add3A_102, %broadcast_in_dim3A_159], %gather3A_160 masked %ge3A_91 : memref<1600x32xf32, #tpu.memory_space<vmem>>[vector<16xi32>, vector<16xi32>], vector<16xf32>, vector<16xi1>
        %broadcast_in_dim3A_161 = arith.constant 20 : i32
        %broadcast_in_dim3A_162 = vector.broadcast %broadcast_in_dim3A_161 : i32 to vector<16xi32>
        %gather3A_163 = tpu.vector_load_idx %arg9[%max3A_98, %broadcast_in_dim3A_162] masked %ge3A_91 : memref<64x32xf32, #tpu.memory_space<vmem>>[vector<16xi32>, vector<16xi32>], vector<16xf32>, vector<16xi1>
        tpu.vector_store_idx %arg8[%add3A_102, %broadcast_in_dim3A_162], %gather3A_163 masked %ge3A_91 : memref<1600x32xf32, #tpu.memory_space<vmem>>[vector<16xi32>, vector<16xi32>], vector<16xf32>, vector<16xi1>
        %broadcast_in_dim3A_164 = arith.constant 21 : i32
        %broadcast_in_dim3A_165 = vector.broadcast %broadcast_in_dim3A_164 : i32 to vector<16xi32>
        %gather3A_166 = tpu.vector_load_idx %arg9[%max3A_98, %broadcast_in_dim3A_165] masked %ge3A_91 : memref<64x32xf32, #tpu.memory_space<vmem>>[vector<16xi32>, vector<16xi32>], vector<16xf32>, vector<16xi1>
        tpu.vector_store_idx %arg8[%add3A_102, %broadcast_in_dim3A_165], %gather3A_166 masked %ge3A_91 : memref<1600x32xf32, #tpu.memory_space<vmem>>[vector<16xi32>, vector<16xi32>], vector<16xf32>, vector<16xi1>
        %broadcast_in_dim3A_167 = arith.constant 22 : i32
        %broadcast_in_dim3A_168 = vector.broadcast %broadcast_in_dim3A_167 : i32 to vector<16xi32>
        %gather3A_169 = tpu.vector_load_idx %arg9[%max3A_98, %broadcast_in_dim3A_168] masked %ge3A_91 : memref<64x32xf32, #tpu.memory_space<vmem>>[vector<16xi32>, vector<16xi32>], vector<16xf32>, vector<16xi1>
        tpu.vector_store_idx %arg8[%add3A_102, %broadcast_in_dim3A_168], %gather3A_169 masked %ge3A_91 : memref<1600x32xf32, #tpu.memory_space<vmem>>[vector<16xi32>, vector<16xi32>], vector<16xf32>, vector<16xi1>
        %broadcast_in_dim3A_170 = arith.constant 23 : i32
        %broadcast_in_dim3A_171 = vector.broadcast %broadcast_in_dim3A_170 : i32 to vector<16xi32>
        %gather3A_172 = tpu.vector_load_idx %arg9[%max3A_98, %broadcast_in_dim3A_171] masked %ge3A_91 : memref<64x32xf32, #tpu.memory_space<vmem>>[vector<16xi32>, vector<16xi32>], vector<16xf32>, vector<16xi1>
        tpu.vector_store_idx %arg8[%add3A_102, %broadcast_in_dim3A_171], %gather3A_172 masked %ge3A_91 : memref<1600x32xf32, #tpu.memory_space<vmem>>[vector<16xi32>, vector<16xi32>], vector<16xf32>, vector<16xi1>
        %broadcast_in_dim3A_173 = arith.constant 24 : i32
        %broadcast_in_dim3A_174 = vector.broadcast %broadcast_in_dim3A_173 : i32 to vector<16xi32>
        %gather3A_175 = tpu.vector_load_idx %arg9[%max3A_98, %broadcast_in_dim3A_174] masked %ge3A_91 : memref<64x32xf32, #tpu.memory_space<vmem>>[vector<16xi32>, vector<16xi32>], vector<16xf32>, vector<16xi1>
        tpu.vector_store_idx %arg8[%add3A_102, %broadcast_in_dim3A_174], %gather3A_175 masked %ge3A_91 : memref<1600x32xf32, #tpu.memory_space<vmem>>[vector<16xi32>, vector<16xi32>], vector<16xf32>, vector<16xi1>
        %broadcast_in_dim3A_176 = arith.constant 25 : i32
        %broadcast_in_dim3A_177 = vector.broadcast %broadcast_in_dim3A_176 : i32 to vector<16xi32>
        %gather3A_178 = tpu.vector_load_idx %arg9[%max3A_98, %broadcast_in_dim3A_177] masked %ge3A_91 : memref<64x32xf32, #tpu.memory_space<vmem>>[vector<16xi32>, vector<16xi32>], vector<16xf32>, vector<16xi1>
        tpu.vector_store_idx %arg8[%add3A_102, %broadcast_in_dim3A_177], %gather3A_178 masked %ge3A_91 : memref<1600x32xf32, #tpu.memory_space<vmem>>[vector<16xi32>, vector<16xi32>], vector<16xf32>, vector<16xi1>
        %broadcast_in_dim3A_179 = arith.constant 26 : i32
        %broadcast_in_dim3A_180 = vector.broadcast %broadcast_in_dim3A_179 : i32 to vector<16xi32>
        %gather3A_181 = tpu.vector_load_idx %arg9[%max3A_98, %broadcast_in_dim3A_180] masked %ge3A_91 : memref<64x32xf32, #tpu.memory_space<vmem>>[vector<16xi32>, vector<16xi32>], vector<16xf32>, vector<16xi1>
        tpu.vector_store_idx %arg8[%add3A_102, %broadcast_in_dim3A_180], %gather3A_181 masked %ge3A_91 : memref<1600x32xf32, #tpu.memory_space<vmem>>[vector<16xi32>, vector<16xi32>], vector<16xf32>, vector<16xi1>
        %broadcast_in_dim3A_182 = arith.constant 27 : i32
        %broadcast_in_dim3A_183 = vector.broadcast %broadcast_in_dim3A_182 : i32 to vector<16xi32>
        %gather3A_184 = tpu.vector_load_idx %arg9[%max3A_98, %broadcast_in_dim3A_183] masked %ge3A_91 : memref<64x32xf32, #tpu.memory_space<vmem>>[vector<16xi32>, vector<16xi32>], vector<16xf32>, vector<16xi1>
        tpu.vector_store_idx %arg8[%add3A_102, %broadcast_in_dim3A_183], %gather3A_184 masked %ge3A_91 : memref<1600x32xf32, #tpu.memory_space<vmem>>[vector<16xi32>, vector<16xi32>], vector<16xf32>, vector<16xi1>
        %broadcast_in_dim3A_185 = arith.constant 28 : i32
        %broadcast_in_dim3A_186 = vector.broadcast %broadcast_in_dim3A_185 : i32 to vector<16xi32>
        %gather3A_187 = tpu.vector_load_idx %arg9[%max3A_98, %broadcast_in_dim3A_186] masked %ge3A_91 : memref<64x32xf32, #tpu.memory_space<vmem>>[vector<16xi32>, vector<16xi32>], vector<16xf32>, vector<16xi1>
        tpu.vector_store_idx %arg8[%add3A_102, %broadcast_in_dim3A_186], %gather3A_187 masked %ge3A_91 : memref<1600x32xf32, #tpu.memory_space<vmem>>[vector<16xi32>, vector<16xi32>], vector<16xf32>, vector<16xi1>
        %broadcast_in_dim3A_188 = arith.constant 29 : i32
        %broadcast_in_dim3A_189 = vector.broadcast %broadcast_in_dim3A_188 : i32 to vector<16xi32>
        %gather3A_190 = tpu.vector_load_idx %arg9[%max3A_98, %broadcast_in_dim3A_189] masked %ge3A_91 : memref<64x32xf32, #tpu.memory_space<vmem>>[vector<16xi32>, vector<16xi32>], vector<16xf32>, vector<16xi1>
        tpu.vector_store_idx %arg8[%add3A_102, %broadcast_in_dim3A_189], %gather3A_190 masked %ge3A_91 : memref<1600x32xf32, #tpu.memory_space<vmem>>[vector<16xi32>, vector<16xi32>], vector<16xf32>, vector<16xi1>
        %broadcast_in_dim3A_191 = arith.constant 30 : i32
        %broadcast_in_dim3A_192 = vector.broadcast %broadcast_in_dim3A_191 : i32 to vector<16xi32>
        %gather3A_193 = tpu.vector_load_idx %arg9[%max3A_98, %broadcast_in_dim3A_192] masked %ge3A_91 : memref<64x32xf32, #tpu.memory_space<vmem>>[vector<16xi32>, vector<16xi32>], vector<16xf32>, vector<16xi1>
        tpu.vector_store_idx %arg8[%add3A_102, %broadcast_in_dim3A_192], %gather3A_193 masked %ge3A_91 : memref<1600x32xf32, #tpu.memory_space<vmem>>[vector<16xi32>, vector<16xi32>], vector<16xf32>, vector<16xi1>
        %broadcast_in_dim3A_194 = arith.constant 31 : i32
        %broadcast_in_dim3A_195 = vector.broadcast %broadcast_in_dim3A_194 : i32 to vector<16xi32>
        %gather3A_196 = tpu.vector_load_idx %arg9[%max3A_98, %broadcast_in_dim3A_195] masked %ge3A_91 : memref<64x32xf32, #tpu.memory_space<vmem>>[vector<16xi32>, vector<16xi32>], vector<16xf32>, vector<16xi1>
        tpu.vector_store_idx %arg8[%add3A_102, %broadcast_in_dim3A_195], %gather3A_196 masked %ge3A_91 : memref<1600x32xf32, #tpu.memory_space<vmem>>[vector<16xi32>, vector<16xi32>], vector<16xf32>, vector<16xi1>
      } else {
      }
      %scan3A_94 = arith.constant 0 : i32
      scf.yield %scan3A_94 : i32
    }
    %scan3A_80 = arith.constant 100 : i32
    %add3A_81 = arith.constant 4800 : i32
    %add3A_82 = arith.addi %mul3A_2, %add3A_81 : i32
    "tpu.region"() ({
      %run_scoped3A = tpu.sem_alloc : memref<!tpu.dma_semaphore, #tpu.memory_space<semaphore_mem>>
      %dma_start3A_83 = arith.constant 0 : i32
      %dma_start3A_84 = tpu.memref_slice %arg5[%add3A_82, %dma_start3A_83] : memref<204800x32xf32, #tpu.memory_space<hbm>> -> memref<1600x32xf32, #tpu.memory_space<hbm>>
      %dma_start3A_85 = arith.constant 0 : i32
      %dma_start3A_86 = tpu.memref_slice %arg5[%add3A_82, %dma_start3A_85] : memref<204800x32xf32, #tpu.memory_space<hbm>> -> memref<1600x32xf32, #tpu.memory_space<hbm>>
      tpu.enqueue_dma source(%arg8 : memref<1600x32xf32, #tpu.memory_space<vmem>>) target(%dma_start3A_86 : memref<1600x32xf32, #tpu.memory_space<hbm>>) target_semaphore(%run_scoped3A : memref<!tpu.dma_semaphore, #tpu.memory_space<semaphore_mem>>)
      %dma_wait3A_87 = arith.constant 0 : i32
      %dma_wait3A_88 = tpu.memref_slice %arg5[%add3A_82, %dma_wait3A_87] : memref<204800x32xf32, #tpu.memory_space<hbm>> -> memref<1600x32xf32, #tpu.memory_space<hbm>>
      %dma_wait3A_89 = arith.constant 0 : i32
      %dma_wait3A_90 = tpu.memref_slice %arg5[%add3A_82, %dma_wait3A_89] : memref<204800x32xf32, #tpu.memory_space<hbm>> -> memref<1600x32xf32, #tpu.memory_space<hbm>>
      tpu.wait_dma2 semaphore(%run_scoped3A : memref<!tpu.dma_semaphore, #tpu.memory_space<semaphore_mem>>) src(%arg8 : memref<1600x32xf32, #tpu.memory_space<vmem>>) dst(%dma_wait3A_90 : memref<1600x32xf32, #tpu.memory_space<hbm>>)
      tpu.yield
    }) : () -> ()
    return
  }
}

</mosaic_0001>

<sc_bundles>
// kernel: kernel.4.cloned.1.call-start
scs
__scs_entry_jumppad:
0x0: {  	(pc) =	sbr.rel $0x88, $3  }
0x1: {  	(tag) =	ssettag $0x0;
	lr =	simm.s32 $0x1  }
0x2: {  	[smem:$0x3F9F] =	sst lr;
	_ =	strace $0xD0000000  }
0x3: {  	_ = 	snop  }
0x4: {  	_ = 	snop  }
0x5: {  	_ = 	snop  }
0x6: {  	_ = 	snop  }
0x7: {  	_ = 	snop  }
__scs_overlays_trampoline_lowered:
0x8: {  	[smem:$0x3FAE] =	sst s0  }
0x9: {  	[smem:$0x3FAF] =	sst s1  }
0xa: {  	[smem:$0x3FB0] =	sst s2  }
0xb: {  	[smem:$0x3FB1] =	sst s3  }
0xc: {  	[smem:$0x3FB2] =	sst s4  }
0xd: {  	[smem:$0x3FB3] =	sst s5  }
0xe: {  	[smem:$0x3FB4] =	sst s6  }
0xf: {  	[smem:$0x3FB5] =	sst s7  }
0x10: {  	[smem:$0x3FB6] =	sst s8  }
0x11: {  	[smem:$0x3FB7] =	sst s9;
	s0 =	simm.s32 @!p0 $0x0  }
0x12: {  	s1 =	sld [smem:$0x3F9D];
	s0 =	simm.s32 @p0 $0x1  }
0x13: {  	[smem:$0x3FB8] =	sst s0;
	s0 =	simm.s32 @!p1 $0x0  }
0x14: {  	s2 =	sld [smem:$0x3F9C];
	s0 =	simm.s32 @p1 $0x1  }
0x15: {  	[smem:$0x3FB9] =	sst s0;
	s0 =	simm.s32 @!p2 $0x0  }
0x16: {  	s3 =	sld [smem:$0x3FDB];
	s0 =	simm.s32 @p2 $0x1  }
0x17: {  	s4 =	simm.s32 $0x1BF5;
	[smem:$0x3FBB] =	sst s0  }
0x18: {  	s0 =	sld [smem:$0x3F9E];
	_ =	swait.ge [sflag:s4], $0x0  }
0x19: {  	s7 =	sld [smem:$0x3F9F]  }
0x1a: {  	s8 =	sadd.s32 $0xFFFFE003, lr  }
0x1b: {  	s9 =	sadd.s32 $0xFFFFFEF7, lr;
	s5 =	simm.s32 $0xFFFFFFFF;
	p2 =	slt.u32 s8, $0xFFFFF086  }
0x1c: {  	p1 =	slt.u32 s9, $0xF7A;
	s5 =	simm.s32 @!p2 $0x0  }
0x1d: {  	s5 =	simm.s32 @p1 $0x1;
	p0 =	seq.s32 s7, s2  }
0x1e: {  	s7 =	smul.u32 @!p0 $0xF7A, s2;
	p2 =	seq.s32 @!p0 s5, $0x0  }
0x1f: {  	s9 =	smul.u32 $0xF7A, s1;
	s8 =	simm.s32 @!p0 $0x1BF5;
	p2 =	por !p2, p0  }
0x20: {  	[sflag:s8] =	ssyncset.s32 @!p0 $0xFFFFF086;
	s6 =	sadd.s32 @!p0 s3, s7;
	s7 =	simm.s32 @!p0 $0x108  }
0x21: {  	s3 =	sadd.s32 s3, s9;
	s6 =	sadd.s32 @!p0 $0x88, s6;
	s7 =	simm.s32 @p2 $0x1082  }
0x22: {  	[simem:s7], [sflag:s8] =	dma.local @!p0 [hbm:s6], $0xF7A  }
0x23: {  	s9 =	sor.u32 $0xD0000000, s2;
	s6 =	simm.s32 $0x108;
	_ =	swait.ge @!p0 [sflag:s8], $0x0  }
0x24: {  	s3 =	sadd.s32 $0x88, s3;
	s6 =	simm.s32 @!p1 $0x1082;
	[sflag:s4] =	ssyncset.s32 $0xFFFFF086  }
0x25: {  	[simem:s6], [sflag:s4] =	dma.local [hbm:s3], $0xF7A  }
0x26: {  	[smem:$0x3F9F] =	sst s1;
	(tag) =	ssettag s2;
	_ =	strace s9  }
0x27: {  	s1 =	sld [smem:$0x3FAF]  }
0x28: {  	s2 =	sld [smem:$0x3FB0]  }
0x29: {  	s4 =	sld [smem:$0x3FB2]  }
0x2a: {  	p0 =	seq.s32 s5, $0x0;
	s5 =	sld [smem:$0x3FB3]  }
0x2b: {  	s6 =	sld [smem:$0x3FB4]  }
0x2c: {  	s7 =	sld [smem:$0x3FB5]  }
0x2d: {  	s3 =	simm.s32 $0x108;
	s8 =	sld [smem:$0x3FB6]  }
0x2e: {  	s3 =	simm.s32 @!p0 $0x1082;
	s9 =	sld [smem:$0x3FB7]  }
0x2f: {  	lr =	sadd.s32 s0, s3;
	s0 =	sld [smem:$0x3FAE]  }
0x30: {  	s3 =	sld [smem:$0x3FB1]  }
0x31: {  	[smem:$0x3FBA] =	sst s10  }
0x32: {  	s10 =	sld [smem:$0x3FB8];
	_ =	sdelay $0x3  }
0x33: {  	p0 =	seq.s32 s10, $0x1;
	s10 =	sld [smem:$0x3FBA];
	_ =	sdelay $0x3  }
0x34: {  	[smem:$0x3FBA] =	sst s10  }
0x35: {  	s10 =	sld [smem:$0x3FB9];
	_ =	sdelay $0x3  }
0x36: {  	p1 =	seq.s32 s10, $0x1;
	s10 =	sld [smem:$0x3FBA];
	_ =	sdelay $0x3  }
0x37: {  	[smem:$0x3FBA] =	sst s10  }
0x38: {  	s10 =	sld [smem:$0x3FBB]  }
0x39: {  	_ = 	snop;
	(pc) =	sbr.ind lr, $3  }
0x3a: {  	_ = 	snop  }
0x3b: {  	_ = 	snop  }
0x3c: {  	p2 =	seq.s32 s10, $0x1;
	s10 =	sld [smem:$0x3FBA]  }
0x3d: {  	_ =	shalt  }
0x3e: {  	_ =	shalt  }
0x3f: {  	_ =	shalt  }
0x40: {  	_ =	shalt  }
0x41: {  	_ =	shalt  }
0x42: {  	_ =	shalt  }
0x43: {  	_ =	shalt  }
0x44: {  	_ =	shalt  }
0x45: {  	_ =	shalt  }
0x46: {  	_ =	shalt  }
0x47: {  	_ =	shalt  }
0x48: {  	_ =	shalt  }
0x49: {  	_ =	shalt  }
0x4a: {  	_ =	shalt  }
0x4b: {  	_ =	shalt  }
0x4c: {  	_ =	shalt  }
0x4d: {  	_ =	shalt  }
0x4e: {  	_ =	shalt  }
0x4f: {  	_ =	shalt  }
0x50: {  	_ =	shalt  }
0x51: {  	_ =	shalt  }
0x52: {  	_ =	shalt  }
0x53: {  	_ =	shalt  }
0x54: {  	_ =	shalt  }
0x55: {  	_ =	shalt  }
0x56: {  	_ =	shalt  }
0x57: {  	_ =	shalt  }
0x58: {  	_ =	shalt  }
0x59: {  	_ =	shalt  }
0x5a: {  	_ =	shalt  }
0x5b: {  	_ =	shalt  }
0x5c: {  	_ =	shalt  }
0x5d: {  	_ =	shalt  }
0x5e: {  	_ =	shalt  }
0x5f: {  	_ =	shalt  }
0x60: {  	_ =	shalt  }
0x61: {  	_ =	shalt  }
0x62: {  	_ =	shalt  }
0x63: {  	_ =	shalt  }
0x64: {  	_ =	shalt  }
0x65: {  	_ =	shalt  }
0x66: {  	_ =	shalt  }
0x67: {  	_ =	shalt  }
0x68: {  	_ =	shalt  }
0x69: {  	_ =	shalt  }
0x6a: {  	_ =	shalt  }
0x6b: {  	_ =	shalt  }
0x6c: {  	_ =	shalt  }
0x6d: {  	_ =	shalt  }
0x6e: {  	_ =	shalt  }
0x6f: {  	_ =	shalt  }
0x70: {  	_ =	shalt  }
0x71: {  	_ =	shalt  }
0x72: {  	_ =	shalt  }
0x73: {  	_ =	shalt  }
0x74: {  	_ =	shalt  }
0x75: {  	_ =	shalt  }
0x76: {  	_ =	shalt  }
0x77: {  	_ =	shalt  }
0x78: {  	_ =	shalt  }
0x79: {  	_ =	shalt  }
0x7a: {  	_ =	shalt  }
0x7b: {  	_ =	shalt  }
0x7c: {  	_ =	shalt  }
0x7d: {  	_ =	shalt  }
0x7e: {  	_ =	shalt  }
0x7f: {  	_ =	shalt  }
0x80: {  	_ =	shalt  }
0x81: {  	_ =	shalt  }
0x82: {  	_ =	shalt  }
0x83: {  	_ =	shalt  }
0x84: {  	_ =	shalt  }
0x85: {  	_ =	shalt  }
0x86: {  	_ =	shalt  }
0x87: {  	_ =	shalt  }
.Lfunc_end0:
.L_simem_size_0:
called_computation_lowered:
.L_overlay_start_0:
0x88: {  	s2 =	sld [smem:$0x3FD9]  }
0x89: {  	s3 =	sld [smem:$0x3FFE];
	_ =	sdelay $0x1  }
0x8a: {  	s1 =	srdreg.scid  }
0x8b: {  	s0 =	sand.u32 $0x1, s1  }
0x8c: {  	s17 =	sshll.u32 s0, $0xA;
	s2 =	sadd.s32 s3, s2  }
0x8d: {  	s2 =	sadd.s32 s2, s17  }
0x8e: {  	[smem:$0x3FC6] =	sst s2  }
0x8f: {  	_ = 	snop  }
0x90: {  	s2 =	sld [smem:$0x3FC8];
	(tm) =	ssettm $0x1  }
0x91: {  	s18 =	sld [smem:$0x3FFB];
	_ =	sdelay $0x3  }
0x92: {  	_ =	strace s18  }
0x93: {  	s3 =	sld [smem:$0x3FFC];
	_ =	sdelay $0x3  }
0x94: {  	_ =	strace s3  }
0x95: {  	s3 =	sld [smem:$0x3FFD];
	_ =	sdelay $0x3  }
0x96: {  	_ =	strace s3  }
0x97: {  	_ =	strace $0x8FFFFFFF  }
0x98: {  	s19 =	sld [smem:$0x3FDB];
	_ =	sdelay $0x1  }
0x99: {  	s4 =	simm.s32 $_scs_section_size  }
0x9a: {  	s5 =	simm.s32 $_size__tile_overlayer_lowered;
	s6 =	simm.s32 $_tile_overlayer_lowered  }
0x9b: {  	s22 =	simm.s32 $0x1BFF;
	s21 =	sshll.u32 s6, $0x1;
	s3 =	sadd.s32 s4, s19  }
0x9c: {  	s7 =	simm.s32 $0x0;
	s20 =	sshll.u32 s5, $0x1;
	s5 =	sadd.s32 s21, s3  }
0x9d: {  	[timem:s7], [sflag:s22] =	dma.local [hbm:s5], s20  }
0x9e: {  	_ =	swait.ge [sflag:s22], s20  }
0x9f: {  	s4 =	ssub.s32 $0x0, s20;
	[sflag:s22] =	ssyncset.done $0x0  }
0xa0: {  	[sflag:s22] =	ssyncadd.s32 s4;
	_ =	sdelay $0x1  }
0xa1: {  	s23 =	simm.s32 $0x1B8B  }
0xa2: {  	_ =	swait.ge [sflag:s23], $0x1  }
0xa3: {  	[sflag:s23] =	ssyncset.done $0x0  }
0xa4: {  	s25 =	simm.s32 $0x1B8E;
	s24 =	sld [smem:$0x3FFE];
	[sflag:s23] =	ssyncadd.s32 $0xFFFFFFFF  }
0xa5: {  	s26 =	simm.s32 $execute0_lowered;
	[smem:$0x3FD2] =	sst s25  }
0xa6: {  	s5 =	sshll.u32 s26, $0x1;
	_ =	strace $0x80000046;
	[dreg:$0x1] =	wrdreg $0xFFFFFFFF  }
0xa7: {  	s28 =	simm.s32 $_size_execute0_lowered;
	s3 =	sadd.s32 s3, s5;
	[dreg:$0x0] =	wrdreg $0x0  }
0xa8: {  	s5 =	sshll.u32 s28, $0x1;
	[dreg:$0x2] =	wrdreg s3  }
0xa9: {  	[dreg:$0x3] =	wrdreg s5  }
0xaa: {  	[dreg:$0x4] =	wrdreg $0xC0  }
0xab: {  	_ =	task [dreg:s7], $0x5FFFF  }
0xac: {  	[dreg:$0x1] =	wrdreg $0xFFFFFFFF  }
0xad: {  	[dreg:$0x0] =	wrdreg $0x60  }
0xae: {  	[dreg:$0x2] =	wrdreg s2  }
0xaf: {  	[dreg:$0x3] =	wrdreg s24  }
0xb0: {  	[dreg:$0x4] =	wrdreg $0x9  }
0xb1: {  	_ =	task.clear_ibuf [dreg:s7], $0x5FFFF;
	_ =	strace $0x90000046  }
0xb2: {  	s29 =	simm.s32 $0x9;
	_ =	strace $0x80000048  }
0xb3: {  	_ =	swait.ge [sflag:s29], $0x1  }
0xb4: {  	[sflag:s29] =	ssyncadd.s32 $0xFFFFFFFF  }
0xb5: {  	_ =	strace $0x90000048  }
0xb6: {  	_ =	sfence  }
0xb7: {  	s30 =	sld [smem:$0x0];
	_ =	sdelay $0x2  }
0xb8: {  	s31 =	sshll.u32 s1, $0xD;
	s1 =	sshrl.u32 s1, $0x2  }
0xb9: {  	s3 =	sand.u32 $0x4000, s31;
	s1 =	sadd.s32 s1, s30  }
0xba: {  	s0 =	sor.u32 s3, s0;
	s1 =	sshll.u32 s1, $0x11  }
0xbb: {  	s0 =	sor.u32 s1, s0  }
0xbc: {  	s0 =	sadd.s32 $0x8F2B, s0  }
0xbd: {  	[sflag:s0] =	ssyncadd.remote.s32 $0x1  }
0xbe: {  	_ =	sfence.sel $0xFFFF  }
0xbf: {  	[dreg:$0x0] =	wrdreg $0xFFFFFFFF;
	(pc) =	sbr.abs _section_cstart, $3  }
0xc0: {  	[dreg:$0x1] =	wrdreg $0xFFFFFFFF  }
0xc1: {  	_ =	task.clear_ibuf [dreg:s7], $0x2FFFF;
	_ =	strace $0x9FFFFFFF  }
0xc2: {  	(tm) =	ssettm $0x7FFFFFFF  }
0xc3: {  	_ =	shalt  }
tec
execute0_lowered:
.L_overlay_start_1:
0x0: {  	(tag) =	ssettag $0x1  }
0x1: {  	v0 =	vlaneseq.u32  }
0x2: {  	v0 =	vmul.u32 $0x20, v0;
	_ =	sdelay $0x1  }
0x3: {  	s1 =	rddreg [dreg:$0x0];
	s2 =	srdreg.scid;
	v1 =	vor.u32 $0x1, v0  }
0x4: {  	s0 =	stileid.u32;
	s5 =	rddreg [dreg:$0x1];
	v2 =	vor.u32 $0x2, v0;
	v3 =	vor.u32 $0x3, v0;
	v4 =	vor.u32 $0x4, v0  }
0x5: {  	s3 =	simm.s32 $0x0;
	s10 =	simm.s32 $0x1800;
	s12 =	simm.s32 $0x7A1400;
	v5 =	vor.u32 $0x5, v0;
	v6 =	vor.u32 $0x6, v0;
	v7 =	vor.u32 $0x7, v0  }
0x6: {  	s13 =	simm.s32 $0x6000;
	s6 =	sand.u32 $0x1, s2;
	s4 =	sshll.u32 s0, $0x1;
	v8 =	vor.u32 $0x8, v0;
	v9 =	vor.u32 $0x9, v0;
	v10 =	vor.u32 $0xA, v0  }
0x7: {  	s14 =	simm.s32 $0xC000;
	s15 =	simm.s32 $0x12080;
	s4 =	sor.u32 s6, s4;
	v11 =	vor.u32 $0xB, v0;
	v12 =	vor.u32 $0xC, v0;
	v13 =	vor.u32 $0xD, v0  }
0x8: {  	s16 =	simm.s32 $0x0;
	s2 =	rddreg [dreg:$0x2];
	s7 =	smul.u32 $0x1800, s4;
	v14 =	vor.u32 $0xE, v0;
	v15 =	vor.u32 $0xF, v0;
	v16 =	vor.u32 $0x10, v0  }
.Ltmp0:
0x9: {  	[smem:$0x7FF] =	sst s3;
	s6 =	ssub.s32 $0x2, s6;
	v17 =	vor.u32 $0x11, v0;
	v18 =	vor.u32 $0x12, v0;
	v19 =	vor.u32 $0x13, v0;
	(pc) =	sbr.rel .LBB2_1-.Ltmp0, $4  }
0xa: {  	s5 =	sadd.s32 $0xA00, s5;
	s8 =	smul.u32 $0x300, s4;
	s9 =	sshrl.u32 s6, $0x1;
	v20 =	vor.u32 $0x14, v0;
	v21 =	vor.u32 $0x15, v0;
	v22 =	vor.u32 $0x16, v0  }
0xb: {  	_ =	strace $0x80000047;
	v23 =	vor.u32 $0x17, v0;
	v24 =	vor.u32 $0x18, v0;
	v25 =	vor.u32 $0x19, v0;
	s11 =	ssub.s32 s6, s9;
	s7 =	sshrl.u32 s7, $0x3  }
0xc: {  	v26 =	vor.u32 $0x1A, v0;
	v27 =	vor.u32 $0x1B, v0;
	v28 =	vor.u32 $0x1C, v0;
	s9 =	sor.u32 $0x60, s4;
	s6 =	sadd.s32 s1, s8;
	s7 =	sadd.s32 s1, s7  }
0xd: {  	v29 =	vor.u32 $0x1D, v0;
	v30 =	vor.u32 $0x1E, v0;
	v31 =	vor.u32 $0x1F, v0;
	s8 =	sor.u32 $0x40, s4;
	s11 =	smax.u32 s11, $0x1;
	s7 =	sadd.s32 $0x6000, s7  }
.LBB2_11:
0xe: {  	s16 =	sadd.s32 $0x1, s16  }
0xf: {  	p0 =	sne.s32 s16, s11  }
.Ltmp1:
0x10: {  	_ = 	snop;
	(pc) =	sbr.rel @!p0 .LBB2_12-.Ltmp1, $1  }
0x11: {  	_ =	sdelay $0x3  }
.LBB2_1:
.Ltmp2:
0x12: {  	(pc) =	sbr.rel .LBB2_2-.Ltmp2, $4  }
0x13: {  	_ = 	snop  }
0x14: {  	[tilespmem:s3], [sflag:$0x1] =	stream.strided.gather [hbm4b:s6+s10], $0x6000, s12, s10, $0x38;
	[tilespmem:$0x18100] =	vst v63  }
0x15: {  	s17 =	simm.s32 $0x0  }
0x16: {  	[tilespmem:s13], [sflag:$0x2] =	stream.strided.gather [hbm4b:s7+s10], $0x6000, s12, s10, $0x38;
	[tilespmem:$0x18100] =	vst v63  }
.LBB2_10:
0x17: {  	s18 =	sadd.s32 s9, s18  }
0x18: {  	p0 =	sgt.u32 s18, $0x515  }
0x19: {  	s18 =	smul.u32 @!p0 $0x300, s18  }
0x1a: {  	s17 =	sadd.s32 $0x1, s17;
	s19 =	simm.s32 @!p0 $0x1800  }
0x1b: {  	s20 =	simm.s32 @!p0 $0x7A1400;
	s21 =	simm.s32 @!p0 $0x6000;
	s18 =	sadd.s32 @!p0 s1, s18  }
0x1c: {  	[tilespmem:s21], [sflag:$0x2] =	stream.strided.gather @!p0 [hbm4b:s18+s19], $0x6000, s20, s19, $0x38;
	[tilespmem:$0x18100] =	vst v63  }
0x1d: {  	p0 =	sne.s32 s17, $0x15  }
.Ltmp3:
0x1e: {  	_ = 	snop;
	(pc) =	sbr.rel @!p0 .LBB2_11-.Ltmp3, $1  }
0x1f: {  	_ =	sdelay $0x3  }
.LBB2_2:
0x20: {  	s18 =	sshll.u32 s17, $0x6  }
0x21: {  	s19 =	sor.u32 s4, s18  }
0x22: {  	p1 =	sgt.u32 s19, $0x515  }
0x23: {  	s20 =	simm.s32 @!p1 $0x1  }
0x24: {  	_ =	swait.ge @!p1 [sflag:s20], $0x6000  }
.Ltmp4:
0x25: {  	p0 =	seq.s32 s17, $0x0;
	[sflag:s20] =	ssyncset.done @!p1 $0x0;
	(pc) =	sbr.rel @p1 .LBB2_6-.Ltmp4, $4  }
0x26: {  	[sflag:s20] =	ssyncadd.s32 @!p1 $0xFFFFA000;
	s20 =	simm.s32 @!p0 $0x3  }
0x27: {  	_ =	swait.ge @!p0 [sflag:s20], $0x6000  }
0x28: {  	[sflag:s20] =	ssyncset.done @!p0 $0x0  }
0x29: {  	[sflag:s20] =	ssyncadd.s32 @!p0 $0xFFFFA000  }
0x2a: {  	s20 =	simm.s32 $0x0  }
0x2b: {  	s21 =	sor.u32 s20, s20  }
0x2c: {  	s22 =	sand.u32 $0x70, s20;
	s23 =	sand.u32 $0x1C00, s20;
	s21 =	sor.u32 $0x380, s21  }
0x2d: {  	s23 =	sor.u32 s22, s23;
	v32 =	vld [tilespmem:s21+$0x0]  }
0x2e: {  	v33 =	vld [tilespmem:s23+$0x1B80]  }
0x2f: {  	v34 =	vld [tilespmem:s23+$0x1B00]  }
0x30: {  	v35 =	vld [tilespmem:s23+$0x1A80]  }
0x31: {  	v36 =	vld [tilespmem:s23+$0x1A00]  }
0x32: {  	v37 =	vld [tilespmem:s23+$0x1980]  }
0x33: {  	v38 =	vld [tilespmem:s23+$0x1880]  }
0x34: {  	v39 =	vld [tilespmem:s23+$0x1900]  }
0x35: {  	v40 =	vld [tilespmem:s23+$0x180]  }
0x36: {  	v41 =	vld [tilespmem:s23+$0x100]  }
0x37: {  	v43 =	vld [tilespmem:s23+$0x0]  }
0x38: {  	v42 =	vld [tilespmem:s23+$0x80]  }
0x39: {  	v44 =	vld [tilespmem:s23+$0x1800]  }
0x3a: {  	v45 =	vld [tilespmem:s23+$0x200]  }
0x3b: {  	v46 =	vld [tilespmem:s23+$0x280];
	s21 =	simm.s32 $0xC000  }
0x3c: {  	v47 =	vld [tilespmem:s23+$0x300];
	[tilespmem:v0+s21+$0x0] =	vst.idx.msk $0xffff, v43  }
0x3d: {  	[tilespmem:v1+s21+$0x0] =	vst.idx.msk $0xffff, v42  }
0x3e: {  	[tilespmem:v2+s21+$0x0] =	vst.idx.msk $0xffff, v41  }
0x3f: {  	[tilespmem:v3+s21+$0x0] =	vst.idx.msk $0xffff, v40  }
0x40: {  	[tilespmem:v4+s21+$0x0] =	vst.idx.msk $0xffff, v45  }
0x41: {  	[tilespmem:v5+s21+$0x0] =	vst.idx.msk $0xffff, v46  }
0x42: {  	[tilespmem:v6+s21+$0x0] =	vst.idx.msk $0xffff, v47  }
0x43: {  	[tilespmem:v7+s21+$0x0] =	vst.idx.msk $0xffff, v32  }
0x44: {  	[tilespmem:v8+s21+$0x0] =	vst.idx.msk $0xffff, v44  }
0x45: {  	[tilespmem:v9+s21+$0x0] =	vst.idx.msk $0xffff, v38  }
0x46: {  	[tilespmem:v10+s21+$0x0] =	vst.idx.msk $0xffff, v39  }
0x47: {  	[tilespmem:v11+s21+$0x0] =	vst.idx.msk $0xffff, v37  }
0x48: {  	[tilespmem:v12+s21+$0x0] =	vst.idx.msk $0xffff, v36  }
0x49: {  	[tilespmem:v13+s21+$0x0] =	vst.idx.msk $0xffff, v35  }
0x4a: {  	[tilespmem:v14+s21+$0x0] =	vst.idx.msk $0xffff, v34  }
0x4b: {  	[tilespmem:v15+s21+$0x0] =	vst.idx.msk $0xffff, v33  }
0x4c: {  	v34 =	vld [tilespmem:s23+$0x3300]  }
0x4d: {  	v37 =	vld [tilespmem:s23+$0x3180]  }
0x4e: {  	v32 =	vld [tilespmem:s23+$0x4B80]  }
0x4f: {  	v35 =	vld [tilespmem:s23+$0x4880]  }
0x50: {  	v39 =	vld [tilespmem:s23+$0x3280]  }
0x51: {  	v33 =	vld [tilespmem:s23+$0x4B00]  }
0x52: {  	v40 =	vld [tilespmem:s23+$0x3380]  }
0x53: {  	v41 =	vld [tilespmem:s23+$0x3100]  }
0x54: {  	v38 =	vld [tilespmem:s23+$0x4900]  }
0x55: {  	s24 =	simm.s32 $0x10;
	s22 =	simm.s32 $0xC000;
	v36 =	vld [tilespmem:s23+$0x4A00]  }
.LBB2_4:
0x56: {  	p1 =	sne.s32 s24, $0x2F0;
	v42 =	vld [tilespmem:s23+$0x3080];
	s21 =	sadd.s32 $0x200, s21;
	s20 =	sadd.s32 $0x80, s20  }
0x57: {  	s25 =	smov.u32 s24;
	s24 =	sadd.s32 $0x10, s24;
	v43 =	vld [tilespmem:s23+$0x3000]  }
0x58: {  	v44 =	vld [tilespmem:s23+$0x4800]  }
0x59: {  	v45 =	vld [tilespmem:s23+$0x3200]  }
0x5a: {  	v46 =	vld [tilespmem:s23+$0x4980]  }
0x5b: {  	v47 =	vld [tilespmem:s23+$0x4A80]  }
0x5c: {  	[tilespmem:v16+s22+$0x0] =	vst.idx.msk $0xffff, v43  }
0x5d: {  	[tilespmem:v17+s22+$0x0] =	vst.idx.msk $0xffff, v42  }
0x5e: {  	[tilespmem:v18+s22+$0x0] =	vst.idx.msk $0xffff, v41  }
0x5f: {  	[tilespmem:v19+s22+$0x0] =	vst.idx.msk $0xffff, v37  }
0x60: {  	[tilespmem:v20+s22+$0x0] =	vst.idx.msk $0xffff, v45  }
0x61: {  	[tilespmem:v21+s22+$0x0] =	vst.idx.msk $0xffff, v39  }
0x62: {  	[tilespmem:v22+s22+$0x0] =	vst.idx.msk $0xffff, v34  }
0x63: {  	[tilespmem:v23+s22+$0x0] =	vst.idx.msk $0xffff, v40  }
0x64: {  	[tilespmem:v24+s22+$0x0] =	vst.idx.msk $0xffff, v44  }
0x65: {  	[tilespmem:v25+s22+$0x0] =	vst.idx.msk $0xffff, v35  }
0x66: {  	[tilespmem:v26+s22+$0x0] =	vst.idx.msk $0xffff, v38  }
0x67: {  	[tilespmem:v27+s22+$0x0] =	vst.idx.msk $0xffff, v46  }
0x68: {  	[tilespmem:v28+s22+$0x0] =	vst.idx.msk $0xffff, v36  }
0x69: {  	[tilespmem:v29+s22+$0x0] =	vst.idx.msk $0xffff, v47  }
0x6a: {  	s23 =	sor.u32 s20, s25;
	[tilespmem:v30+s22+$0x0] =	vst.idx.msk $0xffff, v33  }
0x6b: {  	s26 =	sand.u32 $0x1C00, s20;
	s25 =	sand.u32 $0x70, s25;
	s28 =	sor.u32 $0x380, s23;
	[tilespmem:v31+s22+$0x0] =	vst.idx.msk $0xffff, v32  }
0x6c: {  	s23 =	sor.u32 s25, s26;
	s22 =	smov.u32 s21;
	v32 =	vld [tilespmem:s28+$0x0]  }
0x6d: {  	v33 =	vld [tilespmem:s23+$0x1B80]  }
0x6e: {  	v34 =	vld [tilespmem:s23+$0x1B00]  }
0x6f: {  	v35 =	vld [tilespmem:s23+$0x1A80]  }
0x70: {  	v36 =	vld [tilespmem:s23+$0x1A00]  }
0x71: {  	v37 =	vld [tilespmem:s23+$0x1980]  }
0x72: {  	v38 =	vld [tilespmem:s23+$0x1880]  }
0x73: {  	v39 =	vld [tilespmem:s23+$0x1900]  }
0x74: {  	v40 =	vld [tilespmem:s23+$0x180]  }
0x75: {  	v41 =	vld [tilespmem:s23+$0x100]  }
0x76: {  	v42 =	vld [tilespmem:s23+$0x80]  }
0x77: {  	v43 =	vld [tilespmem:s23+$0x0]  }
0x78: {  	v44 =	vld [tilespmem:s23+$0x1800]  }
0x79: {  	v45 =	vld [tilespmem:s23+$0x200]  }
0x7a: {  	v46 =	vld [tilespmem:s23+$0x280]  }
0x7b: {  	v47 =	vld [tilespmem:s23+$0x300]  }
0x7c: {  	[tilespmem:v0+s21+$0x0] =	vst.idx.msk $0xffff, v43  }
0x7d: {  	[tilespmem:v1+s21+$0x0] =	vst.idx.msk $0xffff, v42  }
0x7e: {  	[tilespmem:v2+s21+$0x0] =	vst.idx.msk $0xffff, v41  }
0x7f: {  	[tilespmem:v3+s21+$0x0] =	vst.idx.msk $0xffff, v40  }
0x80: {  	[tilespmem:v4+s21+$0x0] =	vst.idx.msk $0xffff, v45  }
0x81: {  	[tilespmem:v5+s21+$0x0] =	vst.idx.msk $0xffff, v46  }
0x82: {  	[tilespmem:v6+s21+$0x0] =	vst.idx.msk $0xffff, v47  }
0x83: {  	[tilespmem:v7+s21+$0x0] =	vst.idx.msk $0xffff, v32  }
0x84: {  	[tilespmem:v8+s21+$0x0] =	vst.idx.msk $0xffff, v44  }
0x85: {  	[tilespmem:v9+s21+$0x0] =	vst.idx.msk $0xffff, v38  }
0x86: {  	[tilespmem:v10+s21+$0x0] =	vst.idx.msk $0xffff, v39  }
0x87: {  	[tilespmem:v11+s21+$0x0] =	vst.idx.msk $0xffff, v37  }
0x88: {  	[tilespmem:v12+s21+$0x0] =	vst.idx.msk $0xffff, v36  }
0x89: {  	[tilespmem:v13+s21+$0x0] =	vst.idx.msk $0xffff, v35  }
0x8a: {  	[tilespmem:v14+s21+$0x0] =	vst.idx.msk $0xffff, v34  }
0x8b: {  	[tilespmem:v15+s21+$0x0] =	vst.idx.msk $0xffff, v33  }
0x8c: {  	v34 =	vld [tilespmem:s23+$0x3300]  }
0x8d: {  	v37 =	vld [tilespmem:s23+$0x3180]  }
0x8e: {  	v32 =	vld [tilespmem:s23+$0x4B80]  }
0x8f: {  	v35 =	vld [tilespmem:s23+$0x4880]  }
0x90: {  	v39 =	vld [tilespmem:s23+$0x3280]  }
.Ltmp5:
0x91: {  	v33 =	vld [tilespmem:s23+$0x4B00];
	(pc) =	sbr.rel @p1 .LBB2_4-.Ltmp5, $4  }
0x92: {  	v40 =	vld [tilespmem:s23+$0x3380]  }
0x93: {  	v41 =	vld [tilespmem:s23+$0x3100]  }
0x94: {  	v38 =	vld [tilespmem:s23+$0x4900]  }
0x95: {  	v36 =	vld [tilespmem:s23+$0x4A00]  }
0x96: {  	v43 =	vld [tilespmem:s23+$0x3000]  }
0x97: {  	v42 =	vld [tilespmem:s23+$0x3080]  }
0x98: {  	v44 =	vld [tilespmem:s23+$0x4800]  }
0x99: {  	v45 =	vld [tilespmem:s23+$0x3200]  }
0x9a: {  	v46 =	vld [tilespmem:s23+$0x4980]  }
0x9b: {  	v47 =	vld [tilespmem:s23+$0x4A80];
	[tilespmem:v16+s22+$0x0] =	vst.idx.msk $0xffff, v43  }
0x9c: {  	[tilespmem:v17+s22+$0x0] =	vst.idx.msk $0xffff, v42  }
0x9d: {  	[tilespmem:v18+s22+$0x0] =	vst.idx.msk $0xffff, v41  }
0x9e: {  	[tilespmem:v19+s22+$0x0] =	vst.idx.msk $0xffff, v37  }
0x9f: {  	[tilespmem:v20+s22+$0x0] =	vst.idx.msk $0xffff, v45  }
0xa0: {  	[tilespmem:v21+s22+$0x0] =	vst.idx.msk $0xffff, v39  }
0xa1: {  	[tilespmem:v22+s22+$0x0] =	vst.idx.msk $0xffff, v34  }
0xa2: {  	[tilespmem:v23+s22+$0x0] =	vst.idx.msk $0xffff, v40  }
0xa3: {  	[tilespmem:v24+s22+$0x0] =	vst.idx.msk $0xffff, v44  }
0xa4: {  	[tilespmem:v25+s22+$0x0] =	vst.idx.msk $0xffff, v35  }
0xa5: {  	[tilespmem:v26+s22+$0x0] =	vst.idx.msk $0xffff, v38  }
0xa6: {  	[tilespmem:v27+s22+$0x0] =	vst.idx.msk $0xffff, v46  }
0xa7: {  	[tilespmem:v28+s22+$0x0] =	vst.idx.msk $0xffff, v36  }
0xa8: {  	s20 =	smul.u32 $0xC00, s19;
	[tilespmem:v29+s22+$0x0] =	vst.idx.msk $0xffff, v47  }
0xa9: {  	[tilespmem:v30+s22+$0x0] =	vst.idx.msk $0xffff, v33  }
0xaa: {  	s20 =	sadd.s32 s5, s20;
	[tilespmem:v31+s22+$0x0] =	vst.idx.msk $0xffff, v32  }
0xab: {  	[hbm4b:s20+s3] =	stream.linear.scatter [tilespmem:s14], [sflag:$0x3], $0x6000, $0x38;
	[tilespmem:$0x18100] =	vst v63  }
.LBB2_6:
0xac: {  	s20 =	sadd.s32 s8, s18  }
0xad: {  	p1 =	sgt.u32 s20, $0x515  }
0xae: {  	s20 =	smul.u32 @!p1 $0x300, s20  }
0xaf: {  	s19 =	sor.u32 $0x20, s19;
	s21 =	simm.s32 @!p1 $0x1800  }
0xb0: {  	s22 =	simm.s32 @!p1 $0x7A1400;
	s23 =	simm.s32 @!p1 $0x0;
	s20 =	sadd.s32 @!p1 s1, s20  }
0xb1: {  	[tilespmem:s23], [sflag:$0x1] =	stream.strided.gather @!p1 [hbm4b:s20+s21], $0x6000, s22, s21, $0x38;
	[tilespmem:$0x18100] =	vst v63  }
0xb2: {  	p1 =	sgt.u32 s19, $0x515  }
0xb3: {  	s20 =	simm.s32 @!p1 $0x2  }
0xb4: {  	_ =	swait.ge @!p1 [sflag:s20], $0x6000  }
.Ltmp6:
0xb5: {  	[sflag:s20] =	ssyncset.done @!p1 $0x0;
	(pc) =	sbr.rel @p1 .LBB2_10-.Ltmp6, $4  }
0xb6: {  	[sflag:s20] =	ssyncadd.s32 @!p1 $0xFFFFA000;
	s20 =	simm.s32 @!p0 $0x4  }
0xb7: {  	_ =	swait.ge @!p0 [sflag:s20], $0x6000  }
0xb8: {  	[sflag:s20] =	ssyncset.done @!p0 $0x0  }
0xb9: {  	[sflag:s20] =	ssyncadd.s32 @!p0 $0xFFFFA000  }
0xba: {  	s20 =	simm.s32 $0x0  }
0xbb: {  	s21 =	sor.u32 s20, s20  }
0xbc: {  	s22 =	sand.u32 $0x70, s20;
	s23 =	sand.u32 $0x1C00, s20;
	s21 =	sor.u32 $0x380, s21  }
0xbd: {  	s23 =	sor.u32 s22, s23;
	v32 =	vld [tilespmem:s21+$0x6000]  }
0xbe: {  	v33 =	vld [tilespmem:s23+$0x7B80]  }
0xbf: {  	v34 =	vld [tilespmem:s23+$0x7B00]  }
0xc0: {  	v35 =	vld [tilespmem:s23+$0x7A80]  }
0xc1: {  	v36 =	vld [tilespmem:s23+$0x7A00]  }
0xc2: {  	v37 =	vld [tilespmem:s23+$0x7980]  }
0xc3: {  	v38 =	vld [tilespmem:s23+$0x7880]  }
0xc4: {  	v39 =	vld [tilespmem:s23+$0x7900]  }
0xc5: {  	v40 =	vld [tilespmem:s23+$0x6180]  }
0xc6: {  	v41 =	vld [tilespmem:s23+$0x6100]  }
0xc7: {  	v43 =	vld [tilespmem:s23+$0x6000]  }
0xc8: {  	v42 =	vld [tilespmem:s23+$0x6080]  }
0xc9: {  	v44 =	vld [tilespmem:s23+$0x7800]  }
0xca: {  	v45 =	vld [tilespmem:s23+$0x6200]  }
0xcb: {  	v46 =	vld [tilespmem:s23+$0x6280];
	s21 =	simm.s32 $0x12080  }
0xcc: {  	v47 =	vld [tilespmem:s23+$0x6300];
	[tilespmem:v0+s21+$0x0] =	vst.idx.msk $0xffff, v43  }
0xcd: {  	[tilespmem:v1+s21+$0x0] =	vst.idx.msk $0xffff, v42  }
0xce: {  	[tilespmem:v2+s21+$0x0] =	vst.idx.msk $0xffff, v41  }
0xcf: {  	[tilespmem:v3+s21+$0x0] =	vst.idx.msk $0xffff, v40  }
0xd0: {  	[tilespmem:v4+s21+$0x0] =	vst.idx.msk $0xffff, v45  }
0xd1: {  	[tilespmem:v5+s21+$0x0] =	vst.idx.msk $0xffff, v46  }
0xd2: {  	[tilespmem:v6+s21+$0x0] =	vst.idx.msk $0xffff, v47  }
0xd3: {  	[tilespmem:v7+s21+$0x0] =	vst.idx.msk $0xffff, v32  }
0xd4: {  	[tilespmem:v8+s21+$0x0] =	vst.idx.msk $0xffff, v44  }
0xd5: {  	[tilespmem:v9+s21+$0x0] =	vst.idx.msk $0xffff, v38  }
0xd6: {  	[tilespmem:v10+s21+$0x0] =	vst.idx.msk $0xffff, v39  }
0xd7: {  	[tilespmem:v11+s21+$0x0] =	vst.idx.msk $0xffff, v37  }
0xd8: {  	[tilespmem:v12+s21+$0x0] =	vst.idx.msk $0xffff, v36  }
0xd9: {  	[tilespmem:v13+s21+$0x0] =	vst.idx.msk $0xffff, v35  }
0xda: {  	[tilespmem:v14+s21+$0x0] =	vst.idx.msk $0xffff, v34  }
0xdb: {  	[tilespmem:v15+s21+$0x0] =	vst.idx.msk $0xffff, v33  }
0xdc: {  	v34 =	vld [tilespmem:s23+$0x9300]  }
0xdd: {  	v37 =	vld [tilespmem:s23+$0x9180]  }
0xde: {  	v32 =	vld [tilespmem:s23+$0xAB80]  }
0xdf: {  	v35 =	vld [tilespmem:s23+$0xA880]  }
0xe0: {  	v39 =	vld [tilespmem:s23+$0x9280]  }
0xe1: {  	v33 =	vld [tilespmem:s23+$0xAB00]  }
0xe2: {  	v40 =	vld [tilespmem:s23+$0x9380]  }
0xe3: {  	v41 =	vld [tilespmem:s23+$0x9100]  }
0xe4: {  	v38 =	vld [tilespmem:s23+$0xA900]  }
0xe5: {  	s24 =	simm.s32 $0x10;
	s22 =	simm.s32 $0x12080;
	v36 =	vld [tilespmem:s23+$0xAA00]  }
.LBB2_8:
0xe6: {  	p0 =	sne.s32 s24, $0x2F0;
	v42 =	vld [tilespmem:s23+$0x9080];
	s21 =	sadd.s32 $0x200, s21;
	s20 =	sadd.s32 $0x80, s20  }
0xe7: {  	s25 =	smov.u32 s24;
	s24 =	sadd.s32 $0x10, s24;
	v43 =	vld [tilespmem:s23+$0x9000]  }
0xe8: {  	v44 =	vld [tilespmem:s23+$0xA800]  }
0xe9: {  	v45 =	vld [tilespmem:s23+$0x9200]  }
0xea: {  	v46 =	vld [tilespmem:s23+$0xA980]  }
0xeb: {  	v47 =	vld [tilespmem:s23+$0xAA80]  }
0xec: {  	[tilespmem:v16+s22+$0x0] =	vst.idx.msk $0xffff, v43  }
0xed: {  	[tilespmem:v17+s22+$0x0] =	vst.idx.msk $0xffff, v42  }
0xee: {  	[tilespmem:v18+s22+$0x0] =	vst.idx.msk $0xffff, v41  }
0xef: {  	[tilespmem:v19+s22+$0x0] =	vst.idx.msk $0xffff, v37  }
0xf0: {  	[tilespmem:v20+s22+$0x0] =	vst.idx.msk $0xffff, v45  }
0xf1: {  	[tilespmem:v21+s22+$0x0] =	vst.idx.msk $0xffff, v39  }
0xf2: {  	[tilespmem:v22+s22+$0x0] =	vst.idx.msk $0xffff, v34  }
0xf3: {  	[tilespmem:v23+s22+$0x0] =	vst.idx.msk $0xffff, v40  }
0xf4: {  	[tilespmem:v24+s22+$0x0] =	vst.idx.msk $0xffff, v44  }
0xf5: {  	[tilespmem:v25+s22+$0x0] =	vst.idx.msk $0xffff, v35  }
0xf6: {  	[tilespmem:v26+s22+$0x0] =	vst.idx.msk $0xffff, v38  }
0xf7: {  	[tilespmem:v27+s22+$0x0] =	vst.idx.msk $0xffff, v46  }
0xf8: {  	[tilespmem:v28+s22+$0x0] =	vst.idx.msk $0xffff, v36  }
0xf9: {  	[tilespmem:v29+s22+$0x0] =	vst.idx.msk $0xffff, v47  }
0xfa: {  	s23 =	sor.u32 s20, s25;
	[tilespmem:v30+s22+$0x0] =	vst.idx.msk $0xffff, v33  }
0xfb: {  	s26 =	sand.u32 $0x1C00, s20;
	s25 =	sand.u32 $0x70, s25;
	s28 =	sor.u32 $0x380, s23;
	[tilespmem:v31+s22+$0x0] =	vst.idx.msk $0xffff, v32  }
0xfc: {  	s23 =	sor.u32 s25, s26;
	s22 =	smov.u32 s21;
	v32 =	vld [tilespmem:s28+$0x6000]  }
0xfd: {  	v33 =	vld [tilespmem:s23+$0x7B80]  }
0xfe: {  	v34 =	vld [tilespmem:s23+$0x7B00]  }
0xff: {  	v35 =	vld [tilespmem:s23+$0x7A80]  }
0x100: {  	v36 =	vld [tilespmem:s23+$0x7A00]  }
0x101: {  	v37 =	vld [tilespmem:s23+$0x7980]  }
0x102: {  	v38 =	vld [tilespmem:s23+$0x7880]  }
0x103: {  	v39 =	vld [tilespmem:s23+$0x7900]  }
0x104: {  	v40 =	vld [tilespmem:s23+$0x6180]  }
0x105: {  	v41 =	vld [tilespmem:s23+$0x6100]  }
0x106: {  	v42 =	vld [tilespmem:s23+$0x6080]  }
0x107: {  	v43 =	vld [tilespmem:s23+$0x6000]  }
0x108: {  	v44 =	vld [tilespmem:s23+$0x7800]  }
0x109: {  	v45 =	vld [tilespmem:s23+$0x6200]  }
0x10a: {  	v46 =	vld [tilespmem:s23+$0x6280]  }
0x10b: {  	v47 =	vld [tilespmem:s23+$0x6300]  }
0x10c: {  	[tilespmem:v0+s21+$0x0] =	vst.idx.msk $0xffff, v43  }
0x10d: {  	[tilespmem:v1+s21+$0x0] =	vst.idx.msk $0xffff, v42  }
0x10e: {  	[tilespmem:v2+s21+$0x0] =	vst.idx.msk $0xffff, v41  }
0x10f: {  	[tilespmem:v3+s21+$0x0] =	vst.idx.msk $0xffff, v40  }
0x110: {  	[tilespmem:v4+s21+$0x0] =	vst.idx.msk $0xffff, v45  }
0x111: {  	[tilespmem:v5+s21+$0x0] =	vst.idx.msk $0xffff, v46  }
0x112: {  	[tilespmem:v6+s21+$0x0] =	vst.idx.msk $0xffff, v47  }
0x113: {  	[tilespmem:v7+s21+$0x0] =	vst.idx.msk $0xffff, v32  }
0x114: {  	[tilespmem:v8+s21+$0x0] =	vst.idx.msk $0xffff, v44  }
0x115: {  	[tilespmem:v9+s21+$0x0] =	vst.idx.msk $0xffff, v38  }
0x116: {  	[tilespmem:v10+s21+$0x0] =	vst.idx.msk $0xffff, v39  }
0x117: {  	[tilespmem:v11+s21+$0x0] =	vst.idx.msk $0xffff, v37  }
0x118: {  	[tilespmem:v12+s21+$0x0] =	vst.idx.msk $0xffff, v36  }
0x119: {  	[tilespmem:v13+s21+$0x0] =	vst.idx.msk $0xffff, v35  }
0x11a: {  	[tilespmem:v14+s21+$0x0] =	vst.idx.msk $0xffff, v34  }
0x11b: {  	[tilespmem:v15+s21+$0x0] =	vst.idx.msk $0xffff, v33  }
0x11c: {  	v34 =	vld [tilespmem:s23+$0x9300]  }
0x11d: {  	v37 =	vld [tilespmem:s23+$0x9180]  }
0x11e: {  	v32 =	vld [tilespmem:s23+$0xAB80]  }
0x11f: {  	v35 =	vld [tilespmem:s23+$0xA880]  }
0x120: {  	v39 =	vld [tilespmem:s23+$0x9280]  }
.Ltmp7:
0x121: {  	v33 =	vld [tilespmem:s23+$0xAB00];
	(pc) =	sbr.rel @p0 .LBB2_8-.Ltmp7, $4  }
0x122: {  	v40 =	vld [tilespmem:s23+$0x9380]  }
0x123: {  	v41 =	vld [tilespmem:s23+$0x9100]  }
0x124: {  	v38 =	vld [tilespmem:s23+$0xA900]  }
0x125: {  	v36 =	vld [tilespmem:s23+$0xAA00]  }
0x126: {  	v43 =	vld [tilespmem:s23+$0x9000]  }
0x127: {  	v42 =	vld [tilespmem:s23+$0x9080]  }
0x128: {  	v44 =	vld [tilespmem:s23+$0xA800]  }
0x129: {  	v45 =	vld [tilespmem:s23+$0x9200]  }
0x12a: {  	v46 =	vld [tilespmem:s23+$0xA980]  }
0x12b: {  	v47 =	vld [tilespmem:s23+$0xAA80];
	[tilespmem:v16+s22+$0x0] =	vst.idx.msk $0xffff, v43  }
0x12c: {  	[tilespmem:v17+s22+$0x0] =	vst.idx.msk $0xffff, v42  }
0x12d: {  	[tilespmem:v18+s22+$0x0] =	vst.idx.msk $0xffff, v41  }
0x12e: {  	[tilespmem:v19+s22+$0x0] =	vst.idx.msk $0xffff, v37  }
0x12f: {  	[tilespmem:v20+s22+$0x0] =	vst.idx.msk $0xffff, v45  }
0x130: {  	[tilespmem:v21+s22+$0x0] =	vst.idx.msk $0xffff, v39  }
0x131: {  	[tilespmem:v22+s22+$0x0] =	vst.idx.msk $0xffff, v34  }
0x132: {  	[tilespmem:v23+s22+$0x0] =	vst.idx.msk $0xffff, v40  }
0x133: {  	[tilespmem:v24+s22+$0x0] =	vst.idx.msk $0xffff, v44  }
0x134: {  	[tilespmem:v25+s22+$0x0] =	vst.idx.msk $0xffff, v35  }
0x135: {  	[tilespmem:v26+s22+$0x0] =	vst.idx.msk $0xffff, v38  }
0x136: {  	[tilespmem:v27+s22+$0x0] =	vst.idx.msk $0xffff, v46  }
.Ltmp8:
0x137: {  	[tilespmem:v28+s22+$0x0] =	vst.idx.msk $0xffff, v36;
	(pc) =	sbr.rel .LBB2_10-.Ltmp8, $4  }
0x138: {  	s19 =	smul.u32 $0xC00, s19;
	[tilespmem:v29+s22+$0x0] =	vst.idx.msk $0xffff, v47  }
0x139: {  	[tilespmem:v30+s22+$0x0] =	vst.idx.msk $0xffff, v33  }
0x13a: {  	s19 =	sadd.s32 s5, s19;
	[tilespmem:v31+s22+$0x0] =	vst.idx.msk $0xffff, v32  }
0x13b: {  	[hbm4b:s19+s3] =	stream.linear.scatter [tilespmem:s15], [sflag:$0x4], $0x6000, $0x38;
	[tilespmem:$0x18100] =	vst v63  }
.LBB2_12:
0x13c: {  	_ =	sfence.sel $0x180000  }
0x13d: {  	[bflag:$0x0] =	sbarrier.arrive $0xFFFF  }
0x13e: {  	p0 =	sne.s32 s0, $0x0;
	_ =	strace $0x90000047  }
0x13f: {  	s0 =	sadd.s32 @!p0 $0x100000, s2;
	[bflag:$0x2] =	sbarrier.arrive $0xFFFF  }
0x140: {  	[sflag:s0] =	ssyncadd.tile.s32 @!p0 $0x1;
	_ =	shalt  }
.Lfunc_end2:
_tile_overlayer_lowered:
.L_overlay_start_2:
0x141: {  	(tag) =	ssettag $0x2  }
0x142: {  	s0 =	rddreg [dreg:$0x0];
	s2 =	stileid.u32  }
0x143: {  	s1 =	rddreg [dreg:$0x1];
	p0 =	sne.s32 s2, $0x0  }
0x144: {  	s3 =	rddreg [dreg:$0x2];
	[bflag:$0x3] =	sbarrier.arrive $0xFFFF;
	s2 =	simm.s32 @!p0 $0x1C05  }
0x145: {  	[timem:s3], [sflag:s2] =	dma.local @!p0 [hbm:s0], s1  }
0x146: {  	s0 =	simm.s32 @!p0 $0x5  }
0x147: {  	_ =	swait.ge @!p0 [sflag:s0], s1  }
0x148: {  	s1 =	ssub.s32 @!p0 $0x0, s1;
	[sflag:s0] =	ssyncset.done @!p0 $0x0  }
0x149: {  	[sflag:s0] =	ssyncadd.s32 @!p0 s1  }
0x14a: {  	[bflag:$0x3] =	sbarrier.arrive $0xFFFF  }
0x14b: {  	_ =	shalt  }

// kernel: kernel.7.cloned.1.call-start
scs
__scs_entry_jumppad:
0x0: {  	(pc) =	sbr.rel $0x88, $3  }
0x1: {  	(tag) =	ssettag $0x0;
	lr =	simm.s32 $0x1  }
0x2: {  	[smem:$0x3F9F] =	sst lr;
	_ =	strace $0xD0000000  }
0x3: {  	_ = 	snop  }
0x4: {  	_ = 	snop  }
0x5: {  	_ = 	snop  }
0x6: {  	_ = 	snop  }
0x7: {  	_ = 	snop  }
__scs_overlays_trampoline_lowered:
0x8: {  	[smem:$0x3FAE] =	sst s0  }
0x9: {  	[smem:$0x3FAF] =	sst s1  }
0xa: {  	[smem:$0x3FB0] =	sst s2  }
0xb: {  	[smem:$0x3FB1] =	sst s3  }
0xc: {  	[smem:$0x3FB2] =	sst s4  }
0xd: {  	[smem:$0x3FB3] =	sst s5  }
0xe: {  	[smem:$0x3FB4] =	sst s6  }
0xf: {  	[smem:$0x3FB5] =	sst s7  }
0x10: {  	[smem:$0x3FB6] =	sst s8  }
0x11: {  	[smem:$0x3FB7] =	sst s9;
	s0 =	simm.s32 @!p0 $0x0  }
0x12: {  	s1 =	sld [smem:$0x3F9D];
	s0 =	simm.s32 @p0 $0x1  }
0x13: {  	[smem:$0x3FB8] =	sst s0;
	s0 =	simm.s32 @!p1 $0x0  }
0x14: {  	s2 =	sld [smem:$0x3F9C];
	s0 =	simm.s32 @p1 $0x1  }
0x15: {  	[smem:$0x3FB9] =	sst s0;
	s0 =	simm.s32 @!p2 $0x0  }
0x16: {  	s3 =	sld [smem:$0x3FDB];
	s0 =	simm.s32 @p2 $0x1  }
0x17: {  	s4 =	simm.s32 $0x1BF5;
	[smem:$0x3FBB] =	sst s0  }
0x18: {  	s0 =	sld [smem:$0x3F9E];
	_ =	swait.ge [sflag:s4], $0x0  }
0x19: {  	s7 =	sld [smem:$0x3F9F]  }
0x1a: {  	s8 =	sadd.s32 $0xFFFFE003, lr  }
0x1b: {  	s9 =	sadd.s32 $0xFFFFFEF7, lr;
	s5 =	simm.s32 $0xFFFFFFFF;
	p2 =	slt.u32 s8, $0xFFFFF086  }
0x1c: {  	p1 =	slt.u32 s9, $0xF7A;
	s5 =	simm.s32 @!p2 $0x0  }
0x1d: {  	s5 =	simm.s32 @p1 $0x1;
	p0 =	seq.s32 s7, s2  }
0x1e: {  	s7 =	smul.u32 @!p0 $0xF7A, s2;
	p2 =	seq.s32 @!p0 s5, $0x0  }
0x1f: {  	s9 =	smul.u32 $0xF7A, s1;
	s8 =	simm.s32 @!p0 $0x1BF5;
	p2 =	por !p2, p0  }
0x20: {  	[sflag:s8] =	ssyncset.s32 @!p0 $0xFFFFF086;
	s6 =	sadd.s32 @!p0 s3, s7;
	s7 =	simm.s32 @!p0 $0x108  }
0x21: {  	s3 =	sadd.s32 s3, s9;
	s6 =	sadd.s32 @!p0 $0x88, s6;
	s7 =	simm.s32 @p2 $0x1082  }
0x22: {  	[simem:s7], [sflag:s8] =	dma.local @!p0 [hbm:s6], $0xF7A  }
0x23: {  	s9 =	sor.u32 $0xD0000000, s2;
	s6 =	simm.s32 $0x108;
	_ =	swait.ge @!p0 [sflag:s8], $0x0  }
0x24: {  	s3 =	sadd.s32 $0x88, s3;
	s6 =	simm.s32 @!p1 $0x1082;
	[sflag:s4] =	ssyncset.s32 $0xFFFFF086  }
0x25: {  	[simem:s6], [sflag:s4] =	dma.local [hbm:s3], $0xF7A  }
0x26: {  	[smem:$0x3F9F] =	sst s1;
	(tag) =	ssettag s2;
	_ =	strace s9  }
0x27: {  	s1 =	sld [smem:$0x3FAF]  }
0x28: {  	s2 =	sld [smem:$0x3FB0]  }
0x29: {  	s4 =	sld [smem:$0x3FB2]  }
0x2a: {  	p0 =	seq.s32 s5, $0x0;
	s5 =	sld [smem:$0x3FB3]  }
0x2b: {  	s6 =	sld [smem:$0x3FB4]  }
0x2c: {  	s7 =	sld [smem:$0x3FB5]  }
0x2d: {  	s3 =	simm.s32 $0x108;
	s8 =	sld [smem:$0x3FB6]  }
0x2e: {  	s3 =	simm.s32 @!p0 $0x1082;
	s9 =	sld [smem:$0x3FB7]  }
0x2f: {  	lr =	sadd.s32 s0, s3;
	s0 =	sld [smem:$0x3FAE]  }
0x30: {  	s3 =	sld [smem:$0x3FB1]  }
0x31: {  	[smem:$0x3FBA] =	sst s10  }
0x32: {  	s10 =	sld [smem:$0x3FB8];
	_ =	sdelay $0x3  }
0x33: {  	p0 =	seq.s32 s10, $0x1;
	s10 =	sld [smem:$0x3FBA];
	_ =	sdelay $0x3  }
0x34: {  	[smem:$0x3FBA] =	sst s10  }
0x35: {  	s10 =	sld [smem:$0x3FB9];
	_ =	sdelay $0x3  }
0x36: {  	p1 =	seq.s32 s10, $0x1;
	s10 =	sld [smem:$0x3FBA];
	_ =	sdelay $0x3  }
0x37: {  	[smem:$0x3FBA] =	sst s10  }
0x38: {  	s10 =	sld [smem:$0x3FBB]  }
0x39: {  	_ = 	snop;
	(pc) =	sbr.ind lr, $3  }
0x3a: {  	_ = 	snop  }
0x3b: {  	_ = 	snop  }
0x3c: {  	p2 =	seq.s32 s10, $0x1;
	s10 =	sld [smem:$0x3FBA]  }
0x3d: {  	_ =	shalt  }
0x3e: {  	_ =	shalt  }
0x3f: {  	_ =	shalt  }
0x40: {  	_ =	shalt  }
0x41: {  	_ =	shalt  }
0x42: {  	_ =	shalt  }
0x43: {  	_ =	shalt  }
0x44: {  	_ =	shalt  }
0x45: {  	_ =	shalt  }
0x46: {  	_ =	shalt  }
0x47: {  	_ =	shalt  }
0x48: {  	_ =	shalt  }
0x49: {  	_ =	shalt  }
0x4a: {  	_ =	shalt  }
0x4b: {  	_ =	shalt  }
0x4c: {  	_ =	shalt  }
0x4d: {  	_ =	shalt  }
0x4e: {  	_ =	shalt  }
0x4f: {  	_ =	shalt  }
0x50: {  	_ =	shalt  }
0x51: {  	_ =	shalt  }
0x52: {  	_ =	shalt  }
0x53: {  	_ =	shalt  }
0x54: {  	_ =	shalt  }
0x55: {  	_ =	shalt  }
0x56: {  	_ =	shalt  }
0x57: {  	_ =	shalt  }
0x58: {  	_ =	shalt  }
0x59: {  	_ =	shalt  }
0x5a: {  	_ =	shalt  }
0x5b: {  	_ =	shalt  }
0x5c: {  	_ =	shalt  }
0x5d: {  	_ =	shalt  }
0x5e: {  	_ =	shalt  }
0x5f: {  	_ =	shalt  }
0x60: {  	_ =	shalt  }
0x61: {  	_ =	shalt  }
0x62: {  	_ =	shalt  }
0x63: {  	_ =	shalt  }
0x64: {  	_ =	shalt  }
0x65: {  	_ =	shalt  }
0x66: {  	_ =	shalt  }
0x67: {  	_ =	shalt  }
0x68: {  	_ =	shalt  }
0x69: {  	_ =	shalt  }
0x6a: {  	_ =	shalt  }
0x6b: {  	_ =	shalt  }
0x6c: {  	_ =	shalt  }
0x6d: {  	_ =	shalt  }
0x6e: {  	_ =	shalt  }
0x6f: {  	_ =	shalt  }
0x70: {  	_ =	shalt  }
0x71: {  	_ =	shalt  }
0x72: {  	_ =	shalt  }
0x73: {  	_ =	shalt  }
0x74: {  	_ =	shalt  }
0x75: {  	_ =	shalt  }
0x76: {  	_ =	shalt  }
0x77: {  	_ =	shalt  }
0x78: {  	_ =	shalt  }
0x79: {  	_ =	shalt  }
0x7a: {  	_ =	shalt  }
0x7b: {  	_ =	shalt  }
0x7c: {  	_ =	shalt  }
0x7d: {  	_ =	shalt  }
0x7e: {  	_ =	shalt  }
0x7f: {  	_ =	shalt  }
0x80: {  	_ =	shalt  }
0x81: {  	_ =	shalt  }
0x82: {  	_ =	shalt  }
0x83: {  	_ =	shalt  }
0x84: {  	_ =	shalt  }
0x85: {  	_ =	shalt  }
0x86: {  	_ =	shalt  }
0x87: {  	_ =	shalt  }
.Lfunc_end0:
.L_simem_size_0:
called_computation.1_lowered:
.L_overlay_start_0:
0x88: {  	s2 =	sld [smem:$0x3FD9]  }
0x89: {  	s3 =	sld [smem:$0x3FFE];
	_ =	sdelay $0x1  }
0x8a: {  	s1 =	srdreg.scid  }
0x8b: {  	s0 =	sand.u32 $0x1, s1  }
0x8c: {  	s17 =	sshll.u32 s0, $0xA;
	s2 =	sadd.s32 s3, s2  }
0x8d: {  	s2 =	sadd.s32 s2, s17  }
0x8e: {  	[smem:$0x3FC6] =	sst s2  }
0x8f: {  	_ = 	snop  }
0x90: {  	s2 =	sld [smem:$0x3FD0];
	(tm) =	ssettm $0x1  }
0x91: {  	s18 =	sld [smem:$0x3FFB];
	_ =	sdelay $0x3  }
0x92: {  	_ =	strace s18  }
0x93: {  	s3 =	sld [smem:$0x3FFC];
	_ =	sdelay $0x3  }
0x94: {  	_ =	strace s3  }
0x95: {  	s3 =	sld [smem:$0x3FFD];
	_ =	sdelay $0x3  }
0x96: {  	_ =	strace s3  }
0x97: {  	_ =	strace $0x8FFFFFFF  }
0x98: {  	s19 =	sld [smem:$0x3FDB];
	_ =	sdelay $0x1  }
0x99: {  	s4 =	simm.s32 $_scs_section_size  }
0x9a: {  	s5 =	simm.s32 $_size__tile_overlayer_lowered;
	s6 =	simm.s32 $_tile_overlayer_lowered  }
0x9b: {  	s22 =	simm.s32 $0x1BFF;
	s21 =	sshll.u32 s6, $0x1;
	s3 =	sadd.s32 s4, s19  }
0x9c: {  	s7 =	simm.s32 $0x0;
	s20 =	sshll.u32 s5, $0x1;
	s5 =	sadd.s32 s21, s3  }
0x9d: {  	[timem:s7], [sflag:s22] =	dma.local [hbm:s5], s20  }
0x9e: {  	_ =	swait.ge [sflag:s22], s20  }
0x9f: {  	s4 =	ssub.s32 $0x0, s20;
	[sflag:s22] =	ssyncset.done $0x0  }
0xa0: {  	[sflag:s22] =	ssyncadd.s32 s4;
	_ =	sdelay $0x1  }
0xa1: {  	s23 =	simm.s32 $0x1B8B  }
0xa2: {  	_ =	swait.ge [sflag:s23], $0x1  }
0xa3: {  	[sflag:s23] =	ssyncset.done $0x0  }
0xa4: {  	s25 =	simm.s32 $0x1B8E;
	s24 =	sld [smem:$0x3FFE];
	[sflag:s23] =	ssyncadd.s32 $0xFFFFFFFF  }
0xa5: {  	s26 =	simm.s32 $execute0_lowered;
	[smem:$0x3FD2] =	sst s25  }
0xa6: {  	s5 =	sshll.u32 s26, $0x1;
	_ =	strace $0x80000049;
	[dreg:$0x1] =	wrdreg $0xFFFFFFFF  }
0xa7: {  	s28 =	simm.s32 $_size_execute0_lowered;
	s3 =	sadd.s32 s3, s5;
	[dreg:$0x0] =	wrdreg $0x0  }
0xa8: {  	s5 =	sshll.u32 s28, $0x1;
	[dreg:$0x2] =	wrdreg s3  }
0xa9: {  	[dreg:$0x3] =	wrdreg s5  }
0xaa: {  	[dreg:$0x4] =	wrdreg $0xC0  }
0xab: {  	_ =	task [dreg:s7], $0x5FFFF  }
0xac: {  	[dreg:$0x1] =	wrdreg $0xFFFFFFFF  }
0xad: {  	[dreg:$0x0] =	wrdreg $0x60  }
0xae: {  	[dreg:$0x2] =	wrdreg s24  }
0xaf: {  	[dreg:$0x3] =	wrdreg s2  }
0xb0: {  	[dreg:$0x4] =	wrdreg $0x9  }
0xb1: {  	_ =	task.clear_ibuf [dreg:s7], $0x5FFFF;
	_ =	strace $0x90000049  }
0xb2: {  	s29 =	simm.s32 $0x9;
	_ =	strace $0x8000004B  }
0xb3: {  	_ =	swait.ge [sflag:s29], $0x1  }
0xb4: {  	[sflag:s29] =	ssyncadd.s32 $0xFFFFFFFF  }
0xb5: {  	_ =	strace $0x9000004B  }
0xb6: {  	_ =	sfence  }
0xb7: {  	s30 =	sld [smem:$0x0];
	_ =	sdelay $0x2  }
0xb8: {  	s31 =	sshll.u32 s1, $0xD;
	s1 =	sshrl.u32 s1, $0x2  }
0xb9: {  	s3 =	sand.u32 $0x4000, s31;
	s1 =	sadd.s32 s1, s30  }
0xba: {  	s0 =	sor.u32 s3, s0;
	s1 =	sshll.u32 s1, $0x11  }
0xbb: {  	s0 =	sor.u32 s1, s0  }
0xbc: {  	s0 =	sadd.s32 $0x8F2B, s0  }
0xbd: {  	[sflag:s0] =	ssyncadd.remote.s32 $0x1  }
0xbe: {  	_ =	sfence.sel $0xFFFF  }
0xbf: {  	[dreg:$0x0] =	wrdreg $0xFFFFFFFF;
	(pc) =	sbr.abs _section_cstart, $3  }
0xc0: {  	[dreg:$0x1] =	wrdreg $0xFFFFFFFF  }
0xc1: {  	_ =	task.clear_ibuf [dreg:s7], $0x2FFFF;
	_ =	strace $0x9FFFFFFF  }
0xc2: {  	(tm) =	ssettm $0x7FFFFFFF  }
0xc3: {  	_ =	shalt  }
tec
execute0_lowered:
.L_overlay_start_1:
0x0: {  	(tag) =	ssettag $0x1  }
0x1: {  	s1 =	srdreg.scid  }
0x2: {  	s0 =	stileid.u32;
	s4 =	rddreg [dreg:$0x0]  }
0x3: {  	s6 =	rddreg [dreg:$0x1];
	s2 =	simm.s32 $0x0;
	s11 =	simm.s32 $0x2  }
0x4: {  	s12 =	simm.s32 $0xFA00;
	s13 =	simm.s32 $0x640;
	s14 =	simm.s32 $0x1900  }
0x5: {  	s15 =	simm.s32 $0x3200;
	s5 =	sand.u32 $0x1, s1;
	s31 =	sshll.u32 s0, $0x1  }
0x6: {  	s16 =	simm.s32 $0x1;
	s17 =	simm.s32 $0x1F40;
	s7 =	sor.u32 s5, s31  }
0x7: {  	s18 =	simm.s32 $0x2580;
	s19 =	simm.s32 $0x2BC0;
	s3 =	smul.u32 $0x320, s7  }
0x8: {  	s20 =	simm.s32 $0x0;
	s1 =	rddreg [dreg:$0x2];
	s9 =	smul.u32 $0x32000, s7  }
0x9: {  	[smem:$0x7FF] =	sst s2;
	s5 =	ssub.s32 $0x2, s5;
	s7 =	smul.u32 $0x6400, s7  }
.Ltmp0:
0xa: {  	_ =	strace $0x8000004A;
	s10 =	sshrl.u32 s5, $0x1;
	(pc) =	sbr.rel .LBB2_1-.Ltmp0, $4  }
0xb: {  	s10 =	ssub.s32 s5, s10;
	s8 =	sadd.s32 s3, s4;
	s3 =	sadd.s32 $0xA00, s4  }
0xc: {  	s4 =	sadd.s32 $0x3D1200, s4;
	s9 =	sshrl.u32 s9, $0x3;
	s10 =	smax.u32 s10, $0x1  }
0xd: {  	v0 =	vlaneseq.u32;
	s5 =	sadd.s32 $0x3D1400, s8;
	s9 =	sadd.s32 s6, s9;
	s6 =	sadd.s32 s6, s7  }
0xe: {  	v0 =	vmul.u32 $0x20, v0;
	s7 =	sadd.s32 $0x1900, s9;
	s8 =	sadd.s32 $0x3200, s9;
	s9 =	sadd.s32 $0x4B00, s9  }
.LBB2_19:
0xf: {  	s20 =	sadd.s32 $0x1, s20  }
0x10: {  	p0 =	sne.s32 s20, s10  }
.Ltmp1:
0x11: {  	_ = 	snop;
	(pc) =	sbr.rel @!p0 .LBB2_20-.Ltmp1, $4  }
0x12: {  	[hbm4b:s9+s2] =	stream.linear.scatter [tilespmem:s15], [sflag:$0x2], $0xC800, $0x38;
	[tilespmem:$0x10200] =	vst v63  }
0x13: {  	_ =	swait.ge [sflag:s11], $0xC800  }
0x14: {  	[sflag:s11] =	ssyncset.done $0x0  }
0x15: {  	[sflag:s11] =	ssyncadd.s32 $0xFFFF3800  }
.LBB2_1:
0x16: {  	[tilespmem:s2], [sflag:$0x2] =	stream.linear.gather [hbm4b:s5+s2], $0x1900, $0x38;
	[tilespmem:$0x10200] =	vst v63  }
0x17: {  	_ =	swait.ge [sflag:s11], $0x1900  }
0x18: {  	[sflag:s11] =	ssyncset.done $0x0  }
0x19: {  	[sflag:s11] =	ssyncadd.s32 $0xFFFFE700  }
0x1a: {  	[tilespmem:s12], [sflag:$0x2] =	stream.linear.gather [hbm4b:s4+s2], $0x800, $0x38;
	[tilespmem:$0x10200] =	vst v63  }
0x1b: {  	_ =	swait.ge [sflag:s11], $0x800  }
0x1c: {  	[sflag:s11] =	ssyncset.done $0x0  }
0x1d: {  	s21 =	simm.s32 $0x0;
	[sflag:s11] =	ssyncadd.s32 $0xFFFFF800  }
0x1e: {  	v1 =	vld [tilespmem:s21+$0x0]  }
0x1f: {  	s22 =	simm.s32 $0x40  }
.LBB2_2:
0x20: {  	p0 =	sne.s32 s22, $0x63C0  }
.Ltmp2:
0x21: {  	_ = 	snop;
	(pc) =	sbr.rel @p0 .LBB2_2-.Ltmp2, $4  }
0x22: {  	_ = 	snop  }
0x23: {  	s23 =	sshra.s32 s22, $0x2;
	s22 =	sadd.s32 $0x40, s22;
	vm0 =	vlt.s32 v1, $0xF41FF  }
0x24: {  	v2 =	vnsel vm0, $0xF41FF, v1;
	v1 =	vld [tilespmem:s23+$0x0]  }
0x25: {  	[tilespmem:s21+$0x1900] =	vst v2;
	s21 =	smov.u32 s23  }
0x26: {  	_ =	sdelay $0x2  }
0x27: {  	vm0 =	vlt.s32 v1, $0xF41FF  }
0x28: {  	v1 =	vnsel vm0, $0xF41FF, v1  }
.Ltmp3:
0x29: {  	[tilespmem:s21+$0x1900] =	vst v1;
	(pc) =	sbr.rel .LBB2_4-.Ltmp3, $4  }
0x2a: {  	[tilespmem:s15], [sflag:$0x1] =	stream.indirect.gather [hbm4b:s3+s13], $0x20, s14, s13, $0xb8;
	[tilespmem:$0x10200] =	vst v63  }
0x2b: {  	_ =	swait.ge [sflag:s16], $0xC800  }
0x2c: {  	[sflag:s16] =	ssyncset.done $0x0  }
0x2d: {  	s22 =	simm.s32 $0x0;
	s21 =	simm.s32 $0x0;
	[sflag:s16] =	ssyncadd.s32 $0xFFFF3800  }
.LBB2_6:
0x2e: {  	s22 =	sadd.s32 $0x10, s22  }
0x2f: {  	p0 =	sne.s32 s22, $0x640  }
.Ltmp4:
0x30: {  	_ = 	snop;
	(pc) =	sbr.rel @!p0 .LBB2_7-.Ltmp4, $2  }
0x31: {  	_ =	sdelay $0x2  }
0x32: {  	s21 =	sadd.s32 $0x10, s21  }
.LBB2_4:
0x33: {  	v1 =	vld [tilespmem:s21+$0x0];
	_ =	sdelay $0x4  }
0x34: {  	vm0 =	vgt.s32 v1, $0xF41FF  }
0x35: {  	v2 =	vmpcnt.ones.xlane vm0;
	_ =	sdelay $0x1  }
0x36: {  	(v2sf) =	vpush v2, $0x0;
	_ =	sdelay $0xe  }
0x37: {  	s23 =	spop (v2sf)  }
0x38: {  	p0 =	slt.s32 s23, $0x1  }
.Ltmp5:
0x39: {  	_ = 	snop;
	(pc) =	sbr.rel @p0 .LBB2_6-.Ltmp5, $1  }
0x3a: {  	_ =	sdelay $0x3  }
0x3b: {  	v1 =	vadd.s32 $0xFFF0BE00, v1  }
0x3c: {  	vm1 =	vgt.s32 v1, $0x0  }
0x3d: {  	v1 =	vnsel vm1, $0x0, v1  }
0x3e: {  	v1 =	vshll.u32 v1, $0x5;
	_ =	sdelay $0x2  }
0x3f: {  	v2 =	vmov s22  }
0x40: {  	v2 =	vshll.u32 v2, $0x5  }
0x41: {  	v2 =	vor.u32 v0, v2;
	v3 =	vld.idx.msk [tilespmem:v1+s12+$0x0], vm0  }
0x42: {  	v4 =	vor.u32 $0x1, v1;
	_ =	sdelay $0x3  }
0x43: {  	[tilespmem:v2+s15+$0x0] =	vst.idx.msk vm0, v3  }
0x44: {  	v62 =	vor.u32 $0x1, v2;
	v3 =	vld.idx.msk [tilespmem:v4+s12+$0x0], vm0  }
0x45: {  	v5 =	vor.u32 $0x2, v1;
	_ =	sdelay $0x3  }
0x46: {  	[tilespmem:v62+s15+$0x0] =	vst.idx.msk vm0, v3  }
0x47: {  	v63 =	vor.u32 $0x2, v2;
	v3 =	vld.idx.msk [tilespmem:v5+s12+$0x0], vm0  }
0x48: {  	v8 =	vor.u32 $0x3, v1;
	_ =	sdelay $0x3  }
0x49: {  	[tilespmem:v63+s15+$0x0] =	vst.idx.msk vm0, v3  }
0x4a: {  	v9 =	vor.u32 $0x3, v2;
	v3 =	vld.idx.msk [tilespmem:v8+s12+$0x0], vm0  }
0x4b: {  	v10 =	vor.u32 $0x4, v1;
	_ =	sdelay $0x3  }
0x4c: {  	[tilespmem:v9+s15+$0x0] =	vst.idx.msk vm0, v3  }
0x4d: {  	v11 =	vor.u32 $0x4, v2;
	v3 =	vld.idx.msk [tilespmem:v10+s12+$0x0], vm0  }
0x4e: {  	v12 =	vor.u32 $0x5, v1;
	_ =	sdelay $0x3  }
0x4f: {  	[tilespmem:v11+s15+$0x0] =	vst.idx.msk vm0, v3  }
0x50: {  	v13 =	vor.u32 $0x5, v2;
	v3 =	vld.idx.msk [tilespmem:v12+s12+$0x0], vm0  }
0x51: {  	v14 =	vor.u32 $0x6, v1;
	_ =	sdelay $0x3  }
0x52: {  	[tilespmem:v13+s15+$0x0] =	vst.idx.msk vm0, v3  }
0x53: {  	v15 =	vor.u32 $0x6, v2;
	v3 =	vld.idx.msk [tilespmem:v14+s12+$0x0], vm0  }
0x54: {  	v16 =	vor.u32 $0x7, v1;
	_ =	sdelay $0x3  }
0x55: {  	[tilespmem:v15+s15+$0x0] =	vst.idx.msk vm0, v3  }
0x56: {  	v17 =	vor.u32 $0x7, v2;
	v3 =	vld.idx.msk [tilespmem:v16+s12+$0x0], vm0  }
0x57: {  	v18 =	vor.u32 $0x8, v1;
	_ =	sdelay $0x3  }
0x58: {  	[tilespmem:v17+s15+$0x0] =	vst.idx.msk vm0, v3  }
0x59: {  	v19 =	vor.u32 $0x8, v2;
	v3 =	vld.idx.msk [tilespmem:v18+s12+$0x0], vm0  }
0x5a: {  	v20 =	vor.u32 $0x9, v1;
	_ =	sdelay $0x3  }
0x5b: {  	[tilespmem:v19+s15+$0x0] =	vst.idx.msk vm0, v3  }
0x5c: {  	v21 =	vor.u32 $0x9, v2;
	v3 =	vld.idx.msk [tilespmem:v20+s12+$0x0], vm0  }
0x5d: {  	v22 =	vor.u32 $0xA, v1;
	_ =	sdelay $0x3  }
0x5e: {  	[tilespmem:v21+s15+$0x0] =	vst.idx.msk vm0, v3  }
0x5f: {  	v23 =	vor.u32 $0xA, v2;
	v3 =	vld.idx.msk [tilespmem:v22+s12+$0x0], vm0  }
0x60: {  	v24 =	vor.u32 $0xB, v1;
	_ =	sdelay $0x3  }
0x61: {  	[tilespmem:v23+s15+$0x0] =	vst.idx.msk vm0, v3  }
0x62: {  	v25 =	vor.u32 $0xB, v2;
	v3 =	vld.idx.msk [tilespmem:v24+s12+$0x0], vm0  }
0x63: {  	v26 =	vor.u32 $0xC, v1;
	_ =	sdelay $0x3  }
0x64: {  	[tilespmem:v25+s15+$0x0] =	vst.idx.msk vm0, v3  }
0x65: {  	v27 =	vor.u32 $0xC, v2;
	v3 =	vld.idx.msk [tilespmem:v26+s12+$0x0], vm0  }
0x66: {  	v28 =	vor.u32 $0xD, v1;
	_ =	sdelay $0x3  }
0x67: {  	[tilespmem:v27+s15+$0x0] =	vst.idx.msk vm0, v3  }
0x68: {  	v29 =	vor.u32 $0xD, v2;
	v3 =	vld.idx.msk [tilespmem:v28+s12+$0x0], vm0  }
0x69: {  	v30 =	vor.u32 $0xE, v1;
	_ =	sdelay $0x3  }
0x6a: {  	[tilespmem:v29+s15+$0x0] =	vst.idx.msk vm0, v3  }
0x6b: {  	v31 =	vor.u32 $0xE, v2;
	v3 =	vld.idx.msk [tilespmem:v30+s12+$0x0], vm0  }
0x6c: {  	v32 =	vor.u32 $0xF, v1;
	_ =	sdelay $0x3  }
0x6d: {  	[tilespmem:v31+s15+$0x0] =	vst.idx.msk vm0, v3  }
0x6e: {  	v33 =	vor.u32 $0xF, v2;
	v3 =	vld.idx.msk [tilespmem:v32+s12+$0x0], vm0  }
0x6f: {  	v34 =	vor.u32 $0x10, v1;
	_ =	sdelay $0x3  }
0x70: {  	[tilespmem:v33+s15+$0x0] =	vst.idx.msk vm0, v3  }
0x71: {  	v35 =	vor.u32 $0x10, v2;
	v3 =	vld.idx.msk [tilespmem:v34+s12+$0x0], vm0  }
0x72: {  	v36 =	vor.u32 $0x11, v1;
	_ =	sdelay $0x3  }
0x73: {  	[tilespmem:v35+s15+$0x0] =	vst.idx.msk vm0, v3  }
0x74: {  	v37 =	vor.u32 $0x11, v2;
	v3 =	vld.idx.msk [tilespmem:v36+s12+$0x0], vm0  }
0x75: {  	v38 =	vor.u32 $0x12, v1;
	_ =	sdelay $0x3  }
0x76: {  	[tilespmem:v37+s15+$0x0] =	vst.idx.msk vm0, v3  }
0x77: {  	v39 =	vor.u32 $0x12, v2;
	v3 =	vld.idx.msk [tilespmem:v38+s12+$0x0], vm0  }
0x78: {  	v40 =	vor.u32 $0x13, v1;
	_ =	sdelay $0x3  }
0x79: {  	[tilespmem:v39+s15+$0x0] =	vst.idx.msk vm0, v3  }
0x7a: {  	v41 =	vor.u32 $0x13, v2;
	v3 =	vld.idx.msk [tilespmem:v40+s12+$0x0], vm0  }
0x7b: {  	v42 =	vor.u32 $0x14, v1;
	_ =	sdelay $0x3  }
0x7c: {  	[tilespmem:v41+s15+$0x0] =	vst.idx.msk vm0, v3  }
0x7d: {  	v43 =	vor.u32 $0x14, v2;
	v3 =	vld.idx.msk [tilespmem:v42+s12+$0x0], vm0  }
0x7e: {  	v44 =	vor.u32 $0x15, v1;
	_ =	sdelay $0x3  }
0x7f: {  	[tilespmem:v43+s15+$0x0] =	vst.idx.msk vm0, v3  }
0x80: {  	v45 =	vor.u32 $0x15, v2;
	v3 =	vld.idx.msk [tilespmem:v44+s12+$0x0], vm0  }
0x81: {  	v46 =	vor.u32 $0x16, v1;
	_ =	sdelay $0x3  }
0x82: {  	[tilespmem:v45+s15+$0x0] =	vst.idx.msk vm0, v3  }
0x83: {  	v47 =	vor.u32 $0x16, v2;
	v3 =	vld.idx.msk [tilespmem:v46+s12+$0x0], vm0  }
0x84: {  	v48 =	vor.u32 $0x17, v1;
	_ =	sdelay $0x3  }
0x85: {  	[tilespmem:v47+s15+$0x0] =	vst.idx.msk vm0, v3  }
0x86: {  	v49 =	vor.u32 $0x17, v2;
	v3 =	vld.idx.msk [tilespmem:v48+s12+$0x0], vm0  }
0x87: {  	v50 =	vor.u32 $0x18, v1;
	_ =	sdelay $0x3  }
0x88: {  	[tilespmem:v49+s15+$0x0] =	vst.idx.msk vm0, v3  }
0x89: {  	v51 =	vor.u32 $0x18, v2;
	v3 =	vld.idx.msk [tilespmem:v50+s12+$0x0], vm0  }
0x8a: {  	v52 =	vor.u32 $0x19, v1;
	_ =	sdelay $0x3  }
0x8b: {  	[tilespmem:v51+s15+$0x0] =	vst.idx.msk vm0, v3  }
0x8c: {  	v53 =	vor.u32 $0x19, v2;
	v3 =	vld.idx.msk [tilespmem:v52+s12+$0x0], vm0  }
0x8d: {  	v54 =	vor.u32 $0x1A, v1;
	_ =	sdelay $0x3  }
0x8e: {  	[tilespmem:v53+s15+$0x0] =	vst.idx.msk vm0, v3  }
0x8f: {  	v55 =	vor.u32 $0x1A, v2;
	v3 =	vld.idx.msk [tilespmem:v54+s12+$0x0], vm0  }
0x90: {  	v56 =	vor.u32 $0x1B, v1;
	_ =	sdelay $0x3  }
0x91: {  	[tilespmem:v55+s15+$0x0] =	vst.idx.msk vm0, v3  }
0x92: {  	v57 =	vor.u32 $0x1B, v2;
	v3 =	vld.idx.msk [tilespmem:v56+s12+$0x0], vm0  }
0x93: {  	v58 =	vor.u32 $0x1C, v1;
	_ =	sdelay $0x3  }
0x94: {  	[tilespmem:v57+s15+$0x0] =	vst.idx.msk vm0, v3  }
0x95: {  	v59 =	vor.u32 $0x1C, v2;
	v3 =	vld.idx.msk [tilespmem:v58+s12+$0x0], vm0  }
0x96: {  	v60 =	vor.u32 $0x1D, v1;
	_ =	sdelay $0x3  }
0x97: {  	[tilespmem:v59+s15+$0x0] =	vst.idx.msk vm0, v3  }
0x98: {  	v61 =	vor.u32 $0x1D, v2;
	v3 =	vld.idx.msk [tilespmem:v60+s12+$0x0], vm0  }
0x99: {  	v62 =	vor.u32 $0x1E, v1;
	_ =	sdelay $0x3  }
0x9a: {  	[tilespmem:v61+s15+$0x0] =	vst.idx.msk vm0, v3  }
0x9b: {  	v63 =	vor.u32 $0x1E, v2;
	v3 =	vld.idx.msk [tilespmem:v62+s12+$0x0], vm0  }
0x9c: {  	v1 =	vor.u32 $0x1F, v1;
	_ =	sdelay $0x3  }
0x9d: {  	[tilespmem:v63+s15+$0x0] =	vst.idx.msk vm0, v3  }
0x9e: {  	v2 =	vor.u32 $0x1F, v2;
	v1 =	vld.idx.msk [tilespmem:v1+s12+$0x0], vm0  }
.Ltmp6:
0x9f: {  	_ = 	snop;
	(pc) =	sbr.rel .LBB2_6-.Ltmp6, $2  }
0xa0: {  	_ =	sdelay $0x2  }
0xa1: {  	[tilespmem:v2+s15+$0x0] =	vst.idx.msk vm0, v1  }
.LBB2_7:
0xa2: {  	s21 =	simm.s32 $0x0  }
0xa3: {  	[hbm4b:s6+s21] =	stream.linear.scatter [tilespmem:s15], [sflag:$0x2], $0xC800, $0x38;
	[tilespmem:$0x10200] =	vst v63  }
0xa4: {  	_ =	swait.ge [sflag:s11], $0xC800  }
0xa5: {  	[sflag:s11] =	ssyncset.done $0x0  }
.Ltmp7:
0xa6: {  	s22 =	simm.s32 $0x640;
	[sflag:s11] =	ssyncadd.s32 $0xFFFF3800;
	(pc) =	sbr.rel .LBB2_8-.Ltmp7, $4  }
0xa7: {  	[tilespmem:s15], [sflag:$0x1] =	stream.indirect.gather [hbm4b:s3+s22], $0x20, s17, s22, $0xb8;
	[tilespmem:$0x10200] =	vst v63  }
0xa8: {  	_ =	swait.ge [sflag:s16], $0xC800  }
0xa9: {  	[sflag:s16] =	ssyncset.done $0x0  }
0xaa: {  	[sflag:s16] =	ssyncadd.s32 $0xFFFF3800  }
.LBB2_10:
0xab: {  	s21 =	sadd.s32 $0x10, s21  }
0xac: {  	p0 =	sne.s32 s21, $0x640  }
.Ltmp8:
0xad: {  	_ = 	snop;
	(pc) =	sbr.rel @!p0 .LBB2_11-.Ltmp8, $2  }
0xae: {  	_ =	sdelay $0x2  }
0xaf: {  	s22 =	sadd.s32 $0x10, s22  }
.LBB2_8:
0xb0: {  	v1 =	vld [tilespmem:s22+$0x0];
	_ =	sdelay $0x4  }
0xb1: {  	vm0 =	vgt.s32 v1, $0xF41FF  }
0xb2: {  	v2 =	vmpcnt.ones.xlane vm0;
	_ =	sdelay $0x1  }
0xb3: {  	(v2sf) =	vpush v2, $0x0;
	_ =	sdelay $0xe  }
0xb4: {  	s23 =	spop (v2sf)  }
0xb5: {  	p0 =	slt.s32 s23, $0x1  }
.Ltmp9:
0xb6: {  	_ = 	snop;
	(pc) =	sbr.rel @p0 .LBB2_10-.Ltmp9, $1  }
0xb7: {  	_ =	sdelay $0x3  }
0xb8: {  	v1 =	vadd.s32 $0xFFF0BE00, v1  }
0xb9: {  	vm1 =	vgt.s32 v1, $0x0  }
0xba: {  	v1 =	vnsel vm1, $0x0, v1  }
0xbb: {  	v1 =	vshll.u32 v1, $0x5;
	_ =	sdelay $0x2  }
0xbc: {  	v2 =	vmov s21  }
0xbd: {  	v2 =	vshll.u32 v2, $0x5  }
0xbe: {  	v2 =	vor.u32 v0, v2;
	v3 =	vld.idx.msk [tilespmem:v1+s12+$0x0], vm0  }
0xbf: {  	v4 =	vor.u32 $0x1, v1;
	_ =	sdelay $0x3  }
0xc0: {  	[tilespmem:v2+s15+$0x0] =	vst.idx.msk vm0, v3  }
0xc1: {  	v62 =	vor.u32 $0x1, v2;
	v3 =	vld.idx.msk [tilespmem:v4+s12+$0x0], vm0  }
0xc2: {  	v5 =	vor.u32 $0x2, v1;
	_ =	sdelay $0x3  }
0xc3: {  	[tilespmem:v62+s15+$0x0] =	vst.idx.msk vm0, v3  }
0xc4: {  	v63 =	vor.u32 $0x2, v2;
	v3 =	vld.idx.msk [tilespmem:v5+s12+$0x0], vm0  }
0xc5: {  	v8 =	vor.u32 $0x3, v1;
	_ =	sdelay $0x3  }
0xc6: {  	[tilespmem:v63+s15+$0x0] =	vst.idx.msk vm0, v3  }
0xc7: {  	v9 =	vor.u32 $0x3, v2;
	v3 =	vld.idx.msk [tilespmem:v8+s12+$0x0], vm0  }
0xc8: {  	v10 =	vor.u32 $0x4, v1;
	_ =	sdelay $0x3  }
0xc9: {  	[tilespmem:v9+s15+$0x0] =	vst.idx.msk vm0, v3  }
0xca: {  	v11 =	vor.u32 $0x4, v2;
	v3 =	vld.idx.msk [tilespmem:v10+s12+$0x0], vm0  }
0xcb: {  	v12 =	vor.u32 $0x5, v1;
	_ =	sdelay $0x3  }
0xcc: {  	[tilespmem:v11+s15+$0x0] =	vst.idx.msk vm0, v3  }
0xcd: {  	v13 =	vor.u32 $0x5, v2;
	v3 =	vld.idx.msk [tilespmem:v12+s12+$0x0], vm0  }
0xce: {  	v14 =	vor.u32 $0x6, v1;
	_ =	sdelay $0x3  }
0xcf: {  	[tilespmem:v13+s15+$0x0] =	vst.idx.msk vm0, v3  }
0xd0: {  	v15 =	vor.u32 $0x6, v2;
	v3 =	vld.idx.msk [tilespmem:v14+s12+$0x0], vm0  }
0xd1: {  	v16 =	vor.u32 $0x7, v1;
	_ =	sdelay $0x3  }
0xd2: {  	[tilespmem:v15+s15+$0x0] =	vst.idx.msk vm0, v3  }
0xd3: {  	v17 =	vor.u32 $0x7, v2;
	v3 =	vld.idx.msk [tilespmem:v16+s12+$0x0], vm0  }
0xd4: {  	v18 =	vor.u32 $0x8, v1;
	_ =	sdelay $0x3  }
0xd5: {  	[tilespmem:v17+s15+$0x0] =	vst.idx.msk vm0, v3  }
0xd6: {  	v19 =	vor.u32 $0x8, v2;
	v3 =	vld.idx.msk [tilespmem:v18+s12+$0x0], vm0  }
0xd7: {  	v20 =	vor.u32 $0x9, v1;
	_ =	sdelay $0x3  }
0xd8: {  	[tilespmem:v19+s15+$0x0] =	vst.idx.msk vm0, v3  }
0xd9: {  	v21 =	vor.u32 $0x9, v2;
	v3 =	vld.idx.msk [tilespmem:v20+s12+$0x0], vm0  }
0xda: {  	v22 =	vor.u32 $0xA, v1;
	_ =	sdelay $0x3  }
0xdb: {  	[tilespmem:v21+s15+$0x0] =	vst.idx.msk vm0, v3  }
0xdc: {  	v23 =	vor.u32 $0xA, v2;
	v3 =	vld.idx.msk [tilespmem:v22+s12+$0x0], vm0  }
0xdd: {  	v24 =	vor.u32 $0xB, v1;
	_ =	sdelay $0x3  }
0xde: {  	[tilespmem:v23+s15+$0x0] =	vst.idx.msk vm0, v3  }
0xdf: {  	v25 =	vor.u32 $0xB, v2;
	v3 =	vld.idx.msk [tilespmem:v24+s12+$0x0], vm0  }
0xe0: {  	v26 =	vor.u32 $0xC, v1;
	_ =	sdelay $0x3  }
0xe1: {  	[tilespmem:v25+s15+$0x0] =	vst.idx.msk vm0, v3  }
0xe2: {  	v27 =	vor.u32 $0xC, v2;
	v3 =	vld.idx.msk [tilespmem:v26+s12+$0x0], vm0  }
0xe3: {  	v28 =	vor.u32 $0xD, v1;
	_ =	sdelay $0x3  }
0xe4: {  	[tilespmem:v27+s15+$0x0] =	vst.idx.msk vm0, v3  }
0xe5: {  	v29 =	vor.u32 $0xD, v2;
	v3 =	vld.idx.msk [tilespmem:v28+s12+$0x0], vm0  }
0xe6: {  	v30 =	vor.u32 $0xE, v1;
	_ =	sdelay $0x3  }
0xe7: {  	[tilespmem:v29+s15+$0x0] =	vst.idx.msk vm0, v3  }
0xe8: {  	v31 =	vor.u32 $0xE, v2;
	v3 =	vld.idx.msk [tilespmem:v30+s12+$0x0], vm0  }
0xe9: {  	v32 =	vor.u32 $0xF, v1;
	_ =	sdelay $0x3  }
0xea: {  	[tilespmem:v31+s15+$0x0] =	vst.idx.msk vm0, v3  }
0xeb: {  	v33 =	vor.u32 $0xF, v2;
	v3 =	vld.idx.msk [tilespmem:v32+s12+$0x0], vm0  }
0xec: {  	v34 =	vor.u32 $0x10, v1;
	_ =	sdelay $0x3  }
0xed: {  	[tilespmem:v33+s15+$0x0] =	vst.idx.msk vm0, v3  }
0xee: {  	v35 =	vor.u32 $0x10, v2;
	v3 =	vld.idx.msk [tilespmem:v34+s12+$0x0], vm0  }
0xef: {  	v36 =	vor.u32 $0x11, v1;
	_ =	sdelay $0x3  }
0xf0: {  	[tilespmem:v35+s15+$0x0] =	vst.idx.msk vm0, v3  }
0xf1: {  	v37 =	vor.u32 $0x11, v2;
	v3 =	vld.idx.msk [tilespmem:v36+s12+$0x0], vm0  }
0xf2: {  	v38 =	vor.u32 $0x12, v1;
	_ =	sdelay $0x3  }
0xf3: {  	[tilespmem:v37+s15+$0x0] =	vst.idx.msk vm0, v3  }
0xf4: {  	v39 =	vor.u32 $0x12, v2;
	v3 =	vld.idx.msk [tilespmem:v38+s12+$0x0], vm0  }
0xf5: {  	v40 =	vor.u32 $0x13, v1;
	_ =	sdelay $0x3  }
0xf6: {  	[tilespmem:v39+s15+$0x0] =	vst.idx.msk vm0, v3  }
0xf7: {  	v41 =	vor.u32 $0x13, v2;
	v3 =	vld.idx.msk [tilespmem:v40+s12+$0x0], vm0  }
0xf8: {  	v42 =	vor.u32 $0x14, v1;
	_ =	sdelay $0x3  }
0xf9: {  	[tilespmem:v41+s15+$0x0] =	vst.idx.msk vm0, v3  }
0xfa: {  	v43 =	vor.u32 $0x14, v2;
	v3 =	vld.idx.msk [tilespmem:v42+s12+$0x0], vm0  }
0xfb: {  	v44 =	vor.u32 $0x15, v1;
	_ =	sdelay $0x3  }
0xfc: {  	[tilespmem:v43+s15+$0x0] =	vst.idx.msk vm0, v3  }
0xfd: {  	v45 =	vor.u32 $0x15, v2;
	v3 =	vld.idx.msk [tilespmem:v44+s12+$0x0], vm0  }
0xfe: {  	v46 =	vor.u32 $0x16, v1;
	_ =	sdelay $0x3  }
0xff: {  	[tilespmem:v45+s15+$0x0] =	vst.idx.msk vm0, v3  }
0x100: {  	v47 =	vor.u32 $0x16, v2;
	v3 =	vld.idx.msk [tilespmem:v46+s12+$0x0], vm0  }
0x101: {  	v48 =	vor.u32 $0x17, v1;
	_ =	sdelay $0x3  }
0x102: {  	[tilespmem:v47+s15+$0x0] =	vst.idx.msk vm0, v3  }
0x103: {  	v49 =	vor.u32 $0x17, v2;
	v3 =	vld.idx.msk [tilespmem:v48+s12+$0x0], vm0  }
0x104: {  	v50 =	vor.u32 $0x18, v1;
	_ =	sdelay $0x3  }
0x105: {  	[tilespmem:v49+s15+$0x0] =	vst.idx.msk vm0, v3  }
0x106: {  	v51 =	vor.u32 $0x18, v2;
	v3 =	vld.idx.msk [tilespmem:v50+s12+$0x0], vm0  }
0x107: {  	v52 =	vor.u32 $0x19, v1;
	_ =	sdelay $0x3  }
0x108: {  	[tilespmem:v51+s15+$0x0] =	vst.idx.msk vm0, v3  }
0x109: {  	v53 =	vor.u32 $0x19, v2;
	v3 =	vld.idx.msk [tilespmem:v52+s12+$0x0], vm0  }
0x10a: {  	v54 =	vor.u32 $0x1A, v1;
	_ =	sdelay $0x3  }
0x10b: {  	[tilespmem:v53+s15+$0x0] =	vst.idx.msk vm0, v3  }
0x10c: {  	v55 =	vor.u32 $0x1A, v2;
	v3 =	vld.idx.msk [tilespmem:v54+s12+$0x0], vm0  }
0x10d: {  	v56 =	vor.u32 $0x1B, v1;
	_ =	sdelay $0x3  }
0x10e: {  	[tilespmem:v55+s15+$0x0] =	vst.idx.msk vm0, v3  }
0x10f: {  	v57 =	vor.u32 $0x1B, v2;
	v3 =	vld.idx.msk [tilespmem:v56+s12+$0x0], vm0  }
0x110: {  	v58 =	vor.u32 $0x1C, v1;
	_ =	sdelay $0x3  }
0x111: {  	[tilespmem:v57+s15+$0x0] =	vst.idx.msk vm0, v3  }
0x112: {  	v59 =	vor.u32 $0x1C, v2;
	v3 =	vld.idx.msk [tilespmem:v58+s12+$0x0], vm0  }
0x113: {  	v60 =	vor.u32 $0x1D, v1;
	_ =	sdelay $0x3  }
0x114: {  	[tilespmem:v59+s15+$0x0] =	vst.idx.msk vm0, v3  }
0x115: {  	v61 =	vor.u32 $0x1D, v2;
	v3 =	vld.idx.msk [tilespmem:v60+s12+$0x0], vm0  }
0x116: {  	v62 =	vor.u32 $0x1E, v1;
	_ =	sdelay $0x3  }
0x117: {  	[tilespmem:v61+s15+$0x0] =	vst.idx.msk vm0, v3  }
0x118: {  	v63 =	vor.u32 $0x1E, v2;
	v3 =	vld.idx.msk [tilespmem:v62+s12+$0x0], vm0  }
0x119: {  	v1 =	vor.u32 $0x1F, v1;
	_ =	sdelay $0x3  }
0x11a: {  	[tilespmem:v63+s15+$0x0] =	vst.idx.msk vm0, v3  }
0x11b: {  	v2 =	vor.u32 $0x1F, v2;
	v1 =	vld.idx.msk [tilespmem:v1+s12+$0x0], vm0  }
.Ltmp10:
0x11c: {  	_ = 	snop;
	(pc) =	sbr.rel .LBB2_10-.Ltmp10, $2  }
0x11d: {  	_ =	sdelay $0x2  }
0x11e: {  	[tilespmem:v2+s15+$0x0] =	vst.idx.msk vm0, v1  }
.LBB2_11:
0x11f: {  	s21 =	simm.s32 $0x0  }
0x120: {  	[hbm4b:s7+s21] =	stream.linear.scatter [tilespmem:s15], [sflag:$0x2], $0xC800, $0x38;
	[tilespmem:$0x10200] =	vst v63  }
0x121: {  	_ =	swait.ge [sflag:s11], $0xC800  }
0x122: {  	[sflag:s11] =	ssyncset.done $0x0  }
.Ltmp11:
0x123: {  	[sflag:s11] =	ssyncadd.s32 $0xFFFF3800;
	(pc) =	sbr.rel .LBB2_12-.Ltmp11, $4  }
0x124: {  	[tilespmem:s15], [sflag:$0x1] =	stream.indirect.gather [hbm4b:s3+s13], $0x20, s18, s13, $0xb8;
	[tilespmem:$0x10200] =	vst v63  }
0x125: {  	_ =	swait.ge [sflag:s16], $0xC800  }
0x126: {  	[sflag:s16] =	ssyncset.done $0x0  }
0x127: {  	s22 =	simm.s32 $0xC80;
	[sflag:s16] =	ssyncadd.s32 $0xFFFF3800  }
.LBB2_14:
0x128: {  	s21 =	sadd.s32 $0x10, s21  }
0x129: {  	p0 =	sne.s32 s21, $0x640  }
.Ltmp12:
0x12a: {  	_ = 	snop;
	(pc) =	sbr.rel @!p0 .LBB2_15-.Ltmp12, $2  }
0x12b: {  	_ =	sdelay $0x2  }
0x12c: {  	s22 =	sadd.s32 $0x10, s22  }
.LBB2_12:
0x12d: {  	v1 =	vld [tilespmem:s22+$0x0];
	_ =	sdelay $0x4  }
0x12e: {  	vm0 =	vgt.s32 v1, $0xF41FF  }
0x12f: {  	v2 =	vmpcnt.ones.xlane vm0;
	_ =	sdelay $0x1  }
0x130: {  	(v2sf) =	vpush v2, $0x0;
	_ =	sdelay $0xe  }
0x131: {  	s23 =	spop (v2sf)  }
0x132: {  	p0 =	slt.s32 s23, $0x1  }
.Ltmp13:
0x133: {  	_ = 	snop;
	(pc) =	sbr.rel @p0 .LBB2_14-.Ltmp13, $1  }
0x134: {  	_ =	sdelay $0x3  }
0x135: {  	v1 =	vadd.s32 $0xFFF0BE00, v1  }
0x136: {  	vm1 =	vgt.s32 v1, $0x0  }
0x137: {  	v1 =	vnsel vm1, $0x0, v1  }
0x138: {  	v1 =	vshll.u32 v1, $0x5;
	_ =	sdelay $0x2  }
0x139: {  	v2 =	vmov s21  }
0x13a: {  	v2 =	vshll.u32 v2, $0x5  }
0x13b: {  	v2 =	vor.u32 v0, v2;
	v3 =	vld.idx.msk [tilespmem:v1+s12+$0x0], vm0  }
0x13c: {  	v4 =	vor.u32 $0x1, v1;
	_ =	sdelay $0x3  }
0x13d: {  	[tilespmem:v2+s15+$0x0] =	vst.idx.msk vm0, v3  }
0x13e: {  	v62 =	vor.u32 $0x1, v2;
	v3 =	vld.idx.msk [tilespmem:v4+s12+$0x0], vm0  }
0x13f: {  	v5 =	vor.u32 $0x2, v1;
	_ =	sdelay $0x3  }
0x140: {  	[tilespmem:v62+s15+$0x0] =	vst.idx.msk vm0, v3  }
0x141: {  	v63 =	vor.u32 $0x2, v2;
	v3 =	vld.idx.msk [tilespmem:v5+s12+$0x0], vm0  }
0x142: {  	v8 =	vor.u32 $0x3, v1;
	_ =	sdelay $0x3  }
0x143: {  	[tilespmem:v63+s15+$0x0] =	vst.idx.msk vm0, v3  }
0x144: {  	v9 =	vor.u32 $0x3, v2;
	v3 =	vld.idx.msk [tilespmem:v8+s12+$0x0], vm0  }
0x145: {  	v10 =	vor.u32 $0x4, v1;
	_ =	sdelay $0x3  }
0x146: {  	[tilespmem:v9+s15+$0x0] =	vst.idx.msk vm0, v3  }
0x147: {  	v11 =	vor.u32 $0x4, v2;
	v3 =	vld.idx.msk [tilespmem:v10+s12+$0x0], vm0  }
0x148: {  	v12 =	vor.u32 $0x5, v1;
	_ =	sdelay $0x3  }
0x149: {  	[tilespmem:v11+s15+$0x0] =	vst.idx.msk vm0, v3  }
0x14a: {  	v13 =	vor.u32 $0x5, v2;
	v3 =	vld.idx.msk [tilespmem:v12+s12+$0x0], vm0  }
0x14b: {  	v14 =	vor.u32 $0x6, v1;
	_ =	sdelay $0x3  }
0x14c: {  	[tilespmem:v13+s15+$0x0] =	vst.idx.msk vm0, v3  }
0x14d: {  	v15 =	vor.u32 $0x6, v2;
	v3 =	vld.idx.msk [tilespmem:v14+s12+$0x0], vm0  }
0x14e: {  	v16 =	vor.u32 $0x7, v1;
	_ =	sdelay $0x3  }
0x14f: {  	[tilespmem:v15+s15+$0x0] =	vst.idx.msk vm0, v3  }
0x150: {  	v17 =	vor.u32 $0x7, v2;
	v3 =	vld.idx.msk [tilespmem:v16+s12+$0x0], vm0  }
0x151: {  	v18 =	vor.u32 $0x8, v1;
	_ =	sdelay $0x3  }
0x152: {  	[tilespmem:v17+s15+$0x0] =	vst.idx.msk vm0, v3  }
0x153: {  	v19 =	vor.u32 $0x8, v2;
	v3 =	vld.idx.msk [tilespmem:v18+s12+$0x0], vm0  }
0x154: {  	v20 =	vor.u32 $0x9, v1;
	_ =	sdelay $0x3  }
0x155: {  	[tilespmem:v19+s15+$0x0] =	vst.idx.msk vm0, v3  }
0x156: {  	v21 =	vor.u32 $0x9, v2;
	v3 =	vld.idx.msk [tilespmem:v20+s12+$0x0], vm0  }
0x157: {  	v22 =	vor.u32 $0xA, v1;
	_ =	sdelay $0x3  }
0x158: {  	[tilespmem:v21+s15+$0x0] =	vst.idx.msk vm0, v3  }
0x159: {  	v23 =	vor.u32 $0xA, v2;
	v3 =	vld.idx.msk [tilespmem:v22+s12+$0x0], vm0  }
0x15a: {  	v24 =	vor.u32 $0xB, v1;
	_ =	sdelay $0x3  }
0x15b: {  	[tilespmem:v23+s15+$0x0] =	vst.idx.msk vm0, v3  }
0x15c: {  	v25 =	vor.u32 $0xB, v2;
	v3 =	vld.idx.msk [tilespmem:v24+s12+$0x0], vm0  }
0x15d: {  	v26 =	vor.u32 $0xC, v1;
	_ =	sdelay $0x3  }
0x15e: {  	[tilespmem:v25+s15+$0x0] =	vst.idx.msk vm0, v3  }
0x15f: {  	v27 =	vor.u32 $0xC, v2;
	v3 =	vld.idx.msk [tilespmem:v26+s12+$0x0], vm0  }
0x160: {  	v28 =	vor.u32 $0xD, v1;
	_ =	sdelay $0x3  }
0x161: {  	[tilespmem:v27+s15+$0x0] =	vst.idx.msk vm0, v3  }
0x162: {  	v29 =	vor.u32 $0xD, v2;
	v3 =	vld.idx.msk [tilespmem:v28+s12+$0x0], vm0  }
0x163: {  	v30 =	vor.u32 $0xE, v1;
	_ =	sdelay $0x3  }
0x164: {  	[tilespmem:v29+s15+$0x0] =	vst.idx.msk vm0, v3  }
0x165: {  	v31 =	vor.u32 $0xE, v2;
	v3 =	vld.idx.msk [tilespmem:v30+s12+$0x0], vm0  }
0x166: {  	v32 =	vor.u32 $0xF, v1;
	_ =	sdelay $0x3  }
0x167: {  	[tilespmem:v31+s15+$0x0] =	vst.idx.msk vm0, v3  }
0x168: {  	v33 =	vor.u32 $0xF, v2;
	v3 =	vld.idx.msk [tilespmem:v32+s12+$0x0], vm0  }
0x169: {  	v34 =	vor.u32 $0x10, v1;
	_ =	sdelay $0x3  }
0x16a: {  	[tilespmem:v33+s15+$0x0] =	vst.idx.msk vm0, v3  }
0x16b: {  	v35 =	vor.u32 $0x10, v2;
	v3 =	vld.idx.msk [tilespmem:v34+s12+$0x0], vm0  }
0x16c: {  	v36 =	vor.u32 $0x11, v1;
	_ =	sdelay $0x3  }
0x16d: {  	[tilespmem:v35+s15+$0x0] =	vst.idx.msk vm0, v3  }
0x16e: {  	v37 =	vor.u32 $0x11, v2;
	v3 =	vld.idx.msk [tilespmem:v36+s12+$0x0], vm0  }
0x16f: {  	v38 =	vor.u32 $0x12, v1;
	_ =	sdelay $0x3  }
0x170: {  	[tilespmem:v37+s15+$0x0] =	vst.idx.msk vm0, v3  }
0x171: {  	v39 =	vor.u32 $0x12, v2;
	v3 =	vld.idx.msk [tilespmem:v38+s12+$0x0], vm0  }
0x172: {  	v40 =	vor.u32 $0x13, v1;
	_ =	sdelay $0x3  }
0x173: {  	[tilespmem:v39+s15+$0x0] =	vst.idx.msk vm0, v3  }
0x174: {  	v41 =	vor.u32 $0x13, v2;
	v3 =	vld.idx.msk [tilespmem:v40+s12+$0x0], vm0  }
0x175: {  	v42 =	vor.u32 $0x14, v1;
	_ =	sdelay $0x3  }
0x176: {  	[tilespmem:v41+s15+$0x0] =	vst.idx.msk vm0, v3  }
0x177: {  	v43 =	vor.u32 $0x14, v2;
	v3 =	vld.idx.msk [tilespmem:v42+s12+$0x0], vm0  }
0x178: {  	v44 =	vor.u32 $0x15, v1;
	_ =	sdelay $0x3  }
0x179: {  	[tilespmem:v43+s15+$0x0] =	vst.idx.msk vm0, v3  }
0x17a: {  	v45 =	vor.u32 $0x15, v2;
	v3 =	vld.idx.msk [tilespmem:v44+s12+$0x0], vm0  }
0x17b: {  	v46 =	vor.u32 $0x16, v1;
	_ =	sdelay $0x3  }
0x17c: {  	[tilespmem:v45+s15+$0x0] =	vst.idx.msk vm0, v3  }
0x17d: {  	v47 =	vor.u32 $0x16, v2;
	v3 =	vld.idx.msk [tilespmem:v46+s12+$0x0], vm0  }
0x17e: {  	v48 =	vor.u32 $0x17, v1;
	_ =	sdelay $0x3  }
0x17f: {  	[tilespmem:v47+s15+$0x0] =	vst.idx.msk vm0, v3  }
0x180: {  	v49 =	vor.u32 $0x17, v2;
	v3 =	vld.idx.msk [tilespmem:v48+s12+$0x0], vm0  }
0x181: {  	v50 =	vor.u32 $0x18, v1;
	_ =	sdelay $0x3  }
0x182: {  	[tilespmem:v49+s15+$0x0] =	vst.idx.msk vm0, v3  }
0x183: {  	v51 =	vor.u32 $0x18, v2;
	v3 =	vld.idx.msk [tilespmem:v50+s12+$0x0], vm0  }
0x184: {  	v52 =	vor.u32 $0x19, v1;
	_ =	sdelay $0x3  }
0x185: {  	[tilespmem:v51+s15+$0x0] =	vst.idx.msk vm0, v3  }
0x186: {  	v53 =	vor.u32 $0x19, v2;
	v3 =	vld.idx.msk [tilespmem:v52+s12+$0x0], vm0  }
0x187: {  	v54 =	vor.u32 $0x1A, v1;
	_ =	sdelay $0x3  }
0x188: {  	[tilespmem:v53+s15+$0x0] =	vst.idx.msk vm0, v3  }
0x189: {  	v55 =	vor.u32 $0x1A, v2;
	v3 =	vld.idx.msk [tilespmem:v54+s12+$0x0], vm0  }
0x18a: {  	v56 =	vor.u32 $0x1B, v1;
	_ =	sdelay $0x3  }
0x18b: {  	[tilespmem:v55+s15+$0x0] =	vst.idx.msk vm0, v3  }
0x18c: {  	v57 =	vor.u32 $0x1B, v2;
	v3 =	vld.idx.msk [tilespmem:v56+s12+$0x0], vm0  }
0x18d: {  	v58 =	vor.u32 $0x1C, v1;
	_ =	sdelay $0x3  }
0x18e: {  	[tilespmem:v57+s15+$0x0] =	vst.idx.msk vm0, v3  }
0x18f: {  	v59 =	vor.u32 $0x1C, v2;
	v3 =	vld.idx.msk [tilespmem:v58+s12+$0x0], vm0  }
0x190: {  	v60 =	vor.u32 $0x1D, v1;
	_ =	sdelay $0x3  }
0x191: {  	[tilespmem:v59+s15+$0x0] =	vst.idx.msk vm0, v3  }
0x192: {  	v61 =	vor.u32 $0x1D, v2;
	v3 =	vld.idx.msk [tilespmem:v60+s12+$0x0], vm0  }
0x193: {  	v62 =	vor.u32 $0x1E, v1;
	_ =	sdelay $0x3  }
0x194: {  	[tilespmem:v61+s15+$0x0] =	vst.idx.msk vm0, v3  }
0x195: {  	v63 =	vor.u32 $0x1E, v2;
	v3 =	vld.idx.msk [tilespmem:v62+s12+$0x0], vm0  }
0x196: {  	v1 =	vor.u32 $0x1F, v1;
	_ =	sdelay $0x3  }
0x197: {  	[tilespmem:v63+s15+$0x0] =	vst.idx.msk vm0, v3  }
0x198: {  	v2 =	vor.u32 $0x1F, v2;
	v1 =	vld.idx.msk [tilespmem:v1+s12+$0x0], vm0  }
.Ltmp14:
0x199: {  	_ = 	snop;
	(pc) =	sbr.rel .LBB2_14-.Ltmp14, $2  }
0x19a: {  	_ =	sdelay $0x2  }
0x19b: {  	[tilespmem:v2+s15+$0x0] =	vst.idx.msk vm0, v1  }
.LBB2_15:
0x19c: {  	s21 =	simm.s32 $0x0  }
0x19d: {  	[hbm4b:s8+s21] =	stream.linear.scatter [tilespmem:s15], [sflag:$0x2], $0xC800, $0x38;
	[tilespmem:$0x10200] =	vst v63  }
0x19e: {  	_ =	swait.ge [sflag:s11], $0xC800  }
0x19f: {  	[sflag:s11] =	ssyncset.done $0x0  }
.Ltmp15:
0x1a0: {  	[sflag:s11] =	ssyncadd.s32 $0xFFFF3800;
	(pc) =	sbr.rel .LBB2_16-.Ltmp15, $4  }
0x1a1: {  	[tilespmem:s15], [sflag:$0x1] =	stream.indirect.gather [hbm4b:s3+s13], $0x20, s19, s13, $0xb8;
	[tilespmem:$0x10200] =	vst v63  }
0x1a2: {  	_ =	swait.ge [sflag:s16], $0xC800  }
0x1a3: {  	[sflag:s16] =	ssyncset.done $0x0  }
0x1a4: {  	s22 =	simm.s32 $0x12C0;
	[sflag:s16] =	ssyncadd.s32 $0xFFFF3800  }
.LBB2_18:
0x1a5: {  	s21 =	sadd.s32 $0x10, s21  }
0x1a6: {  	p0 =	sne.s32 s21, $0x640  }
.Ltmp16:
0x1a7: {  	_ = 	snop;
	(pc) =	sbr.rel @!p0 .LBB2_19-.Ltmp16, $2  }
0x1a8: {  	_ =	sdelay $0x2  }
0x1a9: {  	s22 =	sadd.s32 $0x10, s22  }
.LBB2_16:
0x1aa: {  	v1 =	vld [tilespmem:s22+$0x0];
	_ =	sdelay $0x4  }
0x1ab: {  	vm0 =	vgt.s32 v1, $0xF41FF  }
0x1ac: {  	v2 =	vmpcnt.ones.xlane vm0;
	_ =	sdelay $0x1  }
0x1ad: {  	(v2sf) =	vpush v2, $0x0;
	_ =	sdelay $0xe  }
0x1ae: {  	s23 =	spop (v2sf)  }
0x1af: {  	p0 =	slt.s32 s23, $0x1  }
.Ltmp17:
0x1b0: {  	_ = 	snop;
	(pc) =	sbr.rel @p0 .LBB2_18-.Ltmp17, $1  }
0x1b1: {  	_ =	sdelay $0x3  }
0x1b2: {  	v1 =	vadd.s32 $0xFFF0BE00, v1  }
0x1b3: {  	vm1 =	vgt.s32 v1, $0x0  }
0x1b4: {  	v1 =	vnsel vm1, $0x0, v1  }
0x1b5: {  	v1 =	vshll.u32 v1, $0x5;
	_ =	sdelay $0x2  }
0x1b6: {  	v2 =	vmov s21  }
0x1b7: {  	v2 =	vshll.u32 v2, $0x5  }
0x1b8: {  	v2 =	vor.u32 v0, v2;
	v3 =	vld.idx.msk [tilespmem:v1+s12+$0x0], vm0  }
0x1b9: {  	v4 =	vor.u32 $0x1, v1;
	_ =	sdelay $0x3  }
0x1ba: {  	[tilespmem:v2+s15+$0x0] =	vst.idx.msk vm0, v3  }
0x1bb: {  	v62 =	vor.u32 $0x1, v2;
	v3 =	vld.idx.msk [tilespmem:v4+s12+$0x0], vm0  }
0x1bc: {  	v5 =	vor.u32 $0x2, v1;
	_ =	sdelay $0x3  }
0x1bd: {  	[tilespmem:v62+s15+$0x0] =	vst.idx.msk vm0, v3  }
0x1be: {  	v63 =	vor.u32 $0x2, v2;
	v3 =	vld.idx.msk [tilespmem:v5+s12+$0x0], vm0  }
0x1bf: {  	v8 =	vor.u32 $0x3, v1;
	_ =	sdelay $0x3  }
0x1c0: {  	[tilespmem:v63+s15+$0x0] =	vst.idx.msk vm0, v3  }
0x1c1: {  	v9 =	vor.u32 $0x3, v2;
	v3 =	vld.idx.msk [tilespmem:v8+s12+$0x0], vm0  }
0x1c2: {  	v10 =	vor.u32 $0x4, v1;
	_ =	sdelay $0x3  }
0x1c3: {  	[tilespmem:v9+s15+$0x0] =	vst.idx.msk vm0, v3  }
0x1c4: {  	v11 =	vor.u32 $0x4, v2;
	v3 =	vld.idx.msk [tilespmem:v10+s12+$0x0], vm0  }
0x1c5: {  	v12 =	vor.u32 $0x5, v1;
	_ =	sdelay $0x3  }
0x1c6: {  	[tilespmem:v11+s15+$0x0] =	vst.idx.msk vm0, v3  }
0x1c7: {  	v13 =	vor.u32 $0x5, v2;
	v3 =	vld.idx.msk [tilespmem:v12+s12+$0x0], vm0  }
0x1c8: {  	v14 =	vor.u32 $0x6, v1;
	_ =	sdelay $0x3  }
0x1c9: {  	[tilespmem:v13+s15+$0x0] =	vst.idx.msk vm0, v3  }
0x1ca: {  	v15 =	vor.u32 $0x6, v2;
	v3 =	vld.idx.msk [tilespmem:v14+s12+$0x0], vm0  }
0x1cb: {  	v16 =	vor.u32 $0x7, v1;
	_ =	sdelay $0x3  }
0x1cc: {  	[tilespmem:v15+s15+$0x0] =	vst.idx.msk vm0, v3  }
0x1cd: {  	v17 =	vor.u32 $0x7, v2;
	v3 =	vld.idx.msk [tilespmem:v16+s12+$0x0], vm0  }
0x1ce: {  	v18 =	vor.u32 $0x8, v1;
	_ =	sdelay $0x3  }
0x1cf: {  	[tilespmem:v17+s15+$0x0] =	vst.idx.msk vm0, v3  }
0x1d0: {  	v19 =	vor.u32 $0x8, v2;
	v3 =	vld.idx.msk [tilespmem:v18+s12+$0x0], vm0  }
0x1d1: {  	v20 =	vor.u32 $0x9, v1;
	_ =	sdelay $0x3  }
0x1d2: {  	[tilespmem:v19+s15+$0x0] =	vst.idx.msk vm0, v3  }
0x1d3: {  	v21 =	vor.u32 $0x9, v2;
	v3 =	vld.idx.msk [tilespmem:v20+s12+$0x0], vm0  }
0x1d4: {  	v22 =	vor.u32 $0xA, v1;
	_ =	sdelay $0x3  }
0x1d5: {  	[tilespmem:v21+s15+$0x0] =	vst.idx.msk vm0, v3  }
0x1d6: {  	v23 =	vor.u32 $0xA, v2;
	v3 =	vld.idx.msk [tilespmem:v22+s12+$0x0], vm0  }
0x1d7: {  	v24 =	vor.u32 $0xB, v1;
	_ =	sdelay $0x3  }
0x1d8: {  	[tilespmem:v23+s15+$0x0] =	vst.idx.msk vm0, v3  }
0x1d9: {  	v25 =	vor.u32 $0xB, v2;
	v3 =	vld.idx.msk [tilespmem:v24+s12+$0x0], vm0  }
0x1da: {  	v26 =	vor.u32 $0xC, v1;
	_ =	sdelay $0x3  }
0x1db: {  	[tilespmem:v25+s15+$0x0] =	vst.idx.msk vm0, v3  }
0x1dc: {  	v27 =	vor.u32 $0xC, v2;
	v3 =	vld.idx.msk [tilespmem:v26+s12+$0x0], vm0  }
0x1dd: {  	v28 =	vor.u32 $0xD, v1;
	_ =	sdelay $0x3  }
0x1de: {  	[tilespmem:v27+s15+$0x0] =	vst.idx.msk vm0, v3  }
0x1df: {  	v29 =	vor.u32 $0xD, v2;
	v3 =	vld.idx.msk [tilespmem:v28+s12+$0x0], vm0  }
0x1e0: {  	v30 =	vor.u32 $0xE, v1;
	_ =	sdelay $0x3  }
0x1e1: {  	[tilespmem:v29+s15+$0x0] =	vst.idx.msk vm0, v3  }
0x1e2: {  	v31 =	vor.u32 $0xE, v2;
	v3 =	vld.idx.msk [tilespmem:v30+s12+$0x0], vm0  }
0x1e3: {  	v32 =	vor.u32 $0xF, v1;
	_ =	sdelay $0x3  }
0x1e4: {  	[tilespmem:v31+s15+$0x0] =	vst.idx.msk vm0, v3  }
0x1e5: {  	v33 =	vor.u32 $0xF, v2;
	v3 =	vld.idx.msk [tilespmem:v32+s12+$0x0], vm0  }
0x1e6: {  	v34 =	vor.u32 $0x10, v1;
	_ =	sdelay $0x3  }
0x1e7: {  	[tilespmem:v33+s15+$0x0] =	vst.idx.msk vm0, v3  }
0x1e8: {  	v35 =	vor.u32 $0x10, v2;
	v3 =	vld.idx.msk [tilespmem:v34+s12+$0x0], vm0  }
0x1e9: {  	v36 =	vor.u32 $0x11, v1;
	_ =	sdelay $0x3  }
0x1ea: {  	[tilespmem:v35+s15+$0x0] =	vst.idx.msk vm0, v3  }
0x1eb: {  	v37 =	vor.u32 $0x11, v2;
	v3 =	vld.idx.msk [tilespmem:v36+s12+$0x0], vm0  }
0x1ec: {  	v38 =	vor.u32 $0x12, v1;
	_ =	sdelay $0x3  }
0x1ed: {  	[tilespmem:v37+s15+$0x0] =	vst.idx.msk vm0, v3  }
0x1ee: {  	v39 =	vor.u32 $0x12, v2;
	v3 =	vld.idx.msk [tilespmem:v38+s12+$0x0], vm0  }
0x1ef: {  	v40 =	vor.u32 $0x13, v1;
	_ =	sdelay $0x3  }
0x1f0: {  	[tilespmem:v39+s15+$0x0] =	vst.idx.msk vm0, v3  }
0x1f1: {  	v41 =	vor.u32 $0x13, v2;
	v3 =	vld.idx.msk [tilespmem:v40+s12+$0x0], vm0  }
0x1f2: {  	v42 =	vor.u32 $0x14, v1;
	_ =	sdelay $0x3  }
0x1f3: {  	[tilespmem:v41+s15+$0x0] =	vst.idx.msk vm0, v3  }
0x1f4: {  	v43 =	vor.u32 $0x14, v2;
	v3 =	vld.idx.msk [tilespmem:v42+s12+$0x0], vm0  }
0x1f5: {  	v44 =	vor.u32 $0x15, v1;
	_ =	sdelay $0x3  }
0x1f6: {  	[tilespmem:v43+s15+$0x0] =	vst.idx.msk vm0, v3  }
0x1f7: {  	v45 =	vor.u32 $0x15, v2;
	v3 =	vld.idx.msk [tilespmem:v44+s12+$0x0], vm0  }
0x1f8: {  	v46 =	vor.u32 $0x16, v1;
	_ =	sdelay $0x3  }
0x1f9: {  	[tilespmem:v45+s15+$0x0] =	vst.idx.msk vm0, v3  }
0x1fa: {  	v47 =	vor.u32 $0x16, v2;
	v3 =	vld.idx.msk [tilespmem:v46+s12+$0x0], vm0  }
0x1fb: {  	v48 =	vor.u32 $0x17, v1;
	_ =	sdelay $0x3  }
0x1fc: {  	[tilespmem:v47+s15+$0x0] =	vst.idx.msk vm0, v3  }
0x1fd: {  	v49 =	vor.u32 $0x17, v2;
	v3 =	vld.idx.msk [tilespmem:v48+s12+$0x0], vm0  }
0x1fe: {  	v50 =	vor.u32 $0x18, v1;
	_ =	sdelay $0x3  }
0x1ff: {  	[tilespmem:v49+s15+$0x0] =	vst.idx.msk vm0, v3  }
0x200: {  	v51 =	vor.u32 $0x18, v2;
	v3 =	vld.idx.msk [tilespmem:v50+s12+$0x0], vm0  }
0x201: {  	v52 =	vor.u32 $0x19, v1;
	_ =	sdelay $0x3  }
0x202: {  	[tilespmem:v51+s15+$0x0] =	vst.idx.msk vm0, v3  }
0x203: {  	v53 =	vor.u32 $0x19, v2;
	v3 =	vld.idx.msk [tilespmem:v52+s12+$0x0], vm0  }
0x204: {  	v54 =	vor.u32 $0x1A, v1;
	_ =	sdelay $0x3  }
0x205: {  	[tilespmem:v53+s15+$0x0] =	vst.idx.msk vm0, v3  }
0x206: {  	v55 =	vor.u32 $0x1A, v2;
	v3 =	vld.idx.msk [tilespmem:v54+s12+$0x0], vm0  }
0x207: {  	v56 =	vor.u32 $0x1B, v1;
	_ =	sdelay $0x3  }
0x208: {  	[tilespmem:v55+s15+$0x0] =	vst.idx.msk vm0, v3  }
0x209: {  	v57 =	vor.u32 $0x1B, v2;
	v3 =	vld.idx.msk [tilespmem:v56+s12+$0x0], vm0  }
0x20a: {  	v58 =	vor.u32 $0x1C, v1;
	_ =	sdelay $0x3  }
0x20b: {  	[tilespmem:v57+s15+$0x0] =	vst.idx.msk vm0, v3  }
0x20c: {  	v59 =	vor.u32 $0x1C, v2;
	v3 =	vld.idx.msk [tilespmem:v58+s12+$0x0], vm0  }
0x20d: {  	v60 =	vor.u32 $0x1D, v1;
	_ =	sdelay $0x3  }
0x20e: {  	[tilespmem:v59+s15+$0x0] =	vst.idx.msk vm0, v3  }
0x20f: {  	v61 =	vor.u32 $0x1D, v2;
	v3 =	vld.idx.msk [tilespmem:v60+s12+$0x0], vm0  }
0x210: {  	v62 =	vor.u32 $0x1E, v1;
	_ =	sdelay $0x3  }
0x211: {  	[tilespmem:v61+s15+$0x0] =	vst.idx.msk vm0, v3  }
0x212: {  	v63 =	vor.u32 $0x1E, v2;
	v3 =	vld.idx.msk [tilespmem:v62+s12+$0x0], vm0  }
0x213: {  	v1 =	vor.u32 $0x1F, v1;
	_ =	sdelay $0x3  }
0x214: {  	[tilespmem:v63+s15+$0x0] =	vst.idx.msk vm0, v3  }
0x215: {  	v2 =	vor.u32 $0x1F, v2;
	v1 =	vld.idx.msk [tilespmem:v1+s12+$0x0], vm0  }
.Ltmp18:
0x216: {  	_ = 	snop;
	(pc) =	sbr.rel .LBB2_18-.Ltmp18, $2  }
0x217: {  	_ =	sdelay $0x2  }
0x218: {  	[tilespmem:v2+s15+$0x0] =	vst.idx.msk vm0, v1  }
.LBB2_20:
0x219: {  	_ =	sfence.sel $0x180000  }
0x21a: {  	[bflag:$0x0] =	sbarrier.arrive $0xFFFF  }
0x21b: {  	p0 =	sne.s32 s0, $0x0;
	_ =	strace $0x9000004A  }
0x21c: {  	s0 =	sadd.s32 @!p0 $0x100000, s1;
	[bflag:$0x2] =	sbarrier.arrive $0xFFFF  }
0x21d: {  	[sflag:s0] =	ssyncadd.tile.s32 @!p0 $0x1;
	_ =	shalt  }
.Lfunc_end2:
_tile_overlayer_lowered:
.L_overlay_start_2:
0x21e: {  	(tag) =	ssettag $0x2  }
0x21f: {  	s0 =	rddreg [dreg:$0x0];
	s2 =	stileid.u32  }
0x220: {  	s1 =	rddreg [dreg:$0x1];
	p0 =	sne.s32 s2, $0x0  }
0x221: {  	s3 =	rddreg [dreg:$0x2];
	[bflag:$0x3] =	sbarrier.arrive $0xFFFF;
	s2 =	simm.s32 @!p0 $0x1C02  }
0x222: {  	[timem:s3], [sflag:s2] =	dma.local @!p0 [hbm:s0], s1  }
0x223: {  	s0 =	simm.s32 @!p0 $0x2  }
0x224: {  	_ =	swait.ge @!p0 [sflag:s0], s1  }
0x225: {  	s1 =	ssub.s32 @!p0 $0x0, s1;
	[sflag:s0] =	ssyncset.done @!p0 $0x0  }
0x226: {  	[sflag:s0] =	ssyncadd.s32 @!p0 s1  }
0x227: {  	[bflag:$0x3] =	sbarrier.arrive $0xFFFF  }
0x228: {  	_ =	shalt  }

</sc_bundles>
